<compile_context>
chip_gen: v7x
topology: tpu7x:2x2x1
jax: 0.10.2.dev20260603
libtpu: 0.0.44.dev20260713+nightly
codegen_flags: <defaults>
</compile_context>

<pallas_src>
import functools

import jax
import jax.numpy as jnp
from jax import lax
from jax.experimental import pallas as pl
from jax.experimental.pallas import tpu as pltpu
from jax.experimental.pallas import tpu_sc as plsc

N_NODES = 10000
N_EDGES = 320000
D_IN = 128
D_HID = 128
N_CLASSES = 64

NPAD = 10240
NC = 2
NS = 16
NW = NC * NS
EPAD = 327680
EPW = EPAD // NW
CH = 128
NCHUNK = EPW // CH
RPT = NPAD // NS

_MESH = plsc.VectorSubcoreMesh(
    core_axis_name="c", subcore_axis_name="s", num_cores=NC, num_subcores=NS
)

_F32 = jnp.float32


def _zv():
    return jnp.zeros((16,), _F32)


def _deg_body(src_hbm, dst_hbm, out_hbm, is0, is1, id0, id1, ones_v, zbuf,
              deg_s, deg_d, ss0, ss1, sd0, sd1):
    c = lax.axis_index("c")
    s = lax.axis_index("s")
    for j in range(CH // 16):
        ones_v[pl.ds(j * 16, 16)] = jnp.ones((16,), _F32)
    for j in range(RPT // 16):
        zbuf[pl.ds(j * 16, 16)] = _zv()
    zoff = pl.multiple_of(s * RPT, 8)
    pltpu.sync_copy(zbuf, deg_s.at[pl.ds(zoff, RPT)])
    pltpu.sync_copy(zbuf, deg_d.at[pl.ds(zoff, RPT)])
    plsc.subcore_barrier()
    ebase = pl.multiple_of((c * NS + s) * EPW, 8)

    pltpu.async_copy(src_hbm.at[pl.ds(ebase, CH)], is0, ss0)
    pltpu.async_copy(dst_hbm.at[pl.ds(ebase, CH)], id0, sd0)
    pltpu.async_copy(src_hbm.at[pl.ds(pl.multiple_of(ebase + CH, 8), CH)], is1, ss1)
    pltpu.async_copy(dst_hbm.at[pl.ds(pl.multiple_of(ebase + CH, 8), CH)], id1, sd1)

    def body(i, carry):
        a = 2 * i
        n0 = pl.multiple_of(ebase + ((a + 2) % NCHUNK) * CH, 8)
        n1 = pl.multiple_of(ebase + ((a + 3) % NCHUNK) * CH, 8)
        pltpu.make_async_copy(src_hbm.at[pl.ds(ebase, CH)], is0, ss0).wait()
        pltpu.sync_copy(ones_v, deg_s.at[is0], add=True)
        pltpu.async_copy(src_hbm.at[pl.ds(n0, CH)], is0, ss0)
        pltpu.make_async_copy(dst_hbm.at[pl.ds(ebase, CH)], id0, sd0).wait()
        pltpu.sync_copy(ones_v, deg_d.at[id0], add=True)
        pltpu.async_copy(dst_hbm.at[pl.ds(n0, CH)], id0, sd0)
        pltpu.make_async_copy(src_hbm.at[pl.ds(ebase, CH)], is1, ss1).wait()
        pltpu.sync_copy(ones_v, deg_s.at[is1], add=True)
        pltpu.async_copy(src_hbm.at[pl.ds(n1, CH)], is1, ss1)
        pltpu.make_async_copy(dst_hbm.at[pl.ds(ebase, CH)], id1, sd1).wait()
        pltpu.sync_copy(ones_v, deg_d.at[id1], add=True)
        pltpu.async_copy(dst_hbm.at[pl.ds(n1, CH)], id1, sd1)
        return carry

    lax.fori_loop(0, NCHUNK // 2, body, 0)
    pltpu.make_async_copy(src_hbm.at[pl.ds(ebase, CH)], is0, ss0).wait()
    pltpu.make_async_copy(dst_hbm.at[pl.ds(ebase, CH)], id0, sd0).wait()
    pltpu.make_async_copy(src_hbm.at[pl.ds(ebase, CH)], is1, ss1).wait()
    pltpu.make_async_copy(dst_hbm.at[pl.ds(ebase, CH)], id1, sd1).wait()
    plsc.subcore_barrier()
    pltpu.sync_copy(deg_s.at[pl.ds(zoff, RPT)], out_hbm.at[c, 0, pl.ds(zoff, RPT)])
    pltpu.sync_copy(deg_d.at[pl.ds(zoff, RPT)], out_hbm.at[c, 1, pl.ds(zoff, RPT)])


_deg_call = pl.kernel(
    _deg_body,
    out_type=jax.ShapeDtypeStruct((NC, 2, NPAD), _F32),
    mesh=_MESH,
    scratch_types=[
        pltpu.VMEM((CH,), jnp.int32),
        pltpu.VMEM((CH,), jnp.int32),
        pltpu.VMEM((CH,), jnp.int32),
        pltpu.VMEM((CH,), jnp.int32),
        pltpu.VMEM((CH,), _F32),
        pltpu.VMEM((RPT,), _F32),
        pltpu.VMEM_SHARED((NPAD,), _F32),
        pltpu.VMEM_SHARED((NPAD,), _F32),
        pltpu.SemaphoreType.DMA,
        pltpu.SemaphoreType.DMA,
        pltpu.SemaphoreType.DMA,
        pltpu.SemaphoreType.DMA,
    ],
)


def _make_agg(d):
    def _agg_body(p_hbm, src_hbm, dst_hbm, out_hbm, idx_sf,
                  idxb0, idxb1, rows0, rows1, agg_sh,
                  sem0, sem1, ism0, ism1):
        c = lax.axis_index("c")
        s = lax.axis_index("s")
        idxb = [idxb0, idxb1]
        rows = [rows0, rows1]
        sem = [sem0, sem1]
        ism = [ism0, ism1]
        DEPTH = 2

        def zbody(r, carry):
            for k in range(d // 16):
                rows0[r, pl.ds(k * 16, 16)] = _zv()
            return carry

        lax.fori_loop(0, CH, zbody, 0)
        for t in range(RPT // CH):
            roff = pl.multiple_of(s * RPT + t * CH, 8)
            pltpu.sync_copy(rows0, agg_sh.at[pl.ds(roff, CH)])

        ebase = pl.multiple_of((c * NS + s) * EPW, 8)
        pltpu.sync_copy(src_hbm.at[pl.ds(ebase, EPW)], idx_sf)
        plsc.subcore_barrier()

        for k in range(DEPTH):
            o = pl.multiple_of(k * CH, 8)
            pltpu.async_copy(p_hbm.at[idx_sf.at[pl.ds(o, CH)]], rows[k], sem[k])
            pltpu.async_copy(
                dst_hbm.at[pl.ds(pl.multiple_of(ebase + o, 8), CH)], idxb[k], ism[k])

        def body(i, carry):
            a = DEPTH * i
            for k in range(DEPTH):
                o = pl.multiple_of((a + k) * CH, 8)
                n = pl.multiple_of(((a + k + DEPTH) % NCHUNK) * CH, 8)
                pltpu.make_async_copy(
                    dst_hbm.at[pl.ds(ebase, CH)], idxb[k], ism[k]).wait()
                pltpu.make_async_copy(
                    p_hbm.at[idx_sf.at[pl.ds(o, CH)]], rows[k], sem[k]).wait()
                pltpu.sync_copy(rows[k], agg_sh.at[idxb[k]], add=True)
                pltpu.async_copy(p_hbm.at[idx_sf.at[pl.ds(n, CH)]], rows[k], sem[k])
                pltpu.async_copy(
                    dst_hbm.at[pl.ds(pl.multiple_of(ebase + n, 8), CH)], idxb[k], ism[k])
            return carry

        lax.fori_loop(0, NCHUNK // DEPTH, body, 0)
        for k in range(DEPTH):
            o = pl.multiple_of(k * CH, 8)
            pltpu.make_async_copy(p_hbm.at[idx_sf.at[pl.ds(o, CH)]], rows[k], sem[k]).wait()
            pltpu.make_async_copy(dst_hbm.at[pl.ds(ebase, CH)], idxb[k], ism[k]).wait()
        plsc.subcore_barrier()
        roff = pl.multiple_of(s * RPT, 8)
        pltpu.sync_copy(agg_sh.at[pl.ds(roff, RPT)], out_hbm.at[c, pl.ds(roff, RPT)])

    return pl.kernel(
        _agg_body,
        out_type=jax.ShapeDtypeStruct((NC, NPAD, d), _F32),
        mesh=_MESH,
        scratch_types=[
            pltpu.VMEM((EPW,), jnp.int32),
            pltpu.VMEM((CH,), jnp.int32),
            pltpu.VMEM((CH,), jnp.int32),
            pltpu.VMEM((CH, d), _F32),
            pltpu.VMEM((CH, d), _F32),
            pltpu.VMEM_SHARED((NPAD, d), _F32),
            pltpu.SemaphoreType.DMA,
            pltpu.SemaphoreType.DMA,
            pltpu.SemaphoreType.DMA,
            pltpu.SemaphoreType.DMA,
        ],
    )


_agg128 = _make_agg(D_HID)

BR = 1024


def _norm(d0, d1):
    deg = d0 + d1
    return lax.rsqrt(jnp.where(deg > 0.0, deg, 1.0))


def _scale_mm_body(x_ref, w_ref, d0_ref, d1_ref, o_ref):
    ns = _norm(d0_ref[...], d1_ref[...])
    o_ref[...] = jnp.dot(x_ref[...], w_ref[...], preferred_element_type=_F32) * ns


def _mid_body(p_ref, dd0_ref, dd1_ref, b1_ref, w2_ref, ds0_ref, ds1_ref, o_ref):
    nd = _norm(dd0_ref[...], dd1_ref[...])
    h = jnp.maximum((p_ref[0] + p_ref[1]) * nd + b1_ref[...], 0.0)
    ns = _norm(ds0_ref[...], ds1_ref[...])
    o_ref[...] = jnp.dot(h, w2_ref[...], preferred_element_type=_F32) * ns


def _fin_body(p_ref, dd0_ref, dd1_ref, b2_ref, o_ref):
    nd = _norm(dd0_ref[...], dd1_ref[...])
    o_ref[...] = (p_ref[0, :, :N_CLASSES] + p_ref[1, :, :N_CLASSES]) * nd + b2_ref[...]


def _col_spec():
    return pl.BlockSpec((BR, 1), lambda i: (i, 0))


def _row_spec(d):
    return pl.BlockSpec((BR, d), lambda i: (i, 0))


def _full_spec(a, b):
    return pl.BlockSpec((a, b), lambda i: (0, 0))


def _scale_mm(x, w, d0, d1):
    d = w.shape[1]
    return pl.pallas_call(
        _scale_mm_body,
        grid=(NPAD // BR,),
        in_specs=[_row_spec(x.shape[1]), _full_spec(*w.shape), _col_spec(), _col_spec()],
        out_specs=_row_spec(d),
        out_shape=jax.ShapeDtypeStruct((NPAD, d), _F32),
    )(x, w, d0, d1)


def _parts_spec(d, br):
    return pl.BlockSpec((NC, br, d), lambda i: (0, i, 0))


def _mid(parts, dd0, dd1, b1, w2, ds0, ds1):
    dout = w2.shape[1]
    return pl.pallas_call(
        _mid_body,
        grid=(NPAD // BR,),
        in_specs=[
            _parts_spec(D_HID, BR), _col_spec(), _col_spec(),
            _full_spec(1, D_HID), _full_spec(D_HID, dout), _col_spec(), _col_spec(),
        ],
        out_specs=_row_spec(dout),
        out_shape=jax.ShapeDtypeStruct((NPAD, dout), _F32),
    )(parts, dd0, dd1, b1, w2, ds0, ds1)


BRF = 1000


def _fin(parts, dd0, dd1, b2):
    return pl.pallas_call(
        _fin_body,
        grid=(N_NODES // BRF,),
        in_specs=[
            _parts_spec(D_HID, BRF),
            pl.BlockSpec((BRF, 1), lambda i: (i, 0)),
            pl.BlockSpec((BRF, 1), lambda i: (i, 0)),
            _full_spec(1, N_CLASSES),
        ],
        out_specs=pl.BlockSpec((BRF, N_CLASSES), lambda i: (i, 0)),
        out_shape=jax.ShapeDtypeStruct((N_NODES, N_CLASSES), _F32),
    )(parts, dd0, dd1, b2)


def kernel(inputs, edge_index, W1, b1, W2, b2):
    x = jnp.pad(inputs, ((0, NPAD - N_NODES), (0, 0)))
    npd = EPAD - N_EDGES
    pad = N_NODES + jax.lax.iota(jnp.int32, npd) % (NPAD - N_NODES)
    src = jnp.concatenate([edge_index[0], pad])
    dst = jnp.concatenate([edge_index[1], pad])

    deg = _deg_call(src, dst)
    d_s = deg[:, 0, :].reshape(NC, NPAD, 1)
    d_d = deg[:, 1, :].reshape(NC, NPAD, 1)

    p1 = _scale_mm(x, W1, d_s[0], d_s[1])
    parts1 = _agg128(p1, src, dst)
    w2p = jnp.pad(W2, ((0, 0), (0, D_HID - N_CLASSES)))
    p2 = _mid(parts1, d_d[0], d_d[1],
              b1.reshape(1, D_HID), w2p, d_s[0], d_s[1])
    parts2 = _agg128(p2, src, dst)
    return _fin(parts2, d_d[0], d_d[1], b2.reshape(1, N_CLASSES))

# --- scband reference (transcript-rebuilt; emitter-appended) ---
"""Pipeline reference for scband-gcn-20452634263628 (READ-ONLY COPY).

The authoritative reference and input builder live on the scoring server;
editing this copy changes nothing except your own understanding.
"""

import jax, jax.numpy as jnp
import numpy as np

N_NODES = 10000
N_EDGES = 320000
D_IN = 128
D_HID = 128
N_CLASSES = 64


def setup_inputs(seed: int = 0) -> dict:
    key = jax.random.key(seed)
    k1, k2, k3, k4, k5, k6 = jax.random.split(key, 6)
    inputs = jax.random.normal(k1, (N_NODES, D_IN), dtype=jnp.float32)
    edge_index = jax.random.randint(k2, (2, N_EDGES), 0, N_NODES, dtype=jnp.int32)
    # GraphConv params: input layer (D_IN -> D_HID), output layer (D_HID -> N_CLASSES)
    W1 = jax.random.normal(k3, (D_IN, D_HID), dtype=jnp.float32) * (1.0 / np.sqrt(D_IN))
    b1 = jnp.zeros((D_HID,), dtype=jnp.float32)
    W2 = jax.random.normal(k4, (D_HID, N_CLASSES), dtype=jnp.float32) * (1.0 / np.sqrt(D_HID))
    b2 = jnp.zeros((N_CLASSES,), dtype=jnp.float32)
    return {"inputs": inputs, "edge_index": edge_index, "W1": W1, "b1": b1, "W2": W2, "b2": b2}


def _graph_conv(x, edge_index, W, b):
    # DGL-style GraphConv with norm='both': D_out^{-1/2} A D_in^{-1/2} X W + b
    n = x.shape[0]
    src = edge_index[0]
    dst = edge_index[1]
    deg_out = jnp.zeros((n,), dtype=x.dtype).at[src].add(1.0)
    deg_in = jnp.zeros((n,), dtype=x.dtype).at[dst].add(1.0)
    norm_src = jnp.where(deg_out > 0, deg_out, 1.0) ** -0.5
    norm_dst = jnp.where(deg_in > 0, deg_in, 1.0) ** -0.5
    h = x * norm_src[:, None]
    msgs = jnp.take(h, src, axis=0)
    agg = jnp.zeros((n, x.shape[1]), dtype=x.dtype).at[dst].add(msgs)
    agg = agg * norm_dst[:, None]
    return agg @ W + b


def reference(inputs, edge_index, W1, b1, W2, b2):
    # GCN.forward: h = relu(input_conv(g, x)); out = output_conv(g, h)
    h = jax.nn.relu(_graph_conv(inputs, edge_index, W1, b1))
    out = _graph_conv(h, edge_index, W2, b2)
    return out

if __name__ == "__main__":
    import jax
    _d = setup_inputs()
    print(jax.jit(kernel)(*tuple(_d.values())))

</pallas_src>

<mosaic_0001>
#map = affine_map<(d0, d1) -> (0, 0)>
#map1 = affine_map<(d0, d1) -> (0)>
#map2 = affine_map<(d0, d1) -> (0, 0, 0)>
module attributes {stable_mosaic.version = 14 : i64} {
  func.func @_agg_body(%arg0: i32, %arg1: i32, %arg2: memref<10240x128xf32, #tpu.memory_space<hbm>>, %arg3: memref<327680xi32, #tpu.memory_space<hbm>>, %arg4: memref<327680xi32, #tpu.memory_space<hbm>>, %arg5: memref<2x10240x128xf32, #tpu.memory_space<hbm>>, %arg6: memref<10240xi32, #tpu.memory_space<vmem>>, %arg7: memref<128xi32, #tpu.memory_space<vmem>>, %arg8: memref<128xi32, #tpu.memory_space<vmem>>, %arg9: memref<128x128xf32, #tpu.memory_space<vmem>>, %arg10: memref<128x128xf32, #tpu.memory_space<vmem>>, %arg11: memref<10240x128xf32, #tpu.memory_space<vmem_shared>>, %arg12: memref<!tpu.dma_semaphore, #tpu.memory_space<semaphore_mem>>, %arg13: memref<!tpu.dma_semaphore, #tpu.memory_space<semaphore_mem>>, %arg14: memref<!tpu.dma_semaphore, #tpu.memory_space<semaphore_mem>>, %arg15: memref<!tpu.dma_semaphore, #tpu.memory_space<semaphore_mem>>) attributes {dimension_semantics = [#tpu.dimension_semantics<core_parallel>, #tpu.dimension_semantics<subcore_parallel>], iteration_bounds = array<i64: 2, 16>, scalar_prefetch = 0 : i64, scratch_operands = 10 : i64, tpu.core_type = #tpu.core_type<sc_vector_subcore>, window_params = [{transform_indices = #map}, {transform_indices = #map1}, {transform_indices = #map1}, {transform_indices = #map2}]} {
    %scan3A = arith.constant 0 : i32
    %scan3A_0 = arith.constant 0 : i32
    %scan3A_1 = arith.constant 128 : i32
    %scan3A_2 = arith.addi %scan3A_0, %scan3A_1 : i32
    %scan3A_3 = arith.constant 1 : i32
    scf.for %scan3A_77 = %scan3A_0 to %scan3A_2 step %scan3A_3  : i32 {
      %broadcast_in_dim3A = arith.constant 0.000000e+00 : f32
      %broadcast_in_dim3A_78 = vector.broadcast %broadcast_in_dim3A : f32 to vector<16xf32>
      %swap3A = arith.index_cast %scan3A_77 : i32 to index
      %swap3A_79 = arith.constant 0 : index
      %swap3A_80 = tpu.vector_load %arg9[%swap3A, %swap3A_79] {strides = array<i32>} : memref<128x128xf32, #tpu.memory_space<vmem>>, vector<1x16xf32>,
      %swap3A_81 = vector.shape_cast %swap3A_80 : vector<1x16xf32> to vector<16xf32>
      %swap3A_82 = vector.shape_cast %broadcast_in_dim3A_78 : vector<16xf32> to vector<1x16xf32>
      tpu.vector_store %arg9[%swap3A, %swap3A_79], %swap3A_82 {strides = array<i32>} : memref<128x128xf32, #tpu.memory_space<vmem>>, vector<1x16xf32>,
      %broadcast_in_dim3A_83 = arith.constant 0.000000e+00 : f32
      %broadcast_in_dim3A_84 = vector.broadcast %broadcast_in_dim3A_83 : f32 to vector<16xf32>
      %swap3A_85 = arith.index_cast %scan3A_77 : i32 to index
      %swap3A_86 = arith.constant 16 : index
      %swap3A_87 = tpu.vector_load %arg9[%swap3A_85, %swap3A_86] {strides = array<i32>} : memref<128x128xf32, #tpu.memory_space<vmem>>, vector<1x16xf32>,
      %swap3A_88 = vector.shape_cast %swap3A_87 : vector<1x16xf32> to vector<16xf32>
      %swap3A_89 = vector.shape_cast %broadcast_in_dim3A_84 : vector<16xf32> to vector<1x16xf32>
      tpu.vector_store %arg9[%swap3A_85, %swap3A_86], %swap3A_89 {strides = array<i32>} : memref<128x128xf32, #tpu.memory_space<vmem>>, vector<1x16xf32>,
      %broadcast_in_dim3A_90 = arith.constant 0.000000e+00 : f32
      %broadcast_in_dim3A_91 = vector.broadcast %broadcast_in_dim3A_90 : f32 to vector<16xf32>
      %swap3A_92 = arith.index_cast %scan3A_77 : i32 to index
      %swap3A_93 = arith.constant 32 : index
      %swap3A_94 = tpu.vector_load %arg9[%swap3A_92, %swap3A_93] {strides = array<i32>} : memref<128x128xf32, #tpu.memory_space<vmem>>, vector<1x16xf32>,
      %swap3A_95 = vector.shape_cast %swap3A_94 : vector<1x16xf32> to vector<16xf32>
      %swap3A_96 = vector.shape_cast %broadcast_in_dim3A_91 : vector<16xf32> to vector<1x16xf32>
      tpu.vector_store %arg9[%swap3A_92, %swap3A_93], %swap3A_96 {strides = array<i32>} : memref<128x128xf32, #tpu.memory_space<vmem>>, vector<1x16xf32>,
      %broadcast_in_dim3A_97 = arith.constant 0.000000e+00 : f32
      %broadcast_in_dim3A_98 = vector.broadcast %broadcast_in_dim3A_97 : f32 to vector<16xf32>
      %swap3A_99 = arith.index_cast %scan3A_77 : i32 to index
      %swap3A_100 = arith.constant 48 : index
      %swap3A_101 = tpu.vector_load %arg9[%swap3A_99, %swap3A_100] {strides = array<i32>} : memref<128x128xf32, #tpu.memory_space<vmem>>, vector<1x16xf32>,
      %swap3A_102 = vector.shape_cast %swap3A_101 : vector<1x16xf32> to vector<16xf32>
      %swap3A_103 = vector.shape_cast %broadcast_in_dim3A_98 : vector<16xf32> to vector<1x16xf32>
      tpu.vector_store %arg9[%swap3A_99, %swap3A_100], %swap3A_103 {strides = array<i32>} : memref<128x128xf32, #tpu.memory_space<vmem>>, vector<1x16xf32>,
      %broadcast_in_dim3A_104 = arith.constant 0.000000e+00 : f32
      %broadcast_in_dim3A_105 = vector.broadcast %broadcast_in_dim3A_104 : f32 to vector<16xf32>
      %swap3A_106 = arith.index_cast %scan3A_77 : i32 to index
      %swap3A_107 = arith.constant 64 : index
      %swap3A_108 = tpu.vector_load %arg9[%swap3A_106, %swap3A_107] {strides = array<i32>} : memref<128x128xf32, #tpu.memory_space<vmem>>, vector<1x16xf32>,
      %swap3A_109 = vector.shape_cast %swap3A_108 : vector<1x16xf32> to vector<16xf32>
      %swap3A_110 = vector.shape_cast %broadcast_in_dim3A_105 : vector<16xf32> to vector<1x16xf32>
      tpu.vector_store %arg9[%swap3A_106, %swap3A_107], %swap3A_110 {strides = array<i32>} : memref<128x128xf32, #tpu.memory_space<vmem>>, vector<1x16xf32>,
      %broadcast_in_dim3A_111 = arith.constant 0.000000e+00 : f32
      %broadcast_in_dim3A_112 = vector.broadcast %broadcast_in_dim3A_111 : f32 to vector<16xf32>
      %swap3A_113 = arith.index_cast %scan3A_77 : i32 to index
      %swap3A_114 = arith.constant 80 : index
      %swap3A_115 = tpu.vector_load %arg9[%swap3A_113, %swap3A_114] {strides = array<i32>} : memref<128x128xf32, #tpu.memory_space<vmem>>, vector<1x16xf32>,
      %swap3A_116 = vector.shape_cast %swap3A_115 : vector<1x16xf32> to vector<16xf32>
      %swap3A_117 = vector.shape_cast %broadcast_in_dim3A_112 : vector<16xf32> to vector<1x16xf32>
      tpu.vector_store %arg9[%swap3A_113, %swap3A_114], %swap3A_117 {strides = array<i32>} : memref<128x128xf32, #tpu.memory_space<vmem>>, vector<1x16xf32>,
      %broadcast_in_dim3A_118 = arith.constant 0.000000e+00 : f32
      %broadcast_in_dim3A_119 = vector.broadcast %broadcast_in_dim3A_118 : f32 to vector<16xf32>
      %swap3A_120 = arith.index_cast %scan3A_77 : i32 to index
      %swap3A_121 = arith.constant 96 : index
      %swap3A_122 = tpu.vector_load %arg9[%swap3A_120, %swap3A_121] {strides = array<i32>} : memref<128x128xf32, #tpu.memory_space<vmem>>, vector<1x16xf32>,
      %swap3A_123 = vector.shape_cast %swap3A_122 : vector<1x16xf32> to vector<16xf32>
      %swap3A_124 = vector.shape_cast %broadcast_in_dim3A_119 : vector<16xf32> to vector<1x16xf32>
      tpu.vector_store %arg9[%swap3A_120, %swap3A_121], %swap3A_124 {strides = array<i32>} : memref<128x128xf32, #tpu.memory_space<vmem>>, vector<1x16xf32>,
      %broadcast_in_dim3A_125 = arith.constant 0.000000e+00 : f32
      %broadcast_in_dim3A_126 = vector.broadcast %broadcast_in_dim3A_125 : f32 to vector<16xf32>
      %swap3A_127 = arith.index_cast %scan3A_77 : i32 to index
      %swap3A_128 = arith.constant 112 : index
      %swap3A_129 = tpu.vector_load %arg9[%swap3A_127, %swap3A_128] {strides = array<i32>} : memref<128x128xf32, #tpu.memory_space<vmem>>, vector<1x16xf32>,
      %swap3A_130 = vector.shape_cast %swap3A_129 : vector<1x16xf32> to vector<16xf32>
      %swap3A_131 = vector.shape_cast %broadcast_in_dim3A_126 : vector<16xf32> to vector<1x16xf32>
      tpu.vector_store %arg9[%swap3A_127, %swap3A_128], %swap3A_131 {strides = array<i32>} : memref<128x128xf32, #tpu.memory_space<vmem>>, vector<1x16xf32>,
    }
    %scan3A_4 = arith.constant 128 : i32
    %mul3A = arith.constant 640 : i32
    %mul3A_5 = arith.muli %arg1, %mul3A : i32
    %add3A = arith.constant 0 : i32
    %add3A_6 = arith.addi %mul3A_5, %add3A : i32
    %multiple_of3A = tpu.assume_multiple %add3A_6, 8 : i32
    "tpu.region"() ({
      %run_scoped3A = tpu.sem_alloc : memref<!tpu.dma_semaphore, #tpu.memory_space<semaphore_mem>>
      %dma_start3A_77 = arith.constant 0 : i32
      %dma_start3A_78 = tpu.memref_slice %arg11[%multiple_of3A, %dma_start3A_77] : memref<10240x128xf32, #tpu.memory_space<vmem_shared>> -> memref<128x128xf32, #tpu.memory_space<vmem_shared>>
      %dma_start3A_79 = arith.constant 0 : i32
      %dma_start3A_80 = tpu.memref_slice %arg11[%multiple_of3A, %dma_start3A_79] : memref<10240x128xf32, #tpu.memory_space<vmem_shared>> -> memref<128x128xf32, #tpu.memory_space<vmem_shared>>
      tpu.enqueue_dma source(%arg9 : memref<128x128xf32, #tpu.memory_space<vmem>>) target(%dma_start3A_80 : memref<128x128xf32, #tpu.memory_space<vmem_shared>>) target_semaphore(%run_scoped3A : memref<!tpu.dma_semaphore, #tpu.memory_space<semaphore_mem>>)
      %dma_wait3A_81 = arith.constant 0 : i32
      %dma_wait3A_82 = tpu.memref_slice %arg11[%multiple_of3A, %dma_wait3A_81] : memref<10240x128xf32, #tpu.memory_space<vmem_shared>> -> memref<128x128xf32, #tpu.memory_space<vmem_shared>>
      %dma_wait3A_83 = arith.constant 0 : i32
      %dma_wait3A_84 = tpu.memref_slice %arg11[%multiple_of3A, %dma_wait3A_83] : memref<10240x128xf32, #tpu.memory_space<vmem_shared>> -> memref<128x128xf32, #tpu.memory_space<vmem_shared>>
      tpu.wait_dma2 semaphore(%run_scoped3A : memref<!tpu.dma_semaphore, #tpu.memory_space<semaphore_mem>>) src(%arg9 : memref<128x128xf32, #tpu.memory_space<vmem>>) dst(%dma_wait3A_84 : memref<128x128xf32, #tpu.memory_space<vmem_shared>>)
      tpu.yield
    }) : () -> ()
    %mul3A_7 = arith.constant 640 : i32
    %mul3A_8 = arith.muli %arg1, %mul3A_7 : i32
    %add3A_9 = arith.constant 128 : i32
    %add3A_10 = arith.addi %mul3A_8, %add3A_9 : i32
    %multiple_of3A_11 = tpu.assume_multiple %add3A_10, 8 : i32
    "tpu.region"() ({
      %run_scoped3A = tpu.sem_alloc : memref<!tpu.dma_semaphore, #tpu.memory_space<semaphore_mem>>
      %dma_start3A_77 = arith.constant 0 : i32
      %dma_start3A_78 = tpu.memref_slice %arg11[%multiple_of3A_11, %dma_start3A_77] : memref<10240x128xf32, #tpu.memory_space<vmem_shared>> -> memref<128x128xf32, #tpu.memory_space<vmem_shared>>
      %dma_start3A_79 = arith.constant 0 : i32
      %dma_start3A_80 = tpu.memref_slice %arg11[%multiple_of3A_11, %dma_start3A_79] : memref<10240x128xf32, #tpu.memory_space<vmem_shared>> -> memref<128x128xf32, #tpu.memory_space<vmem_shared>>
      tpu.enqueue_dma source(%arg9 : memref<128x128xf32, #tpu.memory_space<vmem>>) target(%dma_start3A_80 : memref<128x128xf32, #tpu.memory_space<vmem_shared>>) target_semaphore(%run_scoped3A : memref<!tpu.dma_semaphore, #tpu.memory_space<semaphore_mem>>)
      %dma_wait3A_81 = arith.constant 0 : i32
      %dma_wait3A_82 = tpu.memref_slice %arg11[%multiple_of3A_11, %dma_wait3A_81] : memref<10240x128xf32, #tpu.memory_space<vmem_shared>> -> memref<128x128xf32, #tpu.memory_space<vmem_shared>>
      %dma_wait3A_83 = arith.constant 0 : i32
      %dma_wait3A_84 = tpu.memref_slice %arg11[%multiple_of3A_11, %dma_wait3A_83] : memref<10240x128xf32, #tpu.memory_space<vmem_shared>> -> memref<128x128xf32, #tpu.memory_space<vmem_shared>>
      tpu.wait_dma2 semaphore(%run_scoped3A : memref<!tpu.dma_semaphore, #tpu.memory_space<semaphore_mem>>) src(%arg9 : memref<128x128xf32, #tpu.memory_space<vmem>>) dst(%dma_wait3A_84 : memref<128x128xf32, #tpu.memory_space<vmem_shared>>)
      tpu.yield
    }) : () -> ()
    %mul3A_12 = arith.constant 640 : i32
    %mul3A_13 = arith.muli %arg1, %mul3A_12 : i32
    %add3A_14 = arith.constant 256 : i32
    %add3A_15 = arith.addi %mul3A_13, %add3A_14 : i32
    %multiple_of3A_16 = tpu.assume_multiple %add3A_15, 8 : i32
    "tpu.region"() ({
      %run_scoped3A = tpu.sem_alloc : memref<!tpu.dma_semaphore, #tpu.memory_space<semaphore_mem>>
      %dma_start3A_77 = arith.constant 0 : i32
      %dma_start3A_78 = tpu.memref_slice %arg11[%multiple_of3A_16, %dma_start3A_77] : memref<10240x128xf32, #tpu.memory_space<vmem_shared>> -> memref<128x128xf32, #tpu.memory_space<vmem_shared>>
      %dma_start3A_79 = arith.constant 0 : i32
      %dma_start3A_80 = tpu.memref_slice %arg11[%multiple_of3A_16, %dma_start3A_79] : memref<10240x128xf32, #tpu.memory_space<vmem_shared>> -> memref<128x128xf32, #tpu.memory_space<vmem_shared>>
      tpu.enqueue_dma source(%arg9 : memref<128x128xf32, #tpu.memory_space<vmem>>) target(%dma_start3A_80 : memref<128x128xf32, #tpu.memory_space<vmem_shared>>) target_semaphore(%run_scoped3A : memref<!tpu.dma_semaphore, #tpu.memory_space<semaphore_mem>>)
      %dma_wait3A_81 = arith.constant 0 : i32
      %dma_wait3A_82 = tpu.memref_slice %arg11[%multiple_of3A_16, %dma_wait3A_81] : memref<10240x128xf32, #tpu.memory_space<vmem_shared>> -> memref<128x128xf32, #tpu.memory_space<vmem_shared>>
      %dma_wait3A_83 = arith.constant 0 : i32
      %dma_wait3A_84 = tpu.memref_slice %arg11[%multiple_of3A_16, %dma_wait3A_83] : memref<10240x128xf32, #tpu.memory_space<vmem_shared>> -> memref<128x128xf32, #tpu.memory_space<vmem_shared>>
      tpu.wait_dma2 semaphore(%run_scoped3A : memref<!tpu.dma_semaphore, #tpu.memory_space<semaphore_mem>>) src(%arg9 : memref<128x128xf32, #tpu.memory_space<vmem>>) dst(%dma_wait3A_84 : memref<128x128xf32, #tpu.memory_space<vmem_shared>>)
      tpu.yield
    }) : () -> ()
    %mul3A_17 = arith.constant 640 : i32
    %mul3A_18 = arith.muli %arg1, %mul3A_17 : i32
    %add3A_19 = arith.constant 384 : i32
    %add3A_20 = arith.addi %mul3A_18, %add3A_19 : i32
    %multiple_of3A_21 = tpu.assume_multiple %add3A_20, 8 : i32
    "tpu.region"() ({
      %run_scoped3A = tpu.sem_alloc : memref<!tpu.dma_semaphore, #tpu.memory_space<semaphore_mem>>
      %dma_start3A_77 = arith.constant 0 : i32
      %dma_start3A_78 = tpu.memref_slice %arg11[%multiple_of3A_21, %dma_start3A_77] : memref<10240x128xf32, #tpu.memory_space<vmem_shared>> -> memref<128x128xf32, #tpu.memory_space<vmem_shared>>
      %dma_start3A_79 = arith.constant 0 : i32
      %dma_start3A_80 = tpu.memref_slice %arg11[%multiple_of3A_21, %dma_start3A_79] : memref<10240x128xf32, #tpu.memory_space<vmem_shared>> -> memref<128x128xf32, #tpu.memory_space<vmem_shared>>
      tpu.enqueue_dma source(%arg9 : memref<128x128xf32, #tpu.memory_space<vmem>>) target(%dma_start3A_80 : memref<128x128xf32, #tpu.memory_space<vmem_shared>>) target_semaphore(%run_scoped3A : memref<!tpu.dma_semaphore, #tpu.memory_space<semaphore_mem>>)
      %dma_wait3A_81 = arith.constant 0 : i32
      %dma_wait3A_82 = tpu.memref_slice %arg11[%multiple_of3A_21, %dma_wait3A_81] : memref<10240x128xf32, #tpu.memory_space<vmem_shared>> -> memref<128x128xf32, #tpu.memory_space<vmem_shared>>
      %dma_wait3A_83 = arith.constant 0 : i32
      %dma_wait3A_84 = tpu.memref_slice %arg11[%multiple_of3A_21, %dma_wait3A_83] : memref<10240x128xf32, #tpu.memory_space<vmem_shared>> -> memref<128x128xf32, #tpu.memory_space<vmem_shared>>
      tpu.wait_dma2 semaphore(%run_scoped3A : memref<!tpu.dma_semaphore, #tpu.memory_space<semaphore_mem>>) src(%arg9 : memref<128x128xf32, #tpu.memory_space<vmem>>) dst(%dma_wait3A_84 : memref<128x128xf32, #tpu.memory_space<vmem_shared>>)
      tpu.yield
    }) : () -> ()
    %mul3A_22 = arith.constant 640 : i32
    %mul3A_23 = arith.muli %arg1, %mul3A_22 : i32
    %add3A_24 = arith.constant 512 : i32
    %add3A_25 = arith.addi %mul3A_23, %add3A_24 : i32
    %multiple_of3A_26 = tpu.assume_multiple %add3A_25, 8 : i32
    "tpu.region"() ({
      %run_scoped3A = tpu.sem_alloc : memref<!tpu.dma_semaphore, #tpu.memory_space<semaphore_mem>>
      %dma_start3A_77 = arith.constant 0 : i32
      %dma_start3A_78 = tpu.memref_slice %arg11[%multiple_of3A_26, %dma_start3A_77] : memref<10240x128xf32, #tpu.memory_space<vmem_shared>> -> memref<128x128xf32, #tpu.memory_space<vmem_shared>>
      %dma_start3A_79 = arith.constant 0 : i32
      %dma_start3A_80 = tpu.memref_slice %arg11[%multiple_of3A_26, %dma_start3A_79] : memref<10240x128xf32, #tpu.memory_space<vmem_shared>> -> memref<128x128xf32, #tpu.memory_space<vmem_shared>>
      tpu.enqueue_dma source(%arg9 : memref<128x128xf32, #tpu.memory_space<vmem>>) target(%dma_start3A_80 : memref<128x128xf32, #tpu.memory_space<vmem_shared>>) target_semaphore(%run_scoped3A : memref<!tpu.dma_semaphore, #tpu.memory_space<semaphore_mem>>)
      %dma_wait3A_81 = arith.constant 0 : i32
      %dma_wait3A_82 = tpu.memref_slice %arg11[%multiple_of3A_26, %dma_wait3A_81] : memref<10240x128xf32, #tpu.memory_space<vmem_shared>> -> memref<128x128xf32, #tpu.memory_space<vmem_shared>>
      %dma_wait3A_83 = arith.constant 0 : i32
      %dma_wait3A_84 = tpu.memref_slice %arg11[%multiple_of3A_26, %dma_wait3A_83] : memref<10240x128xf32, #tpu.memory_space<vmem_shared>> -> memref<128x128xf32, #tpu.memory_space<vmem_shared>>
      tpu.wait_dma2 semaphore(%run_scoped3A : memref<!tpu.dma_semaphore, #tpu.memory_space<semaphore_mem>>) src(%arg9 : memref<128x128xf32, #tpu.memory_space<vmem>>) dst(%dma_wait3A_84 : memref<128x128xf32, #tpu.memory_space<vmem_shared>>)
      tpu.yield
    }) : () -> ()
    %mul3A_27 = arith.constant 16 : i32
    %mul3A_28 = arith.muli %arg0, %mul3A_27 : i32
    %add3A_29 = arith.addi %mul3A_28, %arg1 : i32
    %mul3A_30 = arith.constant 10240 : i32
    %mul3A_31 = arith.muli %add3A_29, %mul3A_30 : i32
    %multiple_of3A_32 = tpu.assume_multiple %mul3A_31, 8 : i32
    "tpu.region"() ({
      %run_scoped3A = tpu.sem_alloc : memref<!tpu.dma_semaphore, #tpu.memory_space<semaphore_mem>>
      %dma_start3A_77 = tpu.memref_slice %arg3[%multiple_of3A_32] : memref<327680xi32, #tpu.memory_space<hbm>> -> memref<10240xi32, #tpu.memory_space<hbm>>
      %dma_start3A_78 = tpu.memref_slice %arg3[%multiple_of3A_32] : memref<327680xi32, #tpu.memory_space<hbm>> -> memref<10240xi32, #tpu.memory_space<hbm>>
      tpu.enqueue_dma source(%dma_start3A_78 : memref<10240xi32, #tpu.memory_space<hbm>>) target(%arg6 : memref<10240xi32, #tpu.memory_space<vmem>>) target_semaphore(%run_scoped3A : memref<!tpu.dma_semaphore, #tpu.memory_space<semaphore_mem>>)
      %dma_wait3A_79 = tpu.memref_slice %arg3[%multiple_of3A_32] : memref<327680xi32, #tpu.memory_space<hbm>> -> memref<10240xi32, #tpu.memory_space<hbm>>
      %dma_wait3A_80 = tpu.memref_slice %arg3[%multiple_of3A_32] : memref<327680xi32, #tpu.memory_space<hbm>> -> memref<10240xi32, #tpu.memory_space<hbm>>
      tpu.wait_dma2 semaphore(%run_scoped3A : memref<!tpu.dma_semaphore, #tpu.memory_space<semaphore_mem>>) src(%dma_wait3A_80 : memref<10240xi32, #tpu.memory_space<hbm>>) dst(%arg6 : memref<10240xi32, #tpu.memory_space<vmem>>)
      tpu.yield
    }) : () -> ()
    %barrier3A = arith.constant 0 : index
    tpu.barrier barrier_id(%barrier3A)
    %multiple_of3A_33 = arith.constant 0 : i32
    %multiple_of3A_34 = tpu.assume_multiple %multiple_of3A_33, 8 : i32
    %dma_start3A = tpu.memref_slice %arg6[%multiple_of3A_34] : memref<10240xi32, #tpu.memory_space<vmem>> -> memref<128xi32, #tpu.memory_space<vmem>>
    %dma_start3A_35 = arith.constant 0 : i32
    %dma_start3A_36 = arith.constant 0 : i32
    %dma_start3A_37 = tpu.memref_slice %arg2[%dma_start3A_35, %dma_start3A_36] : memref<10240x128xf32, #tpu.memory_space<hbm>> -> memref<10240x128xf32, #tpu.memory_space<hbm>>
    tpu.enqueue_indirect_dma source(%dma_start3A_37 : memref<10240x128xf32, #tpu.memory_space<hbm>>) target(%arg9 : memref<128x128xf32, #tpu.memory_space<vmem>>) offsets(%dma_start3A : memref<128xi32, #tpu.memory_space<vmem>>) semaphore(%arg12 : memref<!tpu.dma_semaphore, #tpu.memory_space<semaphore_mem>>)
    %add3A_38 = arith.addi %multiple_of3A_32, %multiple_of3A_34 : i32
    %multiple_of3A_39 = tpu.assume_multiple %add3A_38, 8 : i32
    %dma_start3A_40 = tpu.memref_slice %arg4[%multiple_of3A_39] : memref<327680xi32, #tpu.memory_space<hbm>> -> memref<128xi32, #tpu.memory_space<hbm>>
    %dma_start3A_41 = tpu.memref_slice %arg4[%multiple_of3A_39] : memref<327680xi32, #tpu.memory_space<hbm>> -> memref<128xi32, #tpu.memory_space<hbm>>
    tpu.enqueue_dma source(%dma_start3A_41 : memref<128xi32, #tpu.memory_space<hbm>>) target(%arg7 : memref<128xi32, #tpu.memory_space<vmem>>) target_semaphore(%arg14 : memref<!tpu.dma_semaphore, #tpu.memory_space<semaphore_mem>>)
    %multiple_of3A_42 = arith.constant 128 : i32
    %multiple_of3A_43 = tpu.assume_multiple %multiple_of3A_42, 8 : i32
    %dma_start3A_44 = tpu.memref_slice %arg6[%multiple_of3A_43] : memref<10240xi32, #tpu.memory_space<vmem>> -> memref<128xi32, #tpu.memory_space<vmem>>
    %dma_start3A_45 = arith.constant 0 : i32
    %dma_start3A_46 = arith.constant 0 : i32
    %dma_start3A_47 = tpu.memref_slice %arg2[%dma_start3A_45, %dma_start3A_46] : memref<10240x128xf32, #tpu.memory_space<hbm>> -> memref<10240x128xf32, #tpu.memory_space<hbm>>
    tpu.enqueue_indirect_dma source(%dma_start3A_47 : memref<10240x128xf32, #tpu.memory_space<hbm>>) target(%arg10 : memref<128x128xf32, #tpu.memory_space<vmem>>) offsets(%dma_start3A_44 : memref<128xi32, #tpu.memory_space<vmem>>) semaphore(%arg13 : memref<!tpu.dma_semaphore, #tpu.memory_space<semaphore_mem>>)
    %add3A_48 = arith.addi %multiple_of3A_32, %multiple_of3A_43 : i32
    %multiple_of3A_49 = tpu.assume_multiple %add3A_48, 8 : i32
    %dma_start3A_50 = tpu.memref_slice %arg4[%multiple_of3A_49] : memref<327680xi32, #tpu.memory_space<hbm>> -> memref<128xi32, #tpu.memory_space<hbm>>
    %dma_start3A_51 = tpu.memref_slice %arg4[%multiple_of3A_49] : memref<327680xi32, #tpu.memory_space<hbm>> -> memref<128xi32, #tpu.memory_space<hbm>>
    tpu.enqueue_dma source(%dma_start3A_51 : memref<128xi32, #tpu.memory_space<hbm>>) target(%arg8 : memref<128xi32, #tpu.memory_space<vmem>>) target_semaphore(%arg15 : memref<!tpu.dma_semaphore, #tpu.memory_space<semaphore_mem>>)
    %scan3A_52 = arith.constant 0 : i32
    %scan3A_53 = arith.constant 0 : i32
    %scan3A_54 = arith.constant 40 : i32
    %scan3A_55 = arith.addi %scan3A_53, %scan3A_54 : i32
    %scan3A_56 = arith.constant 1 : i32
    scf.for %scan3A_77 = %scan3A_53 to %scan3A_55 step %scan3A_56  : i32 {
      %mul3A_78 = arith.constant 2 : i32
      %mul3A_79 = arith.muli %mul3A_78, %scan3A_77 : i32
      %add3A_80 = arith.constant 0 : i32
      %add3A_81 = arith.addi %mul3A_79, %add3A_80 : i32
      %mul3A_82 = arith.constant 128 : i32
      %mul3A_83 = arith.muli %add3A_81, %mul3A_82 : i32
      %multiple_of3A_84 = tpu.assume_multiple %mul3A_83, 8 : i32
      %add3A_85 = arith.constant 0 : i32
      %add3A_86 = arith.addi %mul3A_79, %add3A_85 : i32
      %add3A_87 = arith.constant 2 : i32
      %add3A_88 = arith.addi %add3A_86, %add3A_87 : i32
      %jit3A = arith.constant 80 : i32
      %eq3A = arith.constant 0 : i32
      %eq3A_89 = arith.cmpi eq, %jit3A, %eq3A : i32
      %jit3A_90 = arith.constant 1 : i32
      %select_n3A = arith.select %eq3A_89, %jit3A_90, %jit3A : i32
      %rem3A = arith.remsi %add3A_88, %select_n3A : i32
      %ne3A = arith.constant 0 : i32
      %ne3A_91 = arith.cmpi ne, %rem3A, %ne3A : i32
      %lt3A = arith.constant 0 : i32
      %lt3A_92 = arith.cmpi slt, %rem3A, %lt3A : i32
      %lt3A_93 = arith.constant 0 : i32
      %lt3A_94 = arith.cmpi slt, %select_n3A, %lt3A_93 : i32
      %ne3A_95 = arith.xori %lt3A_92, %lt3A_94 : i1
      %and3A = arith.andi %ne3A_95, %ne3A_91 : i1
      %add3A_96 = arith.addi %rem3A, %select_n3A : i32
      %select_n3A_97 = arith.select %and3A, %add3A_96, %rem3A : i32
      %mul3A_98 = arith.constant 128 : i32
      %mul3A_99 = arith.muli %select_n3A_97, %mul3A_98 : i32
      %multiple_of3A_100 = tpu.assume_multiple %mul3A_99, 8 : i32
      %dma_wait3A_101 = tpu.memref_slice %arg4[%multiple_of3A_32] : memref<327680xi32, #tpu.memory_space<hbm>> -> memref<128xi32, #tpu.memory_space<hbm>>
      %dma_wait3A_102 = tpu.memref_slice %arg4[%multiple_of3A_32] : memref<327680xi32, #tpu.memory_space<hbm>> -> memref<128xi32, #tpu.memory_space<hbm>>
      tpu.wait_dma2 semaphore(%arg14 : memref<!tpu.dma_semaphore, #tpu.memory_space<semaphore_mem>>) src(%dma_wait3A_102 : memref<128xi32, #tpu.memory_space<hbm>>) dst(%arg7 : memref<128xi32, #tpu.memory_space<vmem>>)
      %dma_wait3A_103 = tpu.memref_slice %arg6[%multiple_of3A_84] : memref<10240xi32, #tpu.memory_space<vmem>> -> memref<128xi32, #tpu.memory_space<vmem>>
      %dma_wait3A_104 = arith.constant 0 : i32
      %dma_wait3A_105 = arith.constant 0 : i32
      %dma_wait3A_106 = tpu.memref_slice %arg2[%dma_wait3A_104, %dma_wait3A_105] : memref<10240x128xf32, #tpu.memory_space<hbm>> -> memref<10240x128xf32, #tpu.memory_space<hbm>>
      tpu.wait_indirect_dma semaphore(%arg12 : memref<!tpu.dma_semaphore, #tpu.memory_space<semaphore_mem>>) src(%dma_wait3A_106 : memref<10240x128xf32, #tpu.memory_space<hbm>>) dst(%arg9 : memref<128x128xf32, #tpu.memory_space<vmem>>)
      "tpu.region"() ({
        %run_scoped3A = tpu.sem_alloc : memref<!tpu.dma_semaphore, #tpu.memory_space<semaphore_mem>>
        %dma_start3A_157 = arith.constant 0 : i32
        %dma_start3A_158 = arith.constant 0 : i32
        %dma_start3A_159 = tpu.memref_slice %arg11[%dma_start3A_157, %dma_start3A_158] : memref<10240x128xf32, #tpu.memory_space<vmem_shared>> -> memref<10240x128xf32, #tpu.memory_space<vmem_shared>>
        tpu.enqueue_indirect_dma source(%arg9 : memref<128x128xf32, #tpu.memory_space<vmem>>) target(%dma_start3A_159 : memref<10240x128xf32, #tpu.memory_space<vmem_shared>>) offsets(%arg7 : memref<128xi32, #tpu.memory_space<vmem>>) semaphore(%run_scoped3A : memref<!tpu.dma_semaphore, #tpu.memory_space<semaphore_mem>>) {add = true}
        %dma_wait3A_160 = arith.constant 0 : i32
        %dma_wait3A_161 = arith.constant 0 : i32
        %dma_wait3A_162 = tpu.memref_slice %arg11[%dma_wait3A_160, %dma_wait3A_161] : memref<10240x128xf32, #tpu.memory_space<vmem_shared>> -> memref<10240x128xf32, #tpu.memory_space<vmem_shared>>
        tpu.wait_indirect_dma semaphore(%run_scoped3A : memref<!tpu.dma_semaphore, #tpu.memory_space<semaphore_mem>>) src(%arg9 : memref<128x128xf32, #tpu.memory_space<vmem>>) dst(%dma_wait3A_162 : memref<10240x128xf32, #tpu.memory_space<vmem_shared>>)
        tpu.yield
      }) : () -> ()
      %dma_start3A_107 = tpu.memref_slice %arg6[%multiple_of3A_100] : memref<10240xi32, #tpu.memory_space<vmem>> -> memref<128xi32, #tpu.memory_space<vmem>>
      %dma_start3A_108 = arith.constant 0 : i32
      %dma_start3A_109 = arith.constant 0 : i32
      %dma_start3A_110 = tpu.memref_slice %arg2[%dma_start3A_108, %dma_start3A_109] : memref<10240x128xf32, #tpu.memory_space<hbm>> -> memref<10240x128xf32, #tpu.memory_space<hbm>>
      tpu.enqueue_indirect_dma source(%dma_start3A_110 : memref<10240x128xf32, #tpu.memory_space<hbm>>) target(%arg9 : memref<128x128xf32, #tpu.memory_space<vmem>>) offsets(%dma_start3A_107 : memref<128xi32, #tpu.memory_space<vmem>>) semaphore(%arg12 : memref<!tpu.dma_semaphore, #tpu.memory_space<semaphore_mem>>)
      %add3A_111 = arith.addi %multiple_of3A_32, %multiple_of3A_100 : i32
      %multiple_of3A_112 = tpu.assume_multiple %add3A_111, 8 : i32
      %dma_start3A_113 = tpu.memref_slice %arg4[%multiple_of3A_112] : memref<327680xi32, #tpu.memory_space<hbm>> -> memref<128xi32, #tpu.memory_space<hbm>>
      %dma_start3A_114 = tpu.memref_slice %arg4[%multiple_of3A_112] : memref<327680xi32, #tpu.memory_space<hbm>> -> memref<128xi32, #tpu.memory_space<hbm>>
      tpu.enqueue_dma source(%dma_start3A_114 : memref<128xi32, #tpu.memory_space<hbm>>) target(%arg7 : memref<128xi32, #tpu.memory_space<vmem>>) target_semaphore(%arg14 : memref<!tpu.dma_semaphore, #tpu.memory_space<semaphore_mem>>)
      %add3A_115 = arith.constant 1 : i32
      %add3A_116 = arith.addi %mul3A_79, %add3A_115 : i32
      %mul3A_117 = arith.constant 128 : i32
      %mul3A_118 = arith.muli %add3A_116, %mul3A_117 : i32
      %multiple_of3A_119 = tpu.assume_multiple %mul3A_118, 8 : i32
      %add3A_120 = arith.constant 1 : i32
      %add3A_121 = arith.addi %mul3A_79, %add3A_120 : i32
      %add3A_122 = arith.constant 2 : i32
      %add3A_123 = arith.addi %add3A_121, %add3A_122 : i32
      %jit3A_124 = arith.constant 80 : i32
      %eq3A_125 = arith.constant 0 : i32
      %eq3A_126 = arith.cmpi eq, %jit3A_124, %eq3A_125 : i32
      %jit3A_127 = arith.constant 1 : i32
      %select_n3A_128 = arith.select %eq3A_126, %jit3A_127, %jit3A_124 : i32
      %rem3A_129 = arith.remsi %add3A_123, %select_n3A_128 : i32
      %ne3A_130 = arith.constant 0 : i32
      %ne3A_131 = arith.cmpi ne, %rem3A_129, %ne3A_130 : i32
      %lt3A_132 = arith.constant 0 : i32
      %lt3A_133 = arith.cmpi slt, %rem3A_129, %lt3A_132 : i32
      %lt3A_134 = arith.constant 0 : i32
      %lt3A_135 = arith.cmpi slt, %select_n3A_128, %lt3A_134 : i32
      %ne3A_136 = arith.xori %lt3A_133, %lt3A_135 : i1
      %and3A_137 = arith.andi %ne3A_136, %ne3A_131 : i1
      %add3A_138 = arith.addi %rem3A_129, %select_n3A_128 : i32
      %select_n3A_139 = arith.select %and3A_137, %add3A_138, %rem3A_129 : i32
      %mul3A_140 = arith.constant 128 : i32
      %mul3A_141 = arith.muli %select_n3A_139, %mul3A_140 : i32
      %multiple_of3A_142 = tpu.assume_multiple %mul3A_141, 8 : i32
      %dma_wait3A_143 = tpu.memref_slice %arg4[%multiple_of3A_32] : memref<327680xi32, #tpu.memory_space<hbm>> -> memref<128xi32, #tpu.memory_space<hbm>>
      %dma_wait3A_144 = tpu.memref_slice %arg4[%multiple_of3A_32] : memref<327680xi32, #tpu.memory_space<hbm>> -> memref<128xi32, #tpu.memory_space<hbm>>
      tpu.wait_dma2 semaphore(%arg15 : memref<!tpu.dma_semaphore, #tpu.memory_space<semaphore_mem>>) src(%dma_wait3A_144 : memref<128xi32, #tpu.memory_space<hbm>>) dst(%arg8 : memref<128xi32, #tpu.memory_space<vmem>>)
      %dma_wait3A_145 = tpu.memref_slice %arg6[%multiple_of3A_119] : memref<10240xi32, #tpu.memory_space<vmem>> -> memref<128xi32, #tpu.memory_space<vmem>>
      %dma_wait3A_146 = arith.constant 0 : i32
      %dma_wait3A_147 = arith.constant 0 : i32
      %dma_wait3A_148 = tpu.memref_slice %arg2[%dma_wait3A_146, %dma_wait3A_147] : memref<10240x128xf32, #tpu.memory_space<hbm>> -> memref<10240x128xf32, #tpu.memory_space<hbm>>
      tpu.wait_indirect_dma semaphore(%arg13 : memref<!tpu.dma_semaphore, #tpu.memory_space<semaphore_mem>>) src(%dma_wait3A_148 : memref<10240x128xf32, #tpu.memory_space<hbm>>) dst(%arg10 : memref<128x128xf32, #tpu.memory_space<vmem>>)
      "tpu.region"() ({
        %run_scoped3A = tpu.sem_alloc : memref<!tpu.dma_semaphore, #tpu.memory_space<semaphore_mem>>
        %dma_start3A_157 = arith.constant 0 : i32
        %dma_start3A_158 = arith.constant 0 : i32
        %dma_start3A_159 = tpu.memref_slice %arg11[%dma_start3A_157, %dma_start3A_158] : memref<10240x128xf32, #tpu.memory_space<vmem_shared>> -> memref<10240x128xf32, #tpu.memory_space<vmem_shared>>
        tpu.enqueue_indirect_dma source(%arg10 : memref<128x128xf32, #tpu.memory_space<vmem>>) target(%dma_start3A_159 : memref<10240x128xf32, #tpu.memory_space<vmem_shared>>) offsets(%arg8 : memref<128xi32, #tpu.memory_space<vmem>>) semaphore(%run_scoped3A : memref<!tpu.dma_semaphore, #tpu.memory_space<semaphore_mem>>) {add = true}
        %dma_wait3A_160 = arith.constant 0 : i32
        %dma_wait3A_161 = arith.constant 0 : i32
        %dma_wait3A_162 = tpu.memref_slice %arg11[%dma_wait3A_160, %dma_wait3A_161] : memref<10240x128xf32, #tpu.memory_space<vmem_shared>> -> memref<10240x128xf32, #tpu.memory_space<vmem_shared>>
        tpu.wait_indirect_dma semaphore(%run_scoped3A : memref<!tpu.dma_semaphore, #tpu.memory_space<semaphore_mem>>) src(%arg10 : memref<128x128xf32, #tpu.memory_space<vmem>>) dst(%dma_wait3A_162 : memref<10240x128xf32, #tpu.memory_space<vmem_shared>>)
        tpu.yield
      }) : () -> ()
      %dma_start3A_149 = tpu.memref_slice %arg6[%multiple_of3A_142] : memref<10240xi32, #tpu.memory_space<vmem>> -> memref<128xi32, #tpu.memory_space<vmem>>
      %dma_start3A_150 = arith.constant 0 : i32
      %dma_start3A_151 = arith.constant 0 : i32
      %dma_start3A_152 = tpu.memref_slice %arg2[%dma_start3A_150, %dma_start3A_151] : memref<10240x128xf32, #tpu.memory_space<hbm>> -> memref<10240x128xf32, #tpu.memory_space<hbm>>
      tpu.enqueue_indirect_dma source(%dma_start3A_152 : memref<10240x128xf32, #tpu.memory_space<hbm>>) target(%arg10 : memref<128x128xf32, #tpu.memory_space<vmem>>) offsets(%dma_start3A_149 : memref<128xi32, #tpu.memory_space<vmem>>) semaphore(%arg13 : memref<!tpu.dma_semaphore, #tpu.memory_space<semaphore_mem>>)
      %add3A_153 = arith.addi %multiple_of3A_32, %multiple_of3A_142 : i32
      %multiple_of3A_154 = tpu.assume_multiple %add3A_153, 8 : i32
      %dma_start3A_155 = tpu.memref_slice %arg4[%multiple_of3A_154] : memref<327680xi32, #tpu.memory_space<hbm>> -> memref<128xi32, #tpu.memory_space<hbm>>
      %dma_start3A_156 = tpu.memref_slice %arg4[%multiple_of3A_154] : memref<327680xi32, #tpu.memory_space<hbm>> -> memref<128xi32, #tpu.memory_space<hbm>>
      tpu.enqueue_dma source(%dma_start3A_156 : memref<128xi32, #tpu.memory_space<hbm>>) target(%arg8 : memref<128xi32, #tpu.memory_space<vmem>>) target_semaphore(%arg15 : memref<!tpu.dma_semaphore, #tpu.memory_space<semaphore_mem>>)
    }
    %scan3A_57 = arith.constant 40 : i32
    %multiple_of3A_58 = arith.constant 0 : i32
    %multiple_of3A_59 = tpu.assume_multiple %multiple_of3A_58, 8 : i32
    %dma_wait3A = tpu.memref_slice %arg6[%multiple_of3A_59] : memref<10240xi32, #tpu.memory_space<vmem>> -> memref<128xi32, #tpu.memory_space<vmem>>
    %dma_wait3A_60 = arith.constant 0 : i32
    %dma_wait3A_61 = arith.constant 0 : i32
    %dma_wait3A_62 = tpu.memref_slice %arg2[%dma_wait3A_60, %dma_wait3A_61] : memref<10240x128xf32, #tpu.memory_space<hbm>> -> memref<10240x128xf32, #tpu.memory_space<hbm>>
    tpu.wait_indirect_dma semaphore(%arg12 : memref<!tpu.dma_semaphore, #tpu.memory_space<semaphore_mem>>) src(%dma_wait3A_62 : memref<10240x128xf32, #tpu.memory_space<hbm>>) dst(%arg9 : memref<128x128xf32, #tpu.memory_space<vmem>>)
    %dma_wait3A_63 = tpu.memref_slice %arg4[%multiple_of3A_32] : memref<327680xi32, #tpu.memory_space<hbm>> -> memref<128xi32, #tpu.memory_space<hbm>>
    %dma_wait3A_64 = tpu.memref_slice %arg4[%multiple_of3A_32] : memref<327680xi32, #tpu.memory_space<hbm>> -> memref<128xi32, #tpu.memory_space<hbm>>
    tpu.wait_dma2 semaphore(%arg14 : memref<!tpu.dma_semaphore, #tpu.memory_space<semaphore_mem>>) src(%dma_wait3A_64 : memref<128xi32, #tpu.memory_space<hbm>>) dst(%arg7 : memref<128xi32, #tpu.memory_space<vmem>>)
    %multiple_of3A_65 = arith.constant 128 : i32
    %multiple_of3A_66 = tpu.assume_multiple %multiple_of3A_65, 8 : i32
    %dma_wait3A_67 = tpu.memref_slice %arg6[%multiple_of3A_66] : memref<10240xi32, #tpu.memory_space<vmem>> -> memref<128xi32, #tpu.memory_space<vmem>>
    %dma_wait3A_68 = arith.constant 0 : i32
    %dma_wait3A_69 = arith.constant 0 : i32
    %dma_wait3A_70 = tpu.memref_slice %arg2[%dma_wait3A_68, %dma_wait3A_69] : memref<10240x128xf32, #tpu.memory_space<hbm>> -> memref<10240x128xf32, #tpu.memory_space<hbm>>
    tpu.wait_indirect_dma semaphore(%arg13 : memref<!tpu.dma_semaphore, #tpu.memory_space<semaphore_mem>>) src(%dma_wait3A_70 : memref<10240x128xf32, #tpu.memory_space<hbm>>) dst(%arg10 : memref<128x128xf32, #tpu.memory_space<vmem>>)
    %dma_wait3A_71 = tpu.memref_slice %arg4[%multiple_of3A_32] : memref<327680xi32, #tpu.memory_space<hbm>> -> memref<128xi32, #tpu.memory_space<hbm>>
    %dma_wait3A_72 = tpu.memref_slice %arg4[%multiple_of3A_32] : memref<327680xi32, #tpu.memory_space<hbm>> -> memref<128xi32, #tpu.memory_space<hbm>>
    tpu.wait_dma2 semaphore(%arg15 : memref<!tpu.dma_semaphore, #tpu.memory_space<semaphore_mem>>) src(%dma_wait3A_72 : memref<128xi32, #tpu.memory_space<hbm>>) dst(%arg8 : memref<128xi32, #tpu.memory_space<vmem>>)
    %barrier3A_73 = arith.constant 0 : index
    tpu.barrier barrier_id(%barrier3A_73)
    %mul3A_74 = arith.constant 640 : i32
    %mul3A_75 = arith.muli %arg1, %mul3A_74 : i32
    %multiple_of3A_76 = tpu.assume_multiple %mul3A_75, 8 : i32
    "tpu.region"() ({
      %run_scoped3A = tpu.sem_alloc : memref<!tpu.dma_semaphore, #tpu.memory_space<semaphore_mem>>
      %dma_start3A_77 = arith.constant 0 : i32
      %dma_start3A_78 = tpu.memref_slice %arg5[%arg0, %multiple_of3A_76, %dma_start3A_77] : memref<2x10240x128xf32, #tpu.memory_space<hbm>> -> memref<1x640x128xf32, #tpu.memory_space<hbm>>
      %dma_start3A_79 = tpu.memref_squeeze %dma_start3A_78 : memref<1x640x128xf32, #tpu.memory_space<hbm>> -> memref<640x128xf32, #tpu.memory_space<hbm>>
      %dma_start3A_80 = arith.constant 0 : i32
      %dma_start3A_81 = tpu.memref_slice %arg11[%multiple_of3A_76, %dma_start3A_80] : memref<10240x128xf32, #tpu.memory_space<vmem_shared>> -> memref<640x128xf32, #tpu.memory_space<vmem_shared>>
      tpu.enqueue_dma source(%dma_start3A_81 : memref<640x128xf32, #tpu.memory_space<vmem_shared>>) target(%dma_start3A_79 : memref<640x128xf32, #tpu.memory_space<hbm>>) target_semaphore(%run_scoped3A : memref<!tpu.dma_semaphore, #tpu.memory_space<semaphore_mem>>)
      %dma_wait3A_82 = arith.constant 0 : i32
      %dma_wait3A_83 = tpu.memref_slice %arg5[%arg0, %multiple_of3A_76, %dma_wait3A_82] : memref<2x10240x128xf32, #tpu.memory_space<hbm>> -> memref<1x640x128xf32, #tpu.memory_space<hbm>>
      %dma_wait3A_84 = tpu.memref_squeeze %dma_wait3A_83 : memref<1x640x128xf32, #tpu.memory_space<hbm>> -> memref<640x128xf32, #tpu.memory_space<hbm>>
      %dma_wait3A_85 = arith.constant 0 : i32
      %dma_wait3A_86 = tpu.memref_slice %arg11[%multiple_of3A_76, %dma_wait3A_85] : memref<10240x128xf32, #tpu.memory_space<vmem_shared>> -> memref<640x128xf32, #tpu.memory_space<vmem_shared>>
      tpu.wait_dma2 semaphore(%run_scoped3A : memref<!tpu.dma_semaphore, #tpu.memory_space<semaphore_mem>>) src(%dma_wait3A_86 : memref<640x128xf32, #tpu.memory_space<vmem_shared>>) dst(%dma_wait3A_84 : memref<640x128xf32, #tpu.memory_space<hbm>>)
      tpu.yield
    }) : () -> ()
    return
  }
}

#map = affine_map<(d0, d1) -> (0)>
#map1 = affine_map<(d0, d1) -> (0, 0, 0)>
module attributes {stable_mosaic.version = 14 : i64} {
  func.func @_deg_body(%arg0: i32, %arg1: i32, %arg2: memref<327680xi32, #tpu.memory_space<hbm>>, %arg3: memref<327680xi32, #tpu.memory_space<hbm>>, %arg4: memref<2x2x10240xf32, #tpu.memory_space<hbm>>, %arg5: memref<128xi32, #tpu.memory_space<vmem>>, %arg6: memref<128xi32, #tpu.memory_space<vmem>>, %arg7: memref<128xi32, #tpu.memory_space<vmem>>, %arg8: memref<128xi32, #tpu.memory_space<vmem>>, %arg9: memref<128xf32, #tpu.memory_space<vmem>>, %arg10: memref<640xf32, #tpu.memory_space<vmem>>, %arg11: memref<10240xf32, #tpu.memory_space<vmem_shared>>, %arg12: memref<10240xf32, #tpu.memory_space<vmem_shared>>, %arg13: memref<!tpu.dma_semaphore, #tpu.memory_space<semaphore_mem>>, %arg14: memref<!tpu.dma_semaphore, #tpu.memory_space<semaphore_mem>>, %arg15: memref<!tpu.dma_semaphore, #tpu.memory_space<semaphore_mem>>, %arg16: memref<!tpu.dma_semaphore, #tpu.memory_space<semaphore_mem>>) attributes {dimension_semantics = [#tpu.dimension_semantics<core_parallel>, #tpu.dimension_semantics<subcore_parallel>], iteration_bounds = array<i64: 2, 16>, scalar_prefetch = 0 : i64, scratch_operands = 12 : i64, tpu.core_type = #tpu.core_type<sc_vector_subcore>, window_params = [{transform_indices = #map}, {transform_indices = #map}, {transform_indices = #map1}]} {
    %broadcast_in_dim3A = arith.constant 1.000000e+00 : f32
    %broadcast_in_dim3A_0 = vector.broadcast %broadcast_in_dim3A : f32 to vector<16xf32>
    %swap3A = arith.constant 0 : index
    %swap3A_1 = tpu.vector_load %arg9[%swap3A] {strides = array<i32>} : memref<128xf32, #tpu.memory_space<vmem>>, vector<16xf32>,
    %swap3A_2 = vector.shape_cast %swap3A_1 : vector<16xf32> to vector<16xf32>
    %swap3A_3 = vector.shape_cast %broadcast_in_dim3A_0 : vector<16xf32> to vector<16xf32>
    tpu.vector_store %arg9[%swap3A], %swap3A_3 {strides = array<i32>} : memref<128xf32, #tpu.memory_space<vmem>>, vector<16xf32>,
    %broadcast_in_dim3A_4 = arith.constant 1.000000e+00 : f32
    %broadcast_in_dim3A_5 = vector.broadcast %broadcast_in_dim3A_4 : f32 to vector<16xf32>
    %swap3A_6 = arith.constant 16 : index
    %swap3A_7 = tpu.vector_load %arg9[%swap3A_6] {strides = array<i32>} : memref<128xf32, #tpu.memory_space<vmem>>, vector<16xf32>,
    %swap3A_8 = vector.shape_cast %swap3A_7 : vector<16xf32> to vector<16xf32>
    %swap3A_9 = vector.shape_cast %broadcast_in_dim3A_5 : vector<16xf32> to vector<16xf32>
    tpu.vector_store %arg9[%swap3A_6], %swap3A_9 {strides = array<i32>} : memref<128xf32, #tpu.memory_space<vmem>>, vector<16xf32>,
    %broadcast_in_dim3A_10 = arith.constant 1.000000e+00 : f32
    %broadcast_in_dim3A_11 = vector.broadcast %broadcast_in_dim3A_10 : f32 to vector<16xf32>
    %swap3A_12 = arith.constant 32 : index
    %swap3A_13 = tpu.vector_load %arg9[%swap3A_12] {strides = array<i32>} : memref<128xf32, #tpu.memory_space<vmem>>, vector<16xf32>,
    %swap3A_14 = vector.shape_cast %swap3A_13 : vector<16xf32> to vector<16xf32>
    %swap3A_15 = vector.shape_cast %broadcast_in_dim3A_11 : vector<16xf32> to vector<16xf32>
    tpu.vector_store %arg9[%swap3A_12], %swap3A_15 {strides = array<i32>} : memref<128xf32, #tpu.memory_space<vmem>>, vector<16xf32>,
    %broadcast_in_dim3A_16 = arith.constant 1.000000e+00 : f32
    %broadcast_in_dim3A_17 = vector.broadcast %broadcast_in_dim3A_16 : f32 to vector<16xf32>
    %swap3A_18 = arith.constant 48 : index
    %swap3A_19 = tpu.vector_load %arg9[%swap3A_18] {strides = array<i32>} : memref<128xf32, #tpu.memory_space<vmem>>, vector<16xf32>,
    %swap3A_20 = vector.shape_cast %swap3A_19 : vector<16xf32> to vector<16xf32>
    %swap3A_21 = vector.shape_cast %broadcast_in_dim3A_17 : vector<16xf32> to vector<16xf32>
    tpu.vector_store %arg9[%swap3A_18], %swap3A_21 {strides = array<i32>} : memref<128xf32, #tpu.memory_space<vmem>>, vector<16xf32>,
    %broadcast_in_dim3A_22 = arith.constant 1.000000e+00 : f32
    %broadcast_in_dim3A_23 = vector.broadcast %broadcast_in_dim3A_22 : f32 to vector<16xf32>
    %swap3A_24 = arith.constant 64 : index
    %swap3A_25 = tpu.vector_load %arg9[%swap3A_24] {strides = array<i32>} : memref<128xf32, #tpu.memory_space<vmem>>, vector<16xf32>,
    %swap3A_26 = vector.shape_cast %swap3A_25 : vector<16xf32> to vector<16xf32>
    %swap3A_27 = vector.shape_cast %broadcast_in_dim3A_23 : vector<16xf32> to vector<16xf32>
    tpu.vector_store %arg9[%swap3A_24], %swap3A_27 {strides = array<i32>} : memref<128xf32, #tpu.memory_space<vmem>>, vector<16xf32>,
    %broadcast_in_dim3A_28 = arith.constant 1.000000e+00 : f32
    %broadcast_in_dim3A_29 = vector.broadcast %broadcast_in_dim3A_28 : f32 to vector<16xf32>
    %swap3A_30 = arith.constant 80 : index
    %swap3A_31 = tpu.vector_load %arg9[%swap3A_30] {strides = array<i32>} : memref<128xf32, #tpu.memory_space<vmem>>, vector<16xf32>,
    %swap3A_32 = vector.shape_cast %swap3A_31 : vector<16xf32> to vector<16xf32>
    %swap3A_33 = vector.shape_cast %broadcast_in_dim3A_29 : vector<16xf32> to vector<16xf32>
    tpu.vector_store %arg9[%swap3A_30], %swap3A_33 {strides = array<i32>} : memref<128xf32, #tpu.memory_space<vmem>>, vector<16xf32>,
    %broadcast_in_dim3A_34 = arith.constant 1.000000e+00 : f32
    %broadcast_in_dim3A_35 = vector.broadcast %broadcast_in_dim3A_34 : f32 to vector<16xf32>
    %swap3A_36 = arith.constant 96 : index
    %swap3A_37 = tpu.vector_load %arg9[%swap3A_36] {strides = array<i32>} : memref<128xf32, #tpu.memory_space<vmem>>, vector<16xf32>,
    %swap3A_38 = vector.shape_cast %swap3A_37 : vector<16xf32> to vector<16xf32>
    %swap3A_39 = vector.shape_cast %broadcast_in_dim3A_35 : vector<16xf32> to vector<16xf32>
    tpu.vector_store %arg9[%swap3A_36], %swap3A_39 {strides = array<i32>} : memref<128xf32, #tpu.memory_space<vmem>>, vector<16xf32>,
    %broadcast_in_dim3A_40 = arith.constant 1.000000e+00 : f32
    %broadcast_in_dim3A_41 = vector.broadcast %broadcast_in_dim3A_40 : f32 to vector<16xf32>
    %swap3A_42 = arith.constant 112 : index
    %swap3A_43 = tpu.vector_load %arg9[%swap3A_42] {strides = array<i32>} : memref<128xf32, #tpu.memory_space<vmem>>, vector<16xf32>,
    %swap3A_44 = vector.shape_cast %swap3A_43 : vector<16xf32> to vector<16xf32>
    %swap3A_45 = vector.shape_cast %broadcast_in_dim3A_41 : vector<16xf32> to vector<16xf32>
    tpu.vector_store %arg9[%swap3A_42], %swap3A_45 {strides = array<i32>} : memref<128xf32, #tpu.memory_space<vmem>>, vector<16xf32>,
    %broadcast_in_dim3A_46 = arith.constant 0.000000e+00 : f32
    %broadcast_in_dim3A_47 = vector.broadcast %broadcast_in_dim3A_46 : f32 to vector<16xf32>
    %swap3A_48 = arith.constant 0 : index
    %swap3A_49 = tpu.vector_load %arg10[%swap3A_48] {strides = array<i32>} : memref<640xf32, #tpu.memory_space<vmem>>, vector<16xf32>,
    %swap3A_50 = vector.shape_cast %swap3A_49 : vector<16xf32> to vector<16xf32>
    %swap3A_51 = vector.shape_cast %broadcast_in_dim3A_47 : vector<16xf32> to vector<16xf32>
    tpu.vector_store %arg10[%swap3A_48], %swap3A_51 {strides = array<i32>} : memref<640xf32, #tpu.memory_space<vmem>>, vector<16xf32>,
    %broadcast_in_dim3A_52 = arith.constant 0.000000e+00 : f32
    %broadcast_in_dim3A_53 = vector.broadcast %broadcast_in_dim3A_52 : f32 to vector<16xf32>
    %swap3A_54 = arith.constant 16 : index
    %swap3A_55 = tpu.vector_load %arg10[%swap3A_54] {strides = array<i32>} : memref<640xf32, #tpu.memory_space<vmem>>, vector<16xf32>,
    %swap3A_56 = vector.shape_cast %swap3A_55 : vector<16xf32> to vector<16xf32>
    %swap3A_57 = vector.shape_cast %broadcast_in_dim3A_53 : vector<16xf32> to vector<16xf32>
    tpu.vector_store %arg10[%swap3A_54], %swap3A_57 {strides = array<i32>} : memref<640xf32, #tpu.memory_space<vmem>>, vector<16xf32>,
    %broadcast_in_dim3A_58 = arith.constant 0.000000e+00 : f32
    %broadcast_in_dim3A_59 = vector.broadcast %broadcast_in_dim3A_58 : f32 to vector<16xf32>
    %swap3A_60 = arith.constant 32 : index
    %swap3A_61 = tpu.vector_load %arg10[%swap3A_60] {strides = array<i32>} : memref<640xf32, #tpu.memory_space<vmem>>, vector<16xf32>,
    %swap3A_62 = vector.shape_cast %swap3A_61 : vector<16xf32> to vector<16xf32>
    %swap3A_63 = vector.shape_cast %broadcast_in_dim3A_59 : vector<16xf32> to vector<16xf32>
    tpu.vector_store %arg10[%swap3A_60], %swap3A_63 {strides = array<i32>} : memref<640xf32, #tpu.memory_space<vmem>>, vector<16xf32>,
    %broadcast_in_dim3A_64 = arith.constant 0.000000e+00 : f32
    %broadcast_in_dim3A_65 = vector.broadcast %broadcast_in_dim3A_64 : f32 to vector<16xf32>
    %swap3A_66 = arith.constant 48 : index
    %swap3A_67 = tpu.vector_load %arg10[%swap3A_66] {strides = array<i32>} : memref<640xf32, #tpu.memory_space<vmem>>, vector<16xf32>,
    %swap3A_68 = vector.shape_cast %swap3A_67 : vector<16xf32> to vector<16xf32>
    %swap3A_69 = vector.shape_cast %broadcast_in_dim3A_65 : vector<16xf32> to vector<16xf32>
    tpu.vector_store %arg10[%swap3A_66], %swap3A_69 {strides = array<i32>} : memref<640xf32, #tpu.memory_space<vmem>>, vector<16xf32>,
    %broadcast_in_dim3A_70 = arith.constant 0.000000e+00 : f32
    %broadcast_in_dim3A_71 = vector.broadcast %broadcast_in_dim3A_70 : f32 to vector<16xf32>
    %swap3A_72 = arith.constant 64 : index
    %swap3A_73 = tpu.vector_load %arg10[%swap3A_72] {strides = array<i32>} : memref<640xf32, #tpu.memory_space<vmem>>, vector<16xf32>,
    %swap3A_74 = vector.shape_cast %swap3A_73 : vector<16xf32> to vector<16xf32>
    %swap3A_75 = vector.shape_cast %broadcast_in_dim3A_71 : vector<16xf32> to vector<16xf32>
    tpu.vector_store %arg10[%swap3A_72], %swap3A_75 {strides = array<i32>} : memref<640xf32, #tpu.memory_space<vmem>>, vector<16xf32>,
    %broadcast_in_dim3A_76 = arith.constant 0.000000e+00 : f32
    %broadcast_in_dim3A_77 = vector.broadcast %broadcast_in_dim3A_76 : f32 to vector<16xf32>
    %swap3A_78 = arith.constant 80 : index
    %swap3A_79 = tpu.vector_load %arg10[%swap3A_78] {strides = array<i32>} : memref<640xf32, #tpu.memory_space<vmem>>, vector<16xf32>,
    %swap3A_80 = vector.shape_cast %swap3A_79 : vector<16xf32> to vector<16xf32>
    %swap3A_81 = vector.shape_cast %broadcast_in_dim3A_77 : vector<16xf32> to vector<16xf32>
    tpu.vector_store %arg10[%swap3A_78], %swap3A_81 {strides = array<i32>} : memref<640xf32, #tpu.memory_space<vmem>>, vector<16xf32>,
    %broadcast_in_dim3A_82 = arith.constant 0.000000e+00 : f32
    %broadcast_in_dim3A_83 = vector.broadcast %broadcast_in_dim3A_82 : f32 to vector<16xf32>
    %swap3A_84 = arith.constant 96 : index
    %swap3A_85 = tpu.vector_load %arg10[%swap3A_84] {strides = array<i32>} : memref<640xf32, #tpu.memory_space<vmem>>, vector<16xf32>,
    %swap3A_86 = vector.shape_cast %swap3A_85 : vector<16xf32> to vector<16xf32>
    %swap3A_87 = vector.shape_cast %broadcast_in_dim3A_83 : vector<16xf32> to vector<16xf32>
    tpu.vector_store %arg10[%swap3A_84], %swap3A_87 {strides = array<i32>} : memref<640xf32, #tpu.memory_space<vmem>>, vector<16xf32>,
    %broadcast_in_dim3A_88 = arith.constant 0.000000e+00 : f32
    %broadcast_in_dim3A_89 = vector.broadcast %broadcast_in_dim3A_88 : f32 to vector<16xf32>
    %swap3A_90 = arith.constant 112 : index
    %swap3A_91 = tpu.vector_load %arg10[%swap3A_90] {strides = array<i32>} : memref<640xf32, #tpu.memory_space<vmem>>, vector<16xf32>,
    %swap3A_92 = vector.shape_cast %swap3A_91 : vector<16xf32> to vector<16xf32>
    %swap3A_93 = vector.shape_cast %broadcast_in_dim3A_89 : vector<16xf32> to vector<16xf32>
    tpu.vector_store %arg10[%swap3A_90], %swap3A_93 {strides = array<i32>} : memref<640xf32, #tpu.memory_space<vmem>>, vector<16xf32>,
    %broadcast_in_dim3A_94 = arith.constant 0.000000e+00 : f32
    %broadcast_in_dim3A_95 = vector.broadcast %broadcast_in_dim3A_94 : f32 to vector<16xf32>
    %swap3A_96 = arith.constant 128 : index
    %swap3A_97 = tpu.vector_load %arg10[%swap3A_96] {strides = array<i32>} : memref<640xf32, #tpu.memory_space<vmem>>, vector<16xf32>,
    %swap3A_98 = vector.shape_cast %swap3A_97 : vector<16xf32> to vector<16xf32>
    %swap3A_99 = vector.shape_cast %broadcast_in_dim3A_95 : vector<16xf32> to vector<16xf32>
    tpu.vector_store %arg10[%swap3A_96], %swap3A_99 {strides = array<i32>} : memref<640xf32, #tpu.memory_space<vmem>>, vector<16xf32>,
    %broadcast_in_dim3A_100 = arith.constant 0.000000e+00 : f32
    %broadcast_in_dim3A_101 = vector.broadcast %broadcast_in_dim3A_100 : f32 to vector<16xf32>
    %swap3A_102 = arith.constant 144 : index
    %swap3A_103 = tpu.vector_load %arg10[%swap3A_102] {strides = array<i32>} : memref<640xf32, #tpu.memory_space<vmem>>, vector<16xf32>,
    %swap3A_104 = vector.shape_cast %swap3A_103 : vector<16xf32> to vector<16xf32>
    %swap3A_105 = vector.shape_cast %broadcast_in_dim3A_101 : vector<16xf32> to vector<16xf32>
    tpu.vector_store %arg10[%swap3A_102], %swap3A_105 {strides = array<i32>} : memref<640xf32, #tpu.memory_space<vmem>>, vector<16xf32>,
    %broadcast_in_dim3A_106 = arith.constant 0.000000e+00 : f32
    %broadcast_in_dim3A_107 = vector.broadcast %broadcast_in_dim3A_106 : f32 to vector<16xf32>
    %swap3A_108 = arith.constant 160 : index
    %swap3A_109 = tpu.vector_load %arg10[%swap3A_108] {strides = array<i32>} : memref<640xf32, #tpu.memory_space<vmem>>, vector<16xf32>,
    %swap3A_110 = vector.shape_cast %swap3A_109 : vector<16xf32> to vector<16xf32>
    %swap3A_111 = vector.shape_cast %broadcast_in_dim3A_107 : vector<16xf32> to vector<16xf32>
    tpu.vector_store %arg10[%swap3A_108], %swap3A_111 {strides = array<i32>} : memref<640xf32, #tpu.memory_space<vmem>>, vector<16xf32>,
    %broadcast_in_dim3A_112 = arith.constant 0.000000e+00 : f32
    %broadcast_in_dim3A_113 = vector.broadcast %broadcast_in_dim3A_112 : f32 to vector<16xf32>
    %swap3A_114 = arith.constant 176 : index
    %swap3A_115 = tpu.vector_load %arg10[%swap3A_114] {strides = array<i32>} : memref<640xf32, #tpu.memory_space<vmem>>, vector<16xf32>,
    %swap3A_116 = vector.shape_cast %swap3A_115 : vector<16xf32> to vector<16xf32>
    %swap3A_117 = vector.shape_cast %broadcast_in_dim3A_113 : vector<16xf32> to vector<16xf32>
    tpu.vector_store %arg10[%swap3A_114], %swap3A_117 {strides = array<i32>} : memref<640xf32, #tpu.memory_space<vmem>>, vector<16xf32>,
    %broadcast_in_dim3A_118 = arith.constant 0.000000e+00 : f32
    %broadcast_in_dim3A_119 = vector.broadcast %broadcast_in_dim3A_118 : f32 to vector<16xf32>
    %swap3A_120 = arith.constant 192 : index
    %swap3A_121 = tpu.vector_load %arg10[%swap3A_120] {strides = array<i32>} : memref<640xf32, #tpu.memory_space<vmem>>, vector<16xf32>,
    %swap3A_122 = vector.shape_cast %swap3A_121 : vector<16xf32> to vector<16xf32>
    %swap3A_123 = vector.shape_cast %broadcast_in_dim3A_119 : vector<16xf32> to vector<16xf32>
    tpu.vector_store %arg10[%swap3A_120], %swap3A_123 {strides = array<i32>} : memref<640xf32, #tpu.memory_space<vmem>>, vector<16xf32>,
    %broadcast_in_dim3A_124 = arith.constant 0.000000e+00 : f32
    %broadcast_in_dim3A_125 = vector.broadcast %broadcast_in_dim3A_124 : f32 to vector<16xf32>
    %swap3A_126 = arith.constant 208 : index
    %swap3A_127 = tpu.vector_load %arg10[%swap3A_126] {strides = array<i32>} : memref<640xf32, #tpu.memory_space<vmem>>, vector<16xf32>,
    %swap3A_128 = vector.shape_cast %swap3A_127 : vector<16xf32> to vector<16xf32>
    %swap3A_129 = vector.shape_cast %broadcast_in_dim3A_125 : vector<16xf32> to vector<16xf32>
    tpu.vector_store %arg10[%swap3A_126], %swap3A_129 {strides = array<i32>} : memref<640xf32, #tpu.memory_space<vmem>>, vector<16xf32>,
    %broadcast_in_dim3A_130 = arith.constant 0.000000e+00 : f32
    %broadcast_in_dim3A_131 = vector.broadcast %broadcast_in_dim3A_130 : f32 to vector<16xf32>
    %swap3A_132 = arith.constant 224 : index
    %swap3A_133 = tpu.vector_load %arg10[%swap3A_132] {strides = array<i32>} : memref<640xf32, #tpu.memory_space<vmem>>, vector<16xf32>,
    %swap3A_134 = vector.shape_cast %swap3A_133 : vector<16xf32> to vector<16xf32>
    %swap3A_135 = vector.shape_cast %broadcast_in_dim3A_131 : vector<16xf32> to vector<16xf32>
    tpu.vector_store %arg10[%swap3A_132], %swap3A_135 {strides = array<i32>} : memref<640xf32, #tpu.memory_space<vmem>>, vector<16xf32>,
    %broadcast_in_dim3A_136 = arith.constant 0.000000e+00 : f32
    %broadcast_in_dim3A_137 = vector.broadcast %broadcast_in_dim3A_136 : f32 to vector<16xf32>
    %swap3A_138 = arith.constant 240 : index
    %swap3A_139 = tpu.vector_load %arg10[%swap3A_138] {strides = array<i32>} : memref<640xf32, #tpu.memory_space<vmem>>, vector<16xf32>,
    %swap3A_140 = vector.shape_cast %swap3A_139 : vector<16xf32> to vector<16xf32>
    %swap3A_141 = vector.shape_cast %broadcast_in_dim3A_137 : vector<16xf32> to vector<16xf32>
    tpu.vector_store %arg10[%swap3A_138], %swap3A_141 {strides = array<i32>} : memref<640xf32, #tpu.memory_space<vmem>>, vector<16xf32>,
    %broadcast_in_dim3A_142 = arith.constant 0.000000e+00 : f32
    %broadcast_in_dim3A_143 = vector.broadcast %broadcast_in_dim3A_142 : f32 to vector<16xf32>
    %swap3A_144 = arith.constant 256 : index
    %swap3A_145 = tpu.vector_load %arg10[%swap3A_144] {strides = array<i32>} : memref<640xf32, #tpu.memory_space<vmem>>, vector<16xf32>,
    %swap3A_146 = vector.shape_cast %swap3A_145 : vector<16xf32> to vector<16xf32>
    %swap3A_147 = vector.shape_cast %broadcast_in_dim3A_143 : vector<16xf32> to vector<16xf32>
    tpu.vector_store %arg10[%swap3A_144], %swap3A_147 {strides = array<i32>} : memref<640xf32, #tpu.memory_space<vmem>>, vector<16xf32>,
    %broadcast_in_dim3A_148 = arith.constant 0.000000e+00 : f32
    %broadcast_in_dim3A_149 = vector.broadcast %broadcast_in_dim3A_148 : f32 to vector<16xf32>
    %swap3A_150 = arith.constant 272 : index
    %swap3A_151 = tpu.vector_load %arg10[%swap3A_150] {strides = array<i32>} : memref<640xf32, #tpu.memory_space<vmem>>, vector<16xf32>,
    %swap3A_152 = vector.shape_cast %swap3A_151 : vector<16xf32> to vector<16xf32>
    %swap3A_153 = vector.shape_cast %broadcast_in_dim3A_149 : vector<16xf32> to vector<16xf32>
    tpu.vector_store %arg10[%swap3A_150], %swap3A_153 {strides = array<i32>} : memref<640xf32, #tpu.memory_space<vmem>>, vector<16xf32>,
    %broadcast_in_dim3A_154 = arith.constant 0.000000e+00 : f32
    %broadcast_in_dim3A_155 = vector.broadcast %broadcast_in_dim3A_154 : f32 to vector<16xf32>
    %swap3A_156 = arith.constant 288 : index
    %swap3A_157 = tpu.vector_load %arg10[%swap3A_156] {strides = array<i32>} : memref<640xf32, #tpu.memory_space<vmem>>, vector<16xf32>,
    %swap3A_158 = vector.shape_cast %swap3A_157 : vector<16xf32> to vector<16xf32>
    %swap3A_159 = vector.shape_cast %broadcast_in_dim3A_155 : vector<16xf32> to vector<16xf32>
    tpu.vector_store %arg10[%swap3A_156], %swap3A_159 {strides = array<i32>} : memref<640xf32, #tpu.memory_space<vmem>>, vector<16xf32>,
    %broadcast_in_dim3A_160 = arith.constant 0.000000e+00 : f32
    %broadcast_in_dim3A_161 = vector.broadcast %broadcast_in_dim3A_160 : f32 to vector<16xf32>
    %swap3A_162 = arith.constant 304 : index
    %swap3A_163 = tpu.vector_load %arg10[%swap3A_162] {strides = array<i32>} : memref<640xf32, #tpu.memory_space<vmem>>, vector<16xf32>,
    %swap3A_164 = vector.shape_cast %swap3A_163 : vector<16xf32> to vector<16xf32>
    %swap3A_165 = vector.shape_cast %broadcast_in_dim3A_161 : vector<16xf32> to vector<16xf32>
    tpu.vector_store %arg10[%swap3A_162], %swap3A_165 {strides = array<i32>} : memref<640xf32, #tpu.memory_space<vmem>>, vector<16xf32>,
    %broadcast_in_dim3A_166 = arith.constant 0.000000e+00 : f32
    %broadcast_in_dim3A_167 = vector.broadcast %broadcast_in_dim3A_166 : f32 to vector<16xf32>
    %swap3A_168 = arith.constant 320 : index
    %swap3A_169 = tpu.vector_load %arg10[%swap3A_168] {strides = array<i32>} : memref<640xf32, #tpu.memory_space<vmem>>, vector<16xf32>,
    %swap3A_170 = vector.shape_cast %swap3A_169 : vector<16xf32> to vector<16xf32>
    %swap3A_171 = vector.shape_cast %broadcast_in_dim3A_167 : vector<16xf32> to vector<16xf32>
    tpu.vector_store %arg10[%swap3A_168], %swap3A_171 {strides = array<i32>} : memref<640xf32, #tpu.memory_space<vmem>>, vector<16xf32>,
    %broadcast_in_dim3A_172 = arith.constant 0.000000e+00 : f32
    %broadcast_in_dim3A_173 = vector.broadcast %broadcast_in_dim3A_172 : f32 to vector<16xf32>
    %swap3A_174 = arith.constant 336 : index
    %swap3A_175 = tpu.vector_load %arg10[%swap3A_174] {strides = array<i32>} : memref<640xf32, #tpu.memory_space<vmem>>, vector<16xf32>,
    %swap3A_176 = vector.shape_cast %swap3A_175 : vector<16xf32> to vector<16xf32>
    %swap3A_177 = vector.shape_cast %broadcast_in_dim3A_173 : vector<16xf32> to vector<16xf32>
    tpu.vector_store %arg10[%swap3A_174], %swap3A_177 {strides = array<i32>} : memref<640xf32, #tpu.memory_space<vmem>>, vector<16xf32>,
    %broadcast_in_dim3A_178 = arith.constant 0.000000e+00 : f32
    %broadcast_in_dim3A_179 = vector.broadcast %broadcast_in_dim3A_178 : f32 to vector<16xf32>
    %swap3A_180 = arith.constant 352 : index
    %swap3A_181 = tpu.vector_load %arg10[%swap3A_180] {strides = array<i32>} : memref<640xf32, #tpu.memory_space<vmem>>, vector<16xf32>,
    %swap3A_182 = vector.shape_cast %swap3A_181 : vector<16xf32> to vector<16xf32>
    %swap3A_183 = vector.shape_cast %broadcast_in_dim3A_179 : vector<16xf32> to vector<16xf32>
    tpu.vector_store %arg10[%swap3A_180], %swap3A_183 {strides = array<i32>} : memref<640xf32, #tpu.memory_space<vmem>>, vector<16xf32>,
    %broadcast_in_dim3A_184 = arith.constant 0.000000e+00 : f32
    %broadcast_in_dim3A_185 = vector.broadcast %broadcast_in_dim3A_184 : f32 to vector<16xf32>
    %swap3A_186 = arith.constant 368 : index
    %swap3A_187 = tpu.vector_load %arg10[%swap3A_186] {strides = array<i32>} : memref<640xf32, #tpu.memory_space<vmem>>, vector<16xf32>,
    %swap3A_188 = vector.shape_cast %swap3A_187 : vector<16xf32> to vector<16xf32>
    %swap3A_189 = vector.shape_cast %broadcast_in_dim3A_185 : vector<16xf32> to vector<16xf32>
    tpu.vector_store %arg10[%swap3A_186], %swap3A_189 {strides = array<i32>} : memref<640xf32, #tpu.memory_space<vmem>>, vector<16xf32>,
    %broadcast_in_dim3A_190 = arith.constant 0.000000e+00 : f32
    %broadcast_in_dim3A_191 = vector.broadcast %broadcast_in_dim3A_190 : f32 to vector<16xf32>
    %swap3A_192 = arith.constant 384 : index
    %swap3A_193 = tpu.vector_load %arg10[%swap3A_192] {strides = array<i32>} : memref<640xf32, #tpu.memory_space<vmem>>, vector<16xf32>,
    %swap3A_194 = vector.shape_cast %swap3A_193 : vector<16xf32> to vector<16xf32>
    %swap3A_195 = vector.shape_cast %broadcast_in_dim3A_191 : vector<16xf32> to vector<16xf32>
    tpu.vector_store %arg10[%swap3A_192], %swap3A_195 {strides = array<i32>} : memref<640xf32, #tpu.memory_space<vmem>>, vector<16xf32>,
    %broadcast_in_dim3A_196 = arith.constant 0.000000e+00 : f32
    %broadcast_in_dim3A_197 = vector.broadcast %broadcast_in_dim3A_196 : f32 to vector<16xf32>
    %swap3A_198 = arith.constant 400 : index
    %swap3A_199 = tpu.vector_load %arg10[%swap3A_198] {strides = array<i32>} : memref<640xf32, #tpu.memory_space<vmem>>, vector<16xf32>,
    %swap3A_200 = vector.shape_cast %swap3A_199 : vector<16xf32> to vector<16xf32>
    %swap3A_201 = vector.shape_cast %broadcast_in_dim3A_197 : vector<16xf32> to vector<16xf32>
    tpu.vector_store %arg10[%swap3A_198], %swap3A_201 {strides = array<i32>} : memref<640xf32, #tpu.memory_space<vmem>>, vector<16xf32>,
    %broadcast_in_dim3A_202 = arith.constant 0.000000e+00 : f32
    %broadcast_in_dim3A_203 = vector.broadcast %broadcast_in_dim3A_202 : f32 to vector<16xf32>
    %swap3A_204 = arith.constant 416 : index
    %swap3A_205 = tpu.vector_load %arg10[%swap3A_204] {strides = array<i32>} : memref<640xf32, #tpu.memory_space<vmem>>, vector<16xf32>,
    %swap3A_206 = vector.shape_cast %swap3A_205 : vector<16xf32> to vector<16xf32>
    %swap3A_207 = vector.shape_cast %broadcast_in_dim3A_203 : vector<16xf32> to vector<16xf32>
    tpu.vector_store %arg10[%swap3A_204], %swap3A_207 {strides = array<i32>} : memref<640xf32, #tpu.memory_space<vmem>>, vector<16xf32>,
    %broadcast_in_dim3A_208 = arith.constant 0.000000e+00 : f32
    %broadcast_in_dim3A_209 = vector.broadcast %broadcast_in_dim3A_208 : f32 to vector<16xf32>
    %swap3A_210 = arith.constant 432 : index
    %swap3A_211 = tpu.vector_load %arg10[%swap3A_210] {strides = array<i32>} : memref<640xf32, #tpu.memory_space<vmem>>, vector<16xf32>,
    %swap3A_212 = vector.shape_cast %swap3A_211 : vector<16xf32> to vector<16xf32>
    %swap3A_213 = vector.shape_cast %broadcast_in_dim3A_209 : vector<16xf32> to vector<16xf32>
    tpu.vector_store %arg10[%swap3A_210], %swap3A_213 {strides = array<i32>} : memref<640xf32, #tpu.memory_space<vmem>>, vector<16xf32>,
    %broadcast_in_dim3A_214 = arith.constant 0.000000e+00 : f32
    %broadcast_in_dim3A_215 = vector.broadcast %broadcast_in_dim3A_214 : f32 to vector<16xf32>
    %swap3A_216 = arith.constant 448 : index
    %swap3A_217 = tpu.vector_load %arg10[%swap3A_216] {strides = array<i32>} : memref<640xf32, #tpu.memory_space<vmem>>, vector<16xf32>,
    %swap3A_218 = vector.shape_cast %swap3A_217 : vector<16xf32> to vector<16xf32>
    %swap3A_219 = vector.shape_cast %broadcast_in_dim3A_215 : vector<16xf32> to vector<16xf32>
    tpu.vector_store %arg10[%swap3A_216], %swap3A_219 {strides = array<i32>} : memref<640xf32, #tpu.memory_space<vmem>>, vector<16xf32>,
    %broadcast_in_dim3A_220 = arith.constant 0.000000e+00 : f32
    %broadcast_in_dim3A_221 = vector.broadcast %broadcast_in_dim3A_220 : f32 to vector<16xf32>
    %swap3A_222 = arith.constant 464 : index
    %swap3A_223 = tpu.vector_load %arg10[%swap3A_222] {strides = array<i32>} : memref<640xf32, #tpu.memory_space<vmem>>, vector<16xf32>,
    %swap3A_224 = vector.shape_cast %swap3A_223 : vector<16xf32> to vector<16xf32>
    %swap3A_225 = vector.shape_cast %broadcast_in_dim3A_221 : vector<16xf32> to vector<16xf32>
    tpu.vector_store %arg10[%swap3A_222], %swap3A_225 {strides = array<i32>} : memref<640xf32, #tpu.memory_space<vmem>>, vector<16xf32>,
    %broadcast_in_dim3A_226 = arith.constant 0.000000e+00 : f32
    %broadcast_in_dim3A_227 = vector.broadcast %broadcast_in_dim3A_226 : f32 to vector<16xf32>
    %swap3A_228 = arith.constant 480 : index
    %swap3A_229 = tpu.vector_load %arg10[%swap3A_228] {strides = array<i32>} : memref<640xf32, #tpu.memory_space<vmem>>, vector<16xf32>,
    %swap3A_230 = vector.shape_cast %swap3A_229 : vector<16xf32> to vector<16xf32>
    %swap3A_231 = vector.shape_cast %broadcast_in_dim3A_227 : vector<16xf32> to vector<16xf32>
    tpu.vector_store %arg10[%swap3A_228], %swap3A_231 {strides = array<i32>} : memref<640xf32, #tpu.memory_space<vmem>>, vector<16xf32>,
    %broadcast_in_dim3A_232 = arith.constant 0.000000e+00 : f32
    %broadcast_in_dim3A_233 = vector.broadcast %broadcast_in_dim3A_232 : f32 to vector<16xf32>
    %swap3A_234 = arith.constant 496 : index
    %swap3A_235 = tpu.vector_load %arg10[%swap3A_234] {strides = array<i32>} : memref<640xf32, #tpu.memory_space<vmem>>, vector<16xf32>,
    %swap3A_236 = vector.shape_cast %swap3A_235 : vector<16xf32> to vector<16xf32>
    %swap3A_237 = vector.shape_cast %broadcast_in_dim3A_233 : vector<16xf32> to vector<16xf32>
    tpu.vector_store %arg10[%swap3A_234], %swap3A_237 {strides = array<i32>} : memref<640xf32, #tpu.memory_space<vmem>>, vector<16xf32>,
    %broadcast_in_dim3A_238 = arith.constant 0.000000e+00 : f32
    %broadcast_in_dim3A_239 = vector.broadcast %broadcast_in_dim3A_238 : f32 to vector<16xf32>
    %swap3A_240 = arith.constant 512 : index
    %swap3A_241 = tpu.vector_load %arg10[%swap3A_240] {strides = array<i32>} : memref<640xf32, #tpu.memory_space<vmem>>, vector<16xf32>,
    %swap3A_242 = vector.shape_cast %swap3A_241 : vector<16xf32> to vector<16xf32>
    %swap3A_243 = vector.shape_cast %broadcast_in_dim3A_239 : vector<16xf32> to vector<16xf32>
    tpu.vector_store %arg10[%swap3A_240], %swap3A_243 {strides = array<i32>} : memref<640xf32, #tpu.memory_space<vmem>>, vector<16xf32>,
    %broadcast_in_dim3A_244 = arith.constant 0.000000e+00 : f32
    %broadcast_in_dim3A_245 = vector.broadcast %broadcast_in_dim3A_244 : f32 to vector<16xf32>
    %swap3A_246 = arith.constant 528 : index
    %swap3A_247 = tpu.vector_load %arg10[%swap3A_246] {strides = array<i32>} : memref<640xf32, #tpu.memory_space<vmem>>, vector<16xf32>,
    %swap3A_248 = vector.shape_cast %swap3A_247 : vector<16xf32> to vector<16xf32>
    %swap3A_249 = vector.shape_cast %broadcast_in_dim3A_245 : vector<16xf32> to vector<16xf32>
    tpu.vector_store %arg10[%swap3A_246], %swap3A_249 {strides = array<i32>} : memref<640xf32, #tpu.memory_space<vmem>>, vector<16xf32>,
    %broadcast_in_dim3A_250 = arith.constant 0.000000e+00 : f32
    %broadcast_in_dim3A_251 = vector.broadcast %broadcast_in_dim3A_250 : f32 to vector<16xf32>
    %swap3A_252 = arith.constant 544 : index
    %swap3A_253 = tpu.vector_load %arg10[%swap3A_252] {strides = array<i32>} : memref<640xf32, #tpu.memory_space<vmem>>, vector<16xf32>,
    %swap3A_254 = vector.shape_cast %swap3A_253 : vector<16xf32> to vector<16xf32>
    %swap3A_255 = vector.shape_cast %broadcast_in_dim3A_251 : vector<16xf32> to vector<16xf32>
    tpu.vector_store %arg10[%swap3A_252], %swap3A_255 {strides = array<i32>} : memref<640xf32, #tpu.memory_space<vmem>>, vector<16xf32>,
    %broadcast_in_dim3A_256 = arith.constant 0.000000e+00 : f32
    %broadcast_in_dim3A_257 = vector.broadcast %broadcast_in_dim3A_256 : f32 to vector<16xf32>
    %swap3A_258 = arith.constant 560 : index
    %swap3A_259 = tpu.vector_load %arg10[%swap3A_258] {strides = array<i32>} : memref<640xf32, #tpu.memory_space<vmem>>, vector<16xf32>,
    %swap3A_260 = vector.shape_cast %swap3A_259 : vector<16xf32> to vector<16xf32>
    %swap3A_261 = vector.shape_cast %broadcast_in_dim3A_257 : vector<16xf32> to vector<16xf32>
    tpu.vector_store %arg10[%swap3A_258], %swap3A_261 {strides = array<i32>} : memref<640xf32, #tpu.memory_space<vmem>>, vector<16xf32>,
    %broadcast_in_dim3A_262 = arith.constant 0.000000e+00 : f32
    %broadcast_in_dim3A_263 = vector.broadcast %broadcast_in_dim3A_262 : f32 to vector<16xf32>
    %swap3A_264 = arith.constant 576 : index
    %swap3A_265 = tpu.vector_load %arg10[%swap3A_264] {strides = array<i32>} : memref<640xf32, #tpu.memory_space<vmem>>, vector<16xf32>,
    %swap3A_266 = vector.shape_cast %swap3A_265 : vector<16xf32> to vector<16xf32>
    %swap3A_267 = vector.shape_cast %broadcast_in_dim3A_263 : vector<16xf32> to vector<16xf32>
    tpu.vector_store %arg10[%swap3A_264], %swap3A_267 {strides = array<i32>} : memref<640xf32, #tpu.memory_space<vmem>>, vector<16xf32>,
    %broadcast_in_dim3A_268 = arith.constant 0.000000e+00 : f32
    %broadcast_in_dim3A_269 = vector.broadcast %broadcast_in_dim3A_268 : f32 to vector<16xf32>
    %swap3A_270 = arith.constant 592 : index
    %swap3A_271 = tpu.vector_load %arg10[%swap3A_270] {strides = array<i32>} : memref<640xf32, #tpu.memory_space<vmem>>, vector<16xf32>,
    %swap3A_272 = vector.shape_cast %swap3A_271 : vector<16xf32> to vector<16xf32>
    %swap3A_273 = vector.shape_cast %broadcast_in_dim3A_269 : vector<16xf32> to vector<16xf32>
    tpu.vector_store %arg10[%swap3A_270], %swap3A_273 {strides = array<i32>} : memref<640xf32, #tpu.memory_space<vmem>>, vector<16xf32>,
    %broadcast_in_dim3A_274 = arith.constant 0.000000e+00 : f32
    %broadcast_in_dim3A_275 = vector.broadcast %broadcast_in_dim3A_274 : f32 to vector<16xf32>
    %swap3A_276 = arith.constant 608 : index
    %swap3A_277 = tpu.vector_load %arg10[%swap3A_276] {strides = array<i32>} : memref<640xf32, #tpu.memory_space<vmem>>, vector<16xf32>,
    %swap3A_278 = vector.shape_cast %swap3A_277 : vector<16xf32> to vector<16xf32>
    %swap3A_279 = vector.shape_cast %broadcast_in_dim3A_275 : vector<16xf32> to vector<16xf32>
    tpu.vector_store %arg10[%swap3A_276], %swap3A_279 {strides = array<i32>} : memref<640xf32, #tpu.memory_space<vmem>>, vector<16xf32>,
    %broadcast_in_dim3A_280 = arith.constant 0.000000e+00 : f32
    %broadcast_in_dim3A_281 = vector.broadcast %broadcast_in_dim3A_280 : f32 to vector<16xf32>
    %swap3A_282 = arith.constant 624 : index
    %swap3A_283 = tpu.vector_load %arg10[%swap3A_282] {strides = array<i32>} : memref<640xf32, #tpu.memory_space<vmem>>, vector<16xf32>,
    %swap3A_284 = vector.shape_cast %swap3A_283 : vector<16xf32> to vector<16xf32>
    %swap3A_285 = vector.shape_cast %broadcast_in_dim3A_281 : vector<16xf32> to vector<16xf32>
    tpu.vector_store %arg10[%swap3A_282], %swap3A_285 {strides = array<i32>} : memref<640xf32, #tpu.memory_space<vmem>>, vector<16xf32>,
    %mul3A = arith.constant 640 : i32
    %mul3A_286 = arith.muli %arg1, %mul3A : i32
    %multiple_of3A = tpu.assume_multiple %mul3A_286, 8 : i32
    "tpu.region"() ({
      %run_scoped3A_319 = tpu.sem_alloc : memref<!tpu.dma_semaphore, #tpu.memory_space<semaphore_mem>>
      %dma_start3A_320 = tpu.memref_slice %arg11[%multiple_of3A] : memref<10240xf32, #tpu.memory_space<vmem_shared>> -> memref<640xf32, #tpu.memory_space<vmem_shared>>
      %dma_start3A_321 = tpu.memref_slice %arg11[%multiple_of3A] : memref<10240xf32, #tpu.memory_space<vmem_shared>> -> memref<640xf32, #tpu.memory_space<vmem_shared>>
      tpu.enqueue_dma source(%arg10 : memref<640xf32, #tpu.memory_space<vmem>>) target(%dma_start3A_321 : memref<640xf32, #tpu.memory_space<vmem_shared>>) target_semaphore(%run_scoped3A_319 : memref<!tpu.dma_semaphore, #tpu.memory_space<semaphore_mem>>)
      %dma_wait3A_322 = tpu.memref_slice %arg11[%multiple_of3A] : memref<10240xf32, #tpu.memory_space<vmem_shared>> -> memref<640xf32, #tpu.memory_space<vmem_shared>>
      %dma_wait3A_323 = tpu.memref_slice %arg11[%multiple_of3A] : memref<10240xf32, #tpu.memory_space<vmem_shared>> -> memref<640xf32, #tpu.memory_space<vmem_shared>>
      tpu.wait_dma2 semaphore(%run_scoped3A_319 : memref<!tpu.dma_semaphore, #tpu.memory_space<semaphore_mem>>) src(%arg10 : memref<640xf32, #tpu.memory_space<vmem>>) dst(%dma_wait3A_323 : memref<640xf32, #tpu.memory_space<vmem_shared>>)
      tpu.yield
    }) : () -> ()
    "tpu.region"() ({
      %run_scoped3A_319 = tpu.sem_alloc : memref<!tpu.dma_semaphore, #tpu.memory_space<semaphore_mem>>
      %dma_start3A_320 = tpu.memref_slice %arg12[%multiple_of3A] : memref<10240xf32, #tpu.memory_space<vmem_shared>> -> memref<640xf32, #tpu.memory_space<vmem_shared>>
      %dma_start3A_321 = tpu.memref_slice %arg12[%multiple_of3A] : memref<10240xf32, #tpu.memory_space<vmem_shared>> -> memref<640xf32, #tpu.memory_space<vmem_shared>>
      tpu.enqueue_dma source(%arg10 : memref<640xf32, #tpu.memory_space<vmem>>) target(%dma_start3A_321 : memref<640xf32, #tpu.memory_space<vmem_shared>>) target_semaphore(%run_scoped3A_319 : memref<!tpu.dma_semaphore, #tpu.memory_space<semaphore_mem>>)
      %dma_wait3A_322 = tpu.memref_slice %arg12[%multiple_of3A] : memref<10240xf32, #tpu.memory_space<vmem_shared>> -> memref<640xf32, #tpu.memory_space<vmem_shared>>
      %dma_wait3A_323 = tpu.memref_slice %arg12[%multiple_of3A] : memref<10240xf32, #tpu.memory_space<vmem_shared>> -> memref<640xf32, #tpu.memory_space<vmem_shared>>
      tpu.wait_dma2 semaphore(%run_scoped3A_319 : memref<!tpu.dma_semaphore, #tpu.memory_space<semaphore_mem>>) src(%arg10 : memref<640xf32, #tpu.memory_space<vmem>>) dst(%dma_wait3A_323 : memref<640xf32, #tpu.memory_space<vmem_shared>>)
      tpu.yield
    }) : () -> ()
    %barrier3A = arith.constant 0 : index
    tpu.barrier barrier_id(%barrier3A)
    %mul3A_287 = arith.constant 16 : i32
    %mul3A_288 = arith.muli %arg0, %mul3A_287 : i32
    %add3A = arith.addi %mul3A_288, %arg1 : i32
    %mul3A_289 = arith.constant 10240 : i32
    %mul3A_290 = arith.muli %add3A, %mul3A_289 : i32
    %multiple_of3A_291 = tpu.assume_multiple %mul3A_290, 8 : i32
    %dma_start3A = tpu.memref_slice %arg2[%multiple_of3A_291] : memref<327680xi32, #tpu.memory_space<hbm>> -> memref<128xi32, #tpu.memory_space<hbm>>
    %dma_start3A_292 = tpu.memref_slice %arg2[%multiple_of3A_291] : memref<327680xi32, #tpu.memory_space<hbm>> -> memref<128xi32, #tpu.memory_space<hbm>>
    tpu.enqueue_dma source(%dma_start3A_292 : memref<128xi32, #tpu.memory_space<hbm>>) target(%arg5 : memref<128xi32, #tpu.memory_space<vmem>>) target_semaphore(%arg13 : memref<!tpu.dma_semaphore, #tpu.memory_space<semaphore_mem>>)
    %dma_start3A_293 = tpu.memref_slice %arg3[%multiple_of3A_291] : memref<327680xi32, #tpu.memory_space<hbm>> -> memref<128xi32, #tpu.memory_space<hbm>>
    %dma_start3A_294 = tpu.memref_slice %arg3[%multiple_of3A_291] : memref<327680xi32, #tpu.memory_space<hbm>> -> memref<128xi32, #tpu.memory_space<hbm>>
    tpu.enqueue_dma source(%dma_start3A_294 : memref<128xi32, #tpu.memory_space<hbm>>) target(%arg7 : memref<128xi32, #tpu.memory_space<vmem>>) target_semaphore(%arg15 : memref<!tpu.dma_semaphore, #tpu.memory_space<semaphore_mem>>)
    %add3A_295 = arith.constant 128 : i32
    %add3A_296 = arith.addi %multiple_of3A_291, %add3A_295 : i32
    %multiple_of3A_297 = tpu.assume_multiple %add3A_296, 8 : i32
    %dma_start3A_298 = tpu.memref_slice %arg2[%multiple_of3A_297] : memref<327680xi32, #tpu.memory_space<hbm>> -> memref<128xi32, #tpu.memory_space<hbm>>
    %dma_start3A_299 = tpu.memref_slice %arg2[%multiple_of3A_297] : memref<327680xi32, #tpu.memory_space<hbm>> -> memref<128xi32, #tpu.memory_space<hbm>>
    tpu.enqueue_dma source(%dma_start3A_299 : memref<128xi32, #tpu.memory_space<hbm>>) target(%arg6 : memref<128xi32, #tpu.memory_space<vmem>>) target_semaphore(%arg14 : memref<!tpu.dma_semaphore, #tpu.memory_space<semaphore_mem>>)
    %add3A_300 = arith.constant 128 : i32
    %add3A_301 = arith.addi %multiple_of3A_291, %add3A_300 : i32
    %multiple_of3A_302 = tpu.assume_multiple %add3A_301, 8 : i32
    %dma_start3A_303 = tpu.memref_slice %arg3[%multiple_of3A_302] : memref<327680xi32, #tpu.memory_space<hbm>> -> memref<128xi32, #tpu.memory_space<hbm>>
    %dma_start3A_304 = tpu.memref_slice %arg3[%multiple_of3A_302] : memref<327680xi32, #tpu.memory_space<hbm>> -> memref<128xi32, #tpu.memory_space<hbm>>
    tpu.enqueue_dma source(%dma_start3A_304 : memref<128xi32, #tpu.memory_space<hbm>>) target(%arg8 : memref<128xi32, #tpu.memory_space<vmem>>) target_semaphore(%arg16 : memref<!tpu.dma_semaphore, #tpu.memory_space<semaphore_mem>>)
    %scan3A = arith.constant 0 : i32
    %scan3A_305 = arith.constant 0 : i32
    %scan3A_306 = arith.constant 40 : i32
    %scan3A_307 = arith.addi %scan3A_305, %scan3A_306 : i32
    %scan3A_308 = arith.constant 1 : i32
    scf.for %scan3A_319 = %scan3A_305 to %scan3A_307 step %scan3A_308  : i32 {
      %mul3A_320 = arith.constant 2 : i32
      %mul3A_321 = arith.muli %mul3A_320, %scan3A_319 : i32
      %add3A_322 = arith.constant 2 : i32
      %add3A_323 = arith.addi %mul3A_321, %add3A_322 : i32
      %jit3A = arith.constant 80 : i32
      %eq3A = arith.constant 0 : i32
      %eq3A_324 = arith.cmpi eq, %jit3A, %eq3A : i32
      %jit3A_325 = arith.constant 1 : i32
      %select_n3A = arith.select %eq3A_324, %jit3A_325, %jit3A : i32
      %rem3A = arith.remsi %add3A_323, %select_n3A : i32
      %ne3A = arith.constant 0 : i32
      %ne3A_326 = arith.cmpi ne, %rem3A, %ne3A : i32
      %lt3A = arith.constant 0 : i32
      %lt3A_327 = arith.cmpi slt, %rem3A, %lt3A : i32
      %lt3A_328 = arith.constant 0 : i32
      %lt3A_329 = arith.cmpi slt, %select_n3A, %lt3A_328 : i32
      %ne3A_330 = arith.xori %lt3A_327, %lt3A_329 : i1
      %and3A = arith.andi %ne3A_330, %ne3A_326 : i1
      %add3A_331 = arith.addi %rem3A, %select_n3A : i32
      %select_n3A_332 = arith.select %and3A, %add3A_331, %rem3A : i32
      %mul3A_333 = arith.constant 128 : i32
      %mul3A_334 = arith.muli %select_n3A_332, %mul3A_333 : i32
      %add3A_335 = arith.addi %multiple_of3A_291, %mul3A_334 : i32
      %multiple_of3A_336 = tpu.assume_multiple %add3A_335, 8 : i32
      %add3A_337 = arith.constant 3 : i32
      %add3A_338 = arith.addi %mul3A_321, %add3A_337 : i32
      %jit3A_339 = arith.constant 80 : i32
      %eq3A_340 = arith.constant 0 : i32
      %eq3A_341 = arith.cmpi eq, %jit3A_339, %eq3A_340 : i32
      %jit3A_342 = arith.constant 1 : i32
      %select_n3A_343 = arith.select %eq3A_341, %jit3A_342, %jit3A_339 : i32
      %rem3A_344 = arith.remsi %add3A_338, %select_n3A_343 : i32
      %ne3A_345 = arith.constant 0 : i32
      %ne3A_346 = arith.cmpi ne, %rem3A_344, %ne3A_345 : i32
      %lt3A_347 = arith.constant 0 : i32
      %lt3A_348 = arith.cmpi slt, %rem3A_344, %lt3A_347 : i32
      %lt3A_349 = arith.constant 0 : i32
      %lt3A_350 = arith.cmpi slt, %select_n3A_343, %lt3A_349 : i32
      %ne3A_351 = arith.xori %lt3A_348, %lt3A_350 : i1
      %and3A_352 = arith.andi %ne3A_351, %ne3A_346 : i1
      %add3A_353 = arith.addi %rem3A_344, %select_n3A_343 : i32
      %select_n3A_354 = arith.select %and3A_352, %add3A_353, %rem3A_344 : i32
      %mul3A_355 = arith.constant 128 : i32
      %mul3A_356 = arith.muli %select_n3A_354, %mul3A_355 : i32
      %add3A_357 = arith.addi %multiple_of3A_291, %mul3A_356 : i32
      %multiple_of3A_358 = tpu.assume_multiple %add3A_357, 8 : i32
      %dma_wait3A_359 = tpu.memref_slice %arg2[%multiple_of3A_291] : memref<327680xi32, #tpu.memory_space<hbm>> -> memref<128xi32, #tpu.memory_space<hbm>>
      %dma_wait3A_360 = tpu.memref_slice %arg2[%multiple_of3A_291] : memref<327680xi32, #tpu.memory_space<hbm>> -> memref<128xi32, #tpu.memory_space<hbm>>
      tpu.wait_dma2 semaphore(%arg13 : memref<!tpu.dma_semaphore, #tpu.memory_space<semaphore_mem>>) src(%dma_wait3A_360 : memref<128xi32, #tpu.memory_space<hbm>>) dst(%arg5 : memref<128xi32, #tpu.memory_space<vmem>>)
      "tpu.region"() ({
        %run_scoped3A_375 = tpu.sem_alloc : memref<!tpu.dma_semaphore, #tpu.memory_space<semaphore_mem>>
        %dma_start3A_376 = arith.constant 0 : i32
        %dma_start3A_377 = tpu.memref_slice %arg11[%dma_start3A_376] : memref<10240xf32, #tpu.memory_space<vmem_shared>> -> memref<10240xf32, #tpu.memory_space<vmem_shared>>
        tpu.enqueue_indirect_dma source(%arg9 : memref<128xf32, #tpu.memory_space<vmem>>) target(%dma_start3A_377 : memref<10240xf32, #tpu.memory_space<vmem_shared>>) offsets(%arg5 : memref<128xi32, #tpu.memory_space<vmem>>) semaphore(%run_scoped3A_375 : memref<!tpu.dma_semaphore, #tpu.memory_space<semaphore_mem>>) {add = true}
        %dma_wait3A_378 = arith.constant 0 : i32
        %dma_wait3A_379 = tpu.memref_slice %arg11[%dma_wait3A_378] : memref<10240xf32, #tpu.memory_space<vmem_shared>> -> memref<10240xf32, #tpu.memory_space<vmem_shared>>
        tpu.wait_indirect_dma semaphore(%run_scoped3A_375 : memref<!tpu.dma_semaphore, #tpu.memory_space<semaphore_mem>>) src(%arg9 : memref<128xf32, #tpu.memory_space<vmem>>) dst(%dma_wait3A_379 : memref<10240xf32, #tpu.memory_space<vmem_shared>>)
        tpu.yield
      }) : () -> ()
      %dma_start3A_361 = tpu.memref_slice %arg2[%multiple_of3A_336] : memref<327680xi32, #tpu.memory_space<hbm>> -> memref<128xi32, #tpu.memory_space<hbm>>
      %dma_start3A_362 = tpu.memref_slice %arg2[%multiple_of3A_336] : memref<327680xi32, #tpu.memory_space<hbm>> -> memref<128xi32, #tpu.memory_space<hbm>>
      tpu.enqueue_dma source(%dma_start3A_362 : memref<128xi32, #tpu.memory_space<hbm>>) target(%arg5 : memref<128xi32, #tpu.memory_space<vmem>>) target_semaphore(%arg13 : memref<!tpu.dma_semaphore, #tpu.memory_space<semaphore_mem>>)
      %dma_wait3A_363 = tpu.memref_slice %arg3[%multiple_of3A_291] : memref<327680xi32, #tpu.memory_space<hbm>> -> memref<128xi32, #tpu.memory_space<hbm>>
      %dma_wait3A_364 = tpu.memref_slice %arg3[%multiple_of3A_291] : memref<327680xi32, #tpu.memory_space<hbm>> -> memref<128xi32, #tpu.memory_space<hbm>>
      tpu.wait_dma2 semaphore(%arg15 : memref<!tpu.dma_semaphore, #tpu.memory_space<semaphore_mem>>) src(%dma_wait3A_364 : memref<128xi32, #tpu.memory_space<hbm>>) dst(%arg7 : memref<128xi32, #tpu.memory_space<vmem>>)
      "tpu.region"() ({
        %run_scoped3A_375 = tpu.sem_alloc : memref<!tpu.dma_semaphore, #tpu.memory_space<semaphore_mem>>
        %dma_start3A_376 = arith.constant 0 : i32
        %dma_start3A_377 = tpu.memref_slice %arg12[%dma_start3A_376] : memref<10240xf32, #tpu.memory_space<vmem_shared>> -> memref<10240xf32, #tpu.memory_space<vmem_shared>>
        tpu.enqueue_indirect_dma source(%arg9 : memref<128xf32, #tpu.memory_space<vmem>>) target(%dma_start3A_377 : memref<10240xf32, #tpu.memory_space<vmem_shared>>) offsets(%arg7 : memref<128xi32, #tpu.memory_space<vmem>>) semaphore(%run_scoped3A_375 : memref<!tpu.dma_semaphore, #tpu.memory_space<semaphore_mem>>) {add = true}
        %dma_wait3A_378 = arith.constant 0 : i32
        %dma_wait3A_379 = tpu.memref_slice %arg12[%dma_wait3A_378] : memref<10240xf32, #tpu.memory_space<vmem_shared>> -> memref<10240xf32, #tpu.memory_space<vmem_shared>>
        tpu.wait_indirect_dma semaphore(%run_scoped3A_375 : memref<!tpu.dma_semaphore, #tpu.memory_space<semaphore_mem>>) src(%arg9 : memref<128xf32, #tpu.memory_space<vmem>>) dst(%dma_wait3A_379 : memref<10240xf32, #tpu.memory_space<vmem_shared>>)
        tpu.yield
      }) : () -> ()
      %dma_start3A_365 = tpu.memref_slice %arg3[%multiple_of3A_336] : memref<327680xi32, #tpu.memory_space<hbm>> -> memref<128xi32, #tpu.memory_space<hbm>>
      %dma_start3A_366 = tpu.memref_slice %arg3[%multiple_of3A_336] : memref<327680xi32, #tpu.memory_space<hbm>> -> memref<128xi32, #tpu.memory_space<hbm>>
      tpu.enqueue_dma source(%dma_start3A_366 : memref<128xi32, #tpu.memory_space<hbm>>) target(%arg7 : memref<128xi32, #tpu.memory_space<vmem>>) target_semaphore(%arg15 : memref<!tpu.dma_semaphore, #tpu.memory_space<semaphore_mem>>)
      %dma_wait3A_367 = tpu.memref_slice %arg2[%multiple_of3A_291] : memref<327680xi32, #tpu.memory_space<hbm>> -> memref<128xi32, #tpu.memory_space<hbm>>
      %dma_wait3A_368 = tpu.memref_slice %arg2[%multiple_of3A_291] : memref<327680xi32, #tpu.memory_space<hbm>> -> memref<128xi32, #tpu.memory_space<hbm>>
      tpu.wait_dma2 semaphore(%arg14 : memref<!tpu.dma_semaphore, #tpu.memory_space<semaphore_mem>>) src(%dma_wait3A_368 : memref<128xi32, #tpu.memory_space<hbm>>) dst(%arg6 : memref<128xi32, #tpu.memory_space<vmem>>)
      "tpu.region"() ({
        %run_scoped3A_375 = tpu.sem_alloc : memref<!tpu.dma_semaphore, #tpu.memory_space<semaphore_mem>>
        %dma_start3A_376 = arith.constant 0 : i32
        %dma_start3A_377 = tpu.memref_slice %arg11[%dma_start3A_376] : memref<10240xf32, #tpu.memory_space<vmem_shared>> -> memref<10240xf32, #tpu.memory_space<vmem_shared>>
        tpu.enqueue_indirect_dma source(%arg9 : memref<128xf32, #tpu.memory_space<vmem>>) target(%dma_start3A_377 : memref<10240xf32, #tpu.memory_space<vmem_shared>>) offsets(%arg6 : memref<128xi32, #tpu.memory_space<vmem>>) semaphore(%run_scoped3A_375 : memref<!tpu.dma_semaphore, #tpu.memory_space<semaphore_mem>>) {add = true}
        %dma_wait3A_378 = arith.constant 0 : i32
        %dma_wait3A_379 = tpu.memref_slice %arg11[%dma_wait3A_378] : memref<10240xf32, #tpu.memory_space<vmem_shared>> -> memref<10240xf32, #tpu.memory_space<vmem_shared>>
        tpu.wait_indirect_dma semaphore(%run_scoped3A_375 : memref<!tpu.dma_semaphore, #tpu.memory_space<semaphore_mem>>) src(%arg9 : memref<128xf32, #tpu.memory_space<vmem>>) dst(%dma_wait3A_379 : memref<10240xf32, #tpu.memory_space<vmem_shared>>)
        tpu.yield
      }) : () -> ()
      %dma_start3A_369 = tpu.memref_slice %arg2[%multiple_of3A_358] : memref<327680xi32, #tpu.memory_space<hbm>> -> memref<128xi32, #tpu.memory_space<hbm>>
      %dma_start3A_370 = tpu.memref_slice %arg2[%multiple_of3A_358] : memref<327680xi32, #tpu.memory_space<hbm>> -> memref<128xi32, #tpu.memory_space<hbm>>
      tpu.enqueue_dma source(%dma_start3A_370 : memref<128xi32, #tpu.memory_space<hbm>>) target(%arg6 : memref<128xi32, #tpu.memory_space<vmem>>) target_semaphore(%arg14 : memref<!tpu.dma_semaphore, #tpu.memory_space<semaphore_mem>>)
      %dma_wait3A_371 = tpu.memref_slice %arg3[%multiple_of3A_291] : memref<327680xi32, #tpu.memory_space<hbm>> -> memref<128xi32, #tpu.memory_space<hbm>>
      %dma_wait3A_372 = tpu.memref_slice %arg3[%multiple_of3A_291] : memref<327680xi32, #tpu.memory_space<hbm>> -> memref<128xi32, #tpu.memory_space<hbm>>
      tpu.wait_dma2 semaphore(%arg16 : memref<!tpu.dma_semaphore, #tpu.memory_space<semaphore_mem>>) src(%dma_wait3A_372 : memref<128xi32, #tpu.memory_space<hbm>>) dst(%arg8 : memref<128xi32, #tpu.memory_space<vmem>>)
      "tpu.region"() ({
        %run_scoped3A_375 = tpu.sem_alloc : memref<!tpu.dma_semaphore, #tpu.memory_space<semaphore_mem>>
        %dma_start3A_376 = arith.constant 0 : i32
        %dma_start3A_377 = tpu.memref_slice %arg12[%dma_start3A_376] : memref<10240xf32, #tpu.memory_space<vmem_shared>> -> memref<10240xf32, #tpu.memory_space<vmem_shared>>
        tpu.enqueue_indirect_dma source(%arg9 : memref<128xf32, #tpu.memory_space<vmem>>) target(%dma_start3A_377 : memref<10240xf32, #tpu.memory_space<vmem_shared>>) offsets(%arg8 : memref<128xi32, #tpu.memory_space<vmem>>) semaphore(%run_scoped3A_375 : memref<!tpu.dma_semaphore, #tpu.memory_space<semaphore_mem>>) {add = true}
        %dma_wait3A_378 = arith.constant 0 : i32
        %dma_wait3A_379 = tpu.memref_slice %arg12[%dma_wait3A_378] : memref<10240xf32, #tpu.memory_space<vmem_shared>> -> memref<10240xf32, #tpu.memory_space<vmem_shared>>
        tpu.wait_indirect_dma semaphore(%run_scoped3A_375 : memref<!tpu.dma_semaphore, #tpu.memory_space<semaphore_mem>>) src(%arg9 : memref<128xf32, #tpu.memory_space<vmem>>) dst(%dma_wait3A_379 : memref<10240xf32, #tpu.memory_space<vmem_shared>>)
        tpu.yield
      }) : () -> ()
      %dma_start3A_373 = tpu.memref_slice %arg3[%multiple_of3A_358] : memref<327680xi32, #tpu.memory_space<hbm>> -> memref<128xi32, #tpu.memory_space<hbm>>
      %dma_start3A_374 = tpu.memref_slice %arg3[%multiple_of3A_358] : memref<327680xi32, #tpu.memory_space<hbm>> -> memref<128xi32, #tpu.memory_space<hbm>>
      tpu.enqueue_dma source(%dma_start3A_374 : memref<128xi32, #tpu.memory_space<hbm>>) target(%arg8 : memref<128xi32, #tpu.memory_space<vmem>>) target_semaphore(%arg16 : memref<!tpu.dma_semaphore, #tpu.memory_space<semaphore_mem>>)
    }
    %scan3A_309 = arith.constant 40 : i32
    %dma_wait3A = tpu.memref_slice %arg2[%multiple_of3A_291] : memref<327680xi32, #tpu.memory_space<hbm>> -> memref<128xi32, #tpu.memory_space<hbm>>
    %dma_wait3A_310 = tpu.memref_slice %arg2[%multiple_of3A_291] : memref<327680xi32, #tpu.memory_space<hbm>> -> memref<128xi32, #tpu.memory_space<hbm>>
    tpu.wait_dma2 semaphore(%arg13 : memref<!tpu.dma_semaphore, #tpu.memory_space<semaphore_mem>>) src(%dma_wait3A_310 : memref<128xi32, #tpu.memory_space<hbm>>) dst(%arg5 : memref<128xi32, #tpu.memory_space<vmem>>)
    %dma_wait3A_311 = tpu.memref_slice %arg3[%multiple_of3A_291] : memref<327680xi32, #tpu.memory_space<hbm>> -> memref<128xi32, #tpu.memory_space<hbm>>
    %dma_wait3A_312 = tpu.memref_slice %arg3[%multiple_of3A_291] : memref<327680xi32, #tpu.memory_space<hbm>> -> memref<128xi32, #tpu.memory_space<hbm>>
    tpu.wait_dma2 semaphore(%arg15 : memref<!tpu.dma_semaphore, #tpu.memory_space<semaphore_mem>>) src(%dma_wait3A_312 : memref<128xi32, #tpu.memory_space<hbm>>) dst(%arg7 : memref<128xi32, #tpu.memory_space<vmem>>)
    %dma_wait3A_313 = tpu.memref_slice %arg2[%multiple_of3A_291] : memref<327680xi32, #tpu.memory_space<hbm>> -> memref<128xi32, #tpu.memory_space<hbm>>
    %dma_wait3A_314 = tpu.memref_slice %arg2[%multiple_of3A_291] : memref<327680xi32, #tpu.memory_space<hbm>> -> memref<128xi32, #tpu.memory_space<hbm>>
    tpu.wait_dma2 semaphore(%arg14 : memref<!tpu.dma_semaphore, #tpu.memory_space<semaphore_mem>>) src(%dma_wait3A_314 : memref<128xi32, #tpu.memory_space<hbm>>) dst(%arg6 : memref<128xi32, #tpu.memory_space<vmem>>)
    %dma_wait3A_315 = tpu.memref_slice %arg3[%multiple_of3A_291] : memref<327680xi32, #tpu.memory_space<hbm>> -> memref<128xi32, #tpu.memory_space<hbm>>
    %dma_wait3A_316 = tpu.memref_slice %arg3[%multiple_of3A_291] : memref<327680xi32, #tpu.memory_space<hbm>> -> memref<128xi32, #tpu.memory_space<hbm>>
    tpu.wait_dma2 semaphore(%arg16 : memref<!tpu.dma_semaphore, #tpu.memory_space<semaphore_mem>>) src(%dma_wait3A_316 : memref<128xi32, #tpu.memory_space<hbm>>) dst(%arg8 : memref<128xi32, #tpu.memory_space<vmem>>)
    %barrier3A_317 = arith.constant 0 : index
    tpu.barrier barrier_id(%barrier3A_317)
    %run_scoped3A = arith.constant 0 : i32
    "tpu.region"() ({
      %run_scoped3A_319 = tpu.sem_alloc : memref<!tpu.dma_semaphore, #tpu.memory_space<semaphore_mem>>
      %dma_start3A_320 = tpu.memref_slice %arg4[%arg0, %run_scoped3A, %multiple_of3A] : memref<2x2x10240xf32, #tpu.memory_space<hbm>> -> memref<1x1x640xf32, #tpu.memory_space<hbm>>
      %dma_start3A_321 = tpu.memref_squeeze %dma_start3A_320 : memref<1x1x640xf32, #tpu.memory_space<hbm>> -> memref<640xf32, #tpu.memory_space<hbm>>
      %dma_start3A_322 = tpu.memref_slice %arg11[%multiple_of3A] : memref<10240xf32, #tpu.memory_space<vmem_shared>> -> memref<640xf32, #tpu.memory_space<vmem_shared>>
      tpu.enqueue_dma source(%dma_start3A_322 : memref<640xf32, #tpu.memory_space<vmem_shared>>) target(%dma_start3A_321 : memref<640xf32, #tpu.memory_space<hbm>>) target_semaphore(%run_scoped3A_319 : memref<!tpu.dma_semaphore, #tpu.memory_space<semaphore_mem>>)
      %dma_wait3A_323 = tpu.memref_slice %arg4[%arg0, %run_scoped3A, %multiple_of3A] : memref<2x2x10240xf32, #tpu.memory_space<hbm>> -> memref<1x1x640xf32, #tpu.memory_space<hbm>>
      %dma_wait3A_324 = tpu.memref_squeeze %dma_wait3A_323 : memref<1x1x640xf32, #tpu.memory_space<hbm>> -> memref<640xf32, #tpu.memory_space<hbm>>
      %dma_wait3A_325 = tpu.memref_slice %arg11[%multiple_of3A] : memref<10240xf32, #tpu.memory_space<vmem_shared>> -> memref<640xf32, #tpu.memory_space<vmem_shared>>
      tpu.wait_dma2 semaphore(%run_scoped3A_319 : memref<!tpu.dma_semaphore, #tpu.memory_space<semaphore_mem>>) src(%dma_wait3A_325 : memref<640xf32, #tpu.memory_space<vmem_shared>>) dst(%dma_wait3A_324 : memref<640xf32, #tpu.memory_space<hbm>>)
      tpu.yield
    }) : () -> ()
    %run_scoped3A_318 = arith.constant 1 : i32
    "tpu.region"() ({
      %run_scoped3A_319 = tpu.sem_alloc : memref<!tpu.dma_semaphore, #tpu.memory_space<semaphore_mem>>
      %dma_start3A_320 = tpu.memref_slice %arg4[%arg0, %run_scoped3A_318, %multiple_of3A] : memref<2x2x10240xf32, #tpu.memory_space<hbm>> -> memref<1x1x640xf32, #tpu.memory_space<hbm>>
      %dma_start3A_321 = tpu.memref_squeeze %dma_start3A_320 : memref<1x1x640xf32, #tpu.memory_space<hbm>> -> memref<640xf32, #tpu.memory_space<hbm>>
      %dma_start3A_322 = tpu.memref_slice %arg12[%multiple_of3A] : memref<10240xf32, #tpu.memory_space<vmem_shared>> -> memref<640xf32, #tpu.memory_space<vmem_shared>>
      tpu.enqueue_dma source(%dma_start3A_322 : memref<640xf32, #tpu.memory_space<vmem_shared>>) target(%dma_start3A_321 : memref<640xf32, #tpu.memory_space<hbm>>) target_semaphore(%run_scoped3A_319 : memref<!tpu.dma_semaphore, #tpu.memory_space<semaphore_mem>>)
      %dma_wait3A_323 = tpu.memref_slice %arg4[%arg0, %run_scoped3A_318, %multiple_of3A] : memref<2x2x10240xf32, #tpu.memory_space<hbm>> -> memref<1x1x640xf32, #tpu.memory_space<hbm>>
      %dma_wait3A_324 = tpu.memref_squeeze %dma_wait3A_323 : memref<1x1x640xf32, #tpu.memory_space<hbm>> -> memref<640xf32, #tpu.memory_space<hbm>>
      %dma_wait3A_325 = tpu.memref_slice %arg12[%multiple_of3A] : memref<10240xf32, #tpu.memory_space<vmem_shared>> -> memref<640xf32, #tpu.memory_space<vmem_shared>>
      tpu.wait_dma2 semaphore(%run_scoped3A_319 : memref<!tpu.dma_semaphore, #tpu.memory_space<semaphore_mem>>) src(%dma_wait3A_325 : memref<640xf32, #tpu.memory_space<vmem_shared>>) dst(%dma_wait3A_324 : memref<640xf32, #tpu.memory_space<hbm>>)
      tpu.yield
    }) : () -> ()
    return
  }
}

#map = affine_map<(d0, d1) -> (0, 0)>
#map1 = affine_map<(d0, d1) -> (0)>
#map2 = affine_map<(d0, d1) -> (0, 0, 0)>
module attributes {stable_mosaic.version = 14 : i64} {
  func.func @_agg_body(%arg0: i32, %arg1: i32, %arg2: memref<10240x128xf32, #tpu.memory_space<hbm>>, %arg3: memref<327680xi32, #tpu.memory_space<hbm>>, %arg4: memref<327680xi32, #tpu.memory_space<hbm>>, %arg5: memref<2x10240x128xf32, #tpu.memory_space<hbm>>, %arg6: memref<10240xi32, #tpu.memory_space<vmem>>, %arg7: memref<128xi32, #tpu.memory_space<vmem>>, %arg8: memref<128xi32, #tpu.memory_space<vmem>>, %arg9: memref<128x128xf32, #tpu.memory_space<vmem>>, %arg10: memref<128x128xf32, #tpu.memory_space<vmem>>, %arg11: memref<10240x128xf32, #tpu.memory_space<vmem_shared>>, %arg12: memref<!tpu.dma_semaphore, #tpu.memory_space<semaphore_mem>>, %arg13: memref<!tpu.dma_semaphore, #tpu.memory_space<semaphore_mem>>, %arg14: memref<!tpu.dma_semaphore, #tpu.memory_space<semaphore_mem>>, %arg15: memref<!tpu.dma_semaphore, #tpu.memory_space<semaphore_mem>>) attributes {dimension_semantics = [#tpu.dimension_semantics<core_parallel>, #tpu.dimension_semantics<subcore_parallel>], iteration_bounds = array<i64: 2, 16>, scalar_prefetch = 0 : i64, scratch_operands = 10 : i64, tpu.core_type = #tpu.core_type<sc_vector_subcore>, window_params = [{transform_indices = #map}, {transform_indices = #map1}, {transform_indices = #map1}, {transform_indices = #map2}]} {
    %scan3A = arith.constant 0 : i32
    %scan3A_0 = arith.constant 0 : i32
    %scan3A_1 = arith.constant 128 : i32
    %scan3A_2 = arith.addi %scan3A_0, %scan3A_1 : i32
    %scan3A_3 = arith.constant 1 : i32
    scf.for %scan3A_77 = %scan3A_0 to %scan3A_2 step %scan3A_3  : i32 {
      %broadcast_in_dim3A = arith.constant 0.000000e+00 : f32
      %broadcast_in_dim3A_78 = vector.broadcast %broadcast_in_dim3A : f32 to vector<16xf32>
      %swap3A = arith.index_cast %scan3A_77 : i32 to index
      %swap3A_79 = arith.constant 0 : index
      %swap3A_80 = tpu.vector_load %arg9[%swap3A, %swap3A_79] {strides = array<i32>} : memref<128x128xf32, #tpu.memory_space<vmem>>, vector<1x16xf32>,
      %swap3A_81 = vector.shape_cast %swap3A_80 : vector<1x16xf32> to vector<16xf32>
      %swap3A_82 = vector.shape_cast %broadcast_in_dim3A_78 : vector<16xf32> to vector<1x16xf32>
      tpu.vector_store %arg9[%swap3A, %swap3A_79], %swap3A_82 {strides = array<i32>} : memref<128x128xf32, #tpu.memory_space<vmem>>, vector<1x16xf32>,
      %broadcast_in_dim3A_83 = arith.constant 0.000000e+00 : f32
      %broadcast_in_dim3A_84 = vector.broadcast %broadcast_in_dim3A_83 : f32 to vector<16xf32>
      %swap3A_85 = arith.index_cast %scan3A_77 : i32 to index
      %swap3A_86 = arith.constant 16 : index
      %swap3A_87 = tpu.vector_load %arg9[%swap3A_85, %swap3A_86] {strides = array<i32>} : memref<128x128xf32, #tpu.memory_space<vmem>>, vector<1x16xf32>,
      %swap3A_88 = vector.shape_cast %swap3A_87 : vector<1x16xf32> to vector<16xf32>
      %swap3A_89 = vector.shape_cast %broadcast_in_dim3A_84 : vector<16xf32> to vector<1x16xf32>
      tpu.vector_store %arg9[%swap3A_85, %swap3A_86], %swap3A_89 {strides = array<i32>} : memref<128x128xf32, #tpu.memory_space<vmem>>, vector<1x16xf32>,
      %broadcast_in_dim3A_90 = arith.constant 0.000000e+00 : f32
      %broadcast_in_dim3A_91 = vector.broadcast %broadcast_in_dim3A_90 : f32 to vector<16xf32>
      %swap3A_92 = arith.index_cast %scan3A_77 : i32 to index
      %swap3A_93 = arith.constant 32 : index
      %swap3A_94 = tpu.vector_load %arg9[%swap3A_92, %swap3A_93] {strides = array<i32>} : memref<128x128xf32, #tpu.memory_space<vmem>>, vector<1x16xf32>,
      %swap3A_95 = vector.shape_cast %swap3A_94 : vector<1x16xf32> to vector<16xf32>
      %swap3A_96 = vector.shape_cast %broadcast_in_dim3A_91 : vector<16xf32> to vector<1x16xf32>
      tpu.vector_store %arg9[%swap3A_92, %swap3A_93], %swap3A_96 {strides = array<i32>} : memref<128x128xf32, #tpu.memory_space<vmem>>, vector<1x16xf32>,
      %broadcast_in_dim3A_97 = arith.constant 0.000000e+00 : f32
      %broadcast_in_dim3A_98 = vector.broadcast %broadcast_in_dim3A_97 : f32 to vector<16xf32>
      %swap3A_99 = arith.index_cast %scan3A_77 : i32 to index
      %swap3A_100 = arith.constant 48 : index
      %swap3A_101 = tpu.vector_load %arg9[%swap3A_99, %swap3A_100] {strides = array<i32>} : memref<128x128xf32, #tpu.memory_space<vmem>>, vector<1x16xf32>,
      %swap3A_102 = vector.shape_cast %swap3A_101 : vector<1x16xf32> to vector<16xf32>
      %swap3A_103 = vector.shape_cast %broadcast_in_dim3A_98 : vector<16xf32> to vector<1x16xf32>
      tpu.vector_store %arg9[%swap3A_99, %swap3A_100], %swap3A_103 {strides = array<i32>} : memref<128x128xf32, #tpu.memory_space<vmem>>, vector<1x16xf32>,
      %broadcast_in_dim3A_104 = arith.constant 0.000000e+00 : f32
      %broadcast_in_dim3A_105 = vector.broadcast %broadcast_in_dim3A_104 : f32 to vector<16xf32>
      %swap3A_106 = arith.index_cast %scan3A_77 : i32 to index
      %swap3A_107 = arith.constant 64 : index
      %swap3A_108 = tpu.vector_load %arg9[%swap3A_106, %swap3A_107] {strides = array<i32>} : memref<128x128xf32, #tpu.memory_space<vmem>>, vector<1x16xf32>,
      %swap3A_109 = vector.shape_cast %swap3A_108 : vector<1x16xf32> to vector<16xf32>
      %swap3A_110 = vector.shape_cast %broadcast_in_dim3A_105 : vector<16xf32> to vector<1x16xf32>
      tpu.vector_store %arg9[%swap3A_106, %swap3A_107], %swap3A_110 {strides = array<i32>} : memref<128x128xf32, #tpu.memory_space<vmem>>, vector<1x16xf32>,
      %broadcast_in_dim3A_111 = arith.constant 0.000000e+00 : f32
      %broadcast_in_dim3A_112 = vector.broadcast %broadcast_in_dim3A_111 : f32 to vector<16xf32>
      %swap3A_113 = arith.index_cast %scan3A_77 : i32 to index
      %swap3A_114 = arith.constant 80 : index
      %swap3A_115 = tpu.vector_load %arg9[%swap3A_113, %swap3A_114] {strides = array<i32>} : memref<128x128xf32, #tpu.memory_space<vmem>>, vector<1x16xf32>,
      %swap3A_116 = vector.shape_cast %swap3A_115 : vector<1x16xf32> to vector<16xf32>
      %swap3A_117 = vector.shape_cast %broadcast_in_dim3A_112 : vector<16xf32> to vector<1x16xf32>
      tpu.vector_store %arg9[%swap3A_113, %swap3A_114], %swap3A_117 {strides = array<i32>} : memref<128x128xf32, #tpu.memory_space<vmem>>, vector<1x16xf32>,
      %broadcast_in_dim3A_118 = arith.constant 0.000000e+00 : f32
      %broadcast_in_dim3A_119 = vector.broadcast %broadcast_in_dim3A_118 : f32 to vector<16xf32>
      %swap3A_120 = arith.index_cast %scan3A_77 : i32 to index
      %swap3A_121 = arith.constant 96 : index
      %swap3A_122 = tpu.vector_load %arg9[%swap3A_120, %swap3A_121] {strides = array<i32>} : memref<128x128xf32, #tpu.memory_space<vmem>>, vector<1x16xf32>,
      %swap3A_123 = vector.shape_cast %swap3A_122 : vector<1x16xf32> to vector<16xf32>
      %swap3A_124 = vector.shape_cast %broadcast_in_dim3A_119 : vector<16xf32> to vector<1x16xf32>
      tpu.vector_store %arg9[%swap3A_120, %swap3A_121], %swap3A_124 {strides = array<i32>} : memref<128x128xf32, #tpu.memory_space<vmem>>, vector<1x16xf32>,
      %broadcast_in_dim3A_125 = arith.constant 0.000000e+00 : f32
      %broadcast_in_dim3A_126 = vector.broadcast %broadcast_in_dim3A_125 : f32 to vector<16xf32>
      %swap3A_127 = arith.index_cast %scan3A_77 : i32 to index
      %swap3A_128 = arith.constant 112 : index
      %swap3A_129 = tpu.vector_load %arg9[%swap3A_127, %swap3A_128] {strides = array<i32>} : memref<128x128xf32, #tpu.memory_space<vmem>>, vector<1x16xf32>,
      %swap3A_130 = vector.shape_cast %swap3A_129 : vector<1x16xf32> to vector<16xf32>
      %swap3A_131 = vector.shape_cast %broadcast_in_dim3A_126 : vector<16xf32> to vector<1x16xf32>
      tpu.vector_store %arg9[%swap3A_127, %swap3A_128], %swap3A_131 {strides = array<i32>} : memref<128x128xf32, #tpu.memory_space<vmem>>, vector<1x16xf32>,
    }
    %scan3A_4 = arith.constant 128 : i32
    %mul3A = arith.constant 640 : i32
    %mul3A_5 = arith.muli %arg1, %mul3A : i32
    %add3A = arith.constant 0 : i32
    %add3A_6 = arith.addi %mul3A_5, %add3A : i32
    %multiple_of3A = tpu.assume_multiple %add3A_6, 8 : i32
    "tpu.region"() ({
      %run_scoped3A = tpu.sem_alloc : memref<!tpu.dma_semaphore, #tpu.memory_space<semaphore_mem>>
      %dma_start3A_77 = arith.constant 0 : i32
      %dma_start3A_78 = tpu.memref_slice %arg11[%multiple_of3A, %dma_start3A_77] : memref<10240x128xf32, #tpu.memory_space<vmem_shared>> -> memref<128x128xf32, #tpu.memory_space<vmem_shared>>
      %dma_start3A_79 = arith.constant 0 : i32
      %dma_start3A_80 = tpu.memref_slice %arg11[%multiple_of3A, %dma_start3A_79] : memref<10240x128xf32, #tpu.memory_space<vmem_shared>> -> memref<128x128xf32, #tpu.memory_space<vmem_shared>>
      tpu.enqueue_dma source(%arg9 : memref<128x128xf32, #tpu.memory_space<vmem>>) target(%dma_start3A_80 : memref<128x128xf32, #tpu.memory_space<vmem_shared>>) target_semaphore(%run_scoped3A : memref<!tpu.dma_semaphore, #tpu.memory_space<semaphore_mem>>)
      %dma_wait3A_81 = arith.constant 0 : i32
      %dma_wait3A_82 = tpu.memref_slice %arg11[%multiple_of3A, %dma_wait3A_81] : memref<10240x128xf32, #tpu.memory_space<vmem_shared>> -> memref<128x128xf32, #tpu.memory_space<vmem_shared>>
      %dma_wait3A_83 = arith.constant 0 : i32
      %dma_wait3A_84 = tpu.memref_slice %arg11[%multiple_of3A, %dma_wait3A_83] : memref<10240x128xf32, #tpu.memory_space<vmem_shared>> -> memref<128x128xf32, #tpu.memory_space<vmem_shared>>
      tpu.wait_dma2 semaphore(%run_scoped3A : memref<!tpu.dma_semaphore, #tpu.memory_space<semaphore_mem>>) src(%arg9 : memref<128x128xf32, #tpu.memory_space<vmem>>) dst(%dma_wait3A_84 : memref<128x128xf32, #tpu.memory_space<vmem_shared>>)
      tpu.yield
    }) : () -> ()
    %mul3A_7 = arith.constant 640 : i32
    %mul3A_8 = arith.muli %arg1, %mul3A_7 : i32
    %add3A_9 = arith.constant 128 : i32
    %add3A_10 = arith.addi %mul3A_8, %add3A_9 : i32
    %multiple_of3A_11 = tpu.assume_multiple %add3A_10, 8 : i32
    "tpu.region"() ({
      %run_scoped3A = tpu.sem_alloc : memref<!tpu.dma_semaphore, #tpu.memory_space<semaphore_mem>>
      %dma_start3A_77 = arith.constant 0 : i32
      %dma_start3A_78 = tpu.memref_slice %arg11[%multiple_of3A_11, %dma_start3A_77] : memref<10240x128xf32, #tpu.memory_space<vmem_shared>> -> memref<128x128xf32, #tpu.memory_space<vmem_shared>>
      %dma_start3A_79 = arith.constant 0 : i32
      %dma_start3A_80 = tpu.memref_slice %arg11[%multiple_of3A_11, %dma_start3A_79] : memref<10240x128xf32, #tpu.memory_space<vmem_shared>> -> memref<128x128xf32, #tpu.memory_space<vmem_shared>>
      tpu.enqueue_dma source(%arg9 : memref<128x128xf32, #tpu.memory_space<vmem>>) target(%dma_start3A_80 : memref<128x128xf32, #tpu.memory_space<vmem_shared>>) target_semaphore(%run_scoped3A : memref<!tpu.dma_semaphore, #tpu.memory_space<semaphore_mem>>)
      %dma_wait3A_81 = arith.constant 0 : i32
      %dma_wait3A_82 = tpu.memref_slice %arg11[%multiple_of3A_11, %dma_wait3A_81] : memref<10240x128xf32, #tpu.memory_space<vmem_shared>> -> memref<128x128xf32, #tpu.memory_space<vmem_shared>>
      %dma_wait3A_83 = arith.constant 0 : i32
      %dma_wait3A_84 = tpu.memref_slice %arg11[%multiple_of3A_11, %dma_wait3A_83] : memref<10240x128xf32, #tpu.memory_space<vmem_shared>> -> memref<128x128xf32, #tpu.memory_space<vmem_shared>>
      tpu.wait_dma2 semaphore(%run_scoped3A : memref<!tpu.dma_semaphore, #tpu.memory_space<semaphore_mem>>) src(%arg9 : memref<128x128xf32, #tpu.memory_space<vmem>>) dst(%dma_wait3A_84 : memref<128x128xf32, #tpu.memory_space<vmem_shared>>)
      tpu.yield
    }) : () -> ()
    %mul3A_12 = arith.constant 640 : i32
    %mul3A_13 = arith.muli %arg1, %mul3A_12 : i32
    %add3A_14 = arith.constant 256 : i32
    %add3A_15 = arith.addi %mul3A_13, %add3A_14 : i32
    %multiple_of3A_16 = tpu.assume_multiple %add3A_15, 8 : i32
    "tpu.region"() ({
      %run_scoped3A = tpu.sem_alloc : memref<!tpu.dma_semaphore, #tpu.memory_space<semaphore_mem>>
      %dma_start3A_77 = arith.constant 0 : i32
      %dma_start3A_78 = tpu.memref_slice %arg11[%multiple_of3A_16, %dma_start3A_77] : memref<10240x128xf32, #tpu.memory_space<vmem_shared>> -> memref<128x128xf32, #tpu.memory_space<vmem_shared>>
      %dma_start3A_79 = arith.constant 0 : i32
      %dma_start3A_80 = tpu.memref_slice %arg11[%multiple_of3A_16, %dma_start3A_79] : memref<10240x128xf32, #tpu.memory_space<vmem_shared>> -> memref<128x128xf32, #tpu.memory_space<vmem_shared>>
      tpu.enqueue_dma source(%arg9 : memref<128x128xf32, #tpu.memory_space<vmem>>) target(%dma_start3A_80 : memref<128x128xf32, #tpu.memory_space<vmem_shared>>) target_semaphore(%run_scoped3A : memref<!tpu.dma_semaphore, #tpu.memory_space<semaphore_mem>>)
      %dma_wait3A_81 = arith.constant 0 : i32
      %dma_wait3A_82 = tpu.memref_slice %arg11[%multiple_of3A_16, %dma_wait3A_81] : memref<10240x128xf32, #tpu.memory_space<vmem_shared>> -> memref<128x128xf32, #tpu.memory_space<vmem_shared>>
      %dma_wait3A_83 = arith.constant 0 : i32
      %dma_wait3A_84 = tpu.memref_slice %arg11[%multiple_of3A_16, %dma_wait3A_83] : memref<10240x128xf32, #tpu.memory_space<vmem_shared>> -> memref<128x128xf32, #tpu.memory_space<vmem_shared>>
      tpu.wait_dma2 semaphore(%run_scoped3A : memref<!tpu.dma_semaphore, #tpu.memory_space<semaphore_mem>>) src(%arg9 : memref<128x128xf32, #tpu.memory_space<vmem>>) dst(%dma_wait3A_84 : memref<128x128xf32, #tpu.memory_space<vmem_shared>>)
      tpu.yield
    }) : () -> ()
    %mul3A_17 = arith.constant 640 : i32
    %mul3A_18 = arith.muli %arg1, %mul3A_17 : i32
    %add3A_19 = arith.constant 384 : i32
    %add3A_20 = arith.addi %mul3A_18, %add3A_19 : i32
    %multiple_of3A_21 = tpu.assume_multiple %add3A_20, 8 : i32
    "tpu.region"() ({
      %run_scoped3A = tpu.sem_alloc : memref<!tpu.dma_semaphore, #tpu.memory_space<semaphore_mem>>
      %dma_start3A_77 = arith.constant 0 : i32
      %dma_start3A_78 = tpu.memref_slice %arg11[%multiple_of3A_21, %dma_start3A_77] : memref<10240x128xf32, #tpu.memory_space<vmem_shared>> -> memref<128x128xf32, #tpu.memory_space<vmem_shared>>
      %dma_start3A_79 = arith.constant 0 : i32
      %dma_start3A_80 = tpu.memref_slice %arg11[%multiple_of3A_21, %dma_start3A_79] : memref<10240x128xf32, #tpu.memory_space<vmem_shared>> -> memref<128x128xf32, #tpu.memory_space<vmem_shared>>
      tpu.enqueue_dma source(%arg9 : memref<128x128xf32, #tpu.memory_space<vmem>>) target(%dma_start3A_80 : memref<128x128xf32, #tpu.memory_space<vmem_shared>>) target_semaphore(%run_scoped3A : memref<!tpu.dma_semaphore, #tpu.memory_space<semaphore_mem>>)
      %dma_wait3A_81 = arith.constant 0 : i32
      %dma_wait3A_82 = tpu.memref_slice %arg11[%multiple_of3A_21, %dma_wait3A_81] : memref<10240x128xf32, #tpu.memory_space<vmem_shared>> -> memref<128x128xf32, #tpu.memory_space<vmem_shared>>
      %dma_wait3A_83 = arith.constant 0 : i32
      %dma_wait3A_84 = tpu.memref_slice %arg11[%multiple_of3A_21, %dma_wait3A_83] : memref<10240x128xf32, #tpu.memory_space<vmem_shared>> -> memref<128x128xf32, #tpu.memory_space<vmem_shared>>
      tpu.wait_dma2 semaphore(%run_scoped3A : memref<!tpu.dma_semaphore, #tpu.memory_space<semaphore_mem>>) src(%arg9 : memref<128x128xf32, #tpu.memory_space<vmem>>) dst(%dma_wait3A_84 : memref<128x128xf32, #tpu.memory_space<vmem_shared>>)
      tpu.yield
    }) : () -> ()
    %mul3A_22 = arith.constant 640 : i32
    %mul3A_23 = arith.muli %arg1, %mul3A_22 : i32
    %add3A_24 = arith.constant 512 : i32
    %add3A_25 = arith.addi %mul3A_23, %add3A_24 : i32
    %multiple_of3A_26 = tpu.assume_multiple %add3A_25, 8 : i32
    "tpu.region"() ({
      %run_scoped3A = tpu.sem_alloc : memref<!tpu.dma_semaphore, #tpu.memory_space<semaphore_mem>>
      %dma_start3A_77 = arith.constant 0 : i32
      %dma_start3A_78 = tpu.memref_slice %arg11[%multiple_of3A_26, %dma_start3A_77] : memref<10240x128xf32, #tpu.memory_space<vmem_shared>> -> memref<128x128xf32, #tpu.memory_space<vmem_shared>>
      %dma_start3A_79 = arith.constant 0 : i32
      %dma_start3A_80 = tpu.memref_slice %arg11[%multiple_of3A_26, %dma_start3A_79] : memref<10240x128xf32, #tpu.memory_space<vmem_shared>> -> memref<128x128xf32, #tpu.memory_space<vmem_shared>>
      tpu.enqueue_dma source(%arg9 : memref<128x128xf32, #tpu.memory_space<vmem>>) target(%dma_start3A_80 : memref<128x128xf32, #tpu.memory_space<vmem_shared>>) target_semaphore(%run_scoped3A : memref<!tpu.dma_semaphore, #tpu.memory_space<semaphore_mem>>)
      %dma_wait3A_81 = arith.constant 0 : i32
      %dma_wait3A_82 = tpu.memref_slice %arg11[%multiple_of3A_26, %dma_wait3A_81] : memref<10240x128xf32, #tpu.memory_space<vmem_shared>> -> memref<128x128xf32, #tpu.memory_space<vmem_shared>>
      %dma_wait3A_83 = arith.constant 0 : i32
      %dma_wait3A_84 = tpu.memref_slice %arg11[%multiple_of3A_26, %dma_wait3A_83] : memref<10240x128xf32, #tpu.memory_space<vmem_shared>> -> memref<128x128xf32, #tpu.memory_space<vmem_shared>>
      tpu.wait_dma2 semaphore(%run_scoped3A : memref<!tpu.dma_semaphore, #tpu.memory_space<semaphore_mem>>) src(%arg9 : memref<128x128xf32, #tpu.memory_space<vmem>>) dst(%dma_wait3A_84 : memref<128x128xf32, #tpu.memory_space<vmem_shared>>)
      tpu.yield
    }) : () -> ()
    %mul3A_27 = arith.constant 16 : i32
    %mul3A_28 = arith.muli %arg0, %mul3A_27 : i32
    %add3A_29 = arith.addi %mul3A_28, %arg1 : i32
    %mul3A_30 = arith.constant 10240 : i32
    %mul3A_31 = arith.muli %add3A_29, %mul3A_30 : i32
    %multiple_of3A_32 = tpu.assume_multiple %mul3A_31, 8 : i32
    "tpu.region"() ({
      %run_scoped3A = tpu.sem_alloc : memref<!tpu.dma_semaphore, #tpu.memory_space<semaphore_mem>>
      %dma_start3A_77 = tpu.memref_slice %arg3[%multiple_of3A_32] : memref<327680xi32, #tpu.memory_space<hbm>> -> memref<10240xi32, #tpu.memory_space<hbm>>
      %dma_start3A_78 = tpu.memref_slice %arg3[%multiple_of3A_32] : memref<327680xi32, #tpu.memory_space<hbm>> -> memref<10240xi32, #tpu.memory_space<hbm>>
      tpu.enqueue_dma source(%dma_start3A_78 : memref<10240xi32, #tpu.memory_space<hbm>>) target(%arg6 : memref<10240xi32, #tpu.memory_space<vmem>>) target_semaphore(%run_scoped3A : memref<!tpu.dma_semaphore, #tpu.memory_space<semaphore_mem>>)
      %dma_wait3A_79 = tpu.memref_slice %arg3[%multiple_of3A_32] : memref<327680xi32, #tpu.memory_space<hbm>> -> memref<10240xi32, #tpu.memory_space<hbm>>
      %dma_wait3A_80 = tpu.memref_slice %arg3[%multiple_of3A_32] : memref<327680xi32, #tpu.memory_space<hbm>> -> memref<10240xi32, #tpu.memory_space<hbm>>
      tpu.wait_dma2 semaphore(%run_scoped3A : memref<!tpu.dma_semaphore, #tpu.memory_space<semaphore_mem>>) src(%dma_wait3A_80 : memref<10240xi32, #tpu.memory_space<hbm>>) dst(%arg6 : memref<10240xi32, #tpu.memory_space<vmem>>)
      tpu.yield
    }) : () -> ()
    %barrier3A = arith.constant 0 : index
    tpu.barrier barrier_id(%barrier3A)
    %multiple_of3A_33 = arith.constant 0 : i32
    %multiple_of3A_34 = tpu.assume_multiple %multiple_of3A_33, 8 : i32
    %dma_start3A = tpu.memref_slice %arg6[%multiple_of3A_34] : memref<10240xi32, #tpu.memory_space<vmem>> -> memref<128xi32, #tpu.memory_space<vmem>>
    %dma_start3A_35 = arith.constant 0 : i32
    %dma_start3A_36 = arith.constant 0 : i32
    %dma_start3A_37 = tpu.memref_slice %arg2[%dma_start3A_35, %dma_start3A_36] : memref<10240x128xf32, #tpu.memory_space<hbm>> -> memref<10240x128xf32, #tpu.memory_space<hbm>>
    tpu.enqueue_indirect_dma source(%dma_start3A_37 : memref<10240x128xf32, #tpu.memory_space<hbm>>) target(%arg9 : memref<128x128xf32, #tpu.memory_space<vmem>>) offsets(%dma_start3A : memref<128xi32, #tpu.memory_space<vmem>>) semaphore(%arg12 : memref<!tpu.dma_semaphore, #tpu.memory_space<semaphore_mem>>)
    %add3A_38 = arith.addi %multiple_of3A_32, %multiple_of3A_34 : i32
    %multiple_of3A_39 = tpu.assume_multiple %add3A_38, 8 : i32
    %dma_start3A_40 = tpu.memref_slice %arg4[%multiple_of3A_39] : memref<327680xi32, #tpu.memory_space<hbm>> -> memref<128xi32, #tpu.memory_space<hbm>>
    %dma_start3A_41 = tpu.memref_slice %arg4[%multiple_of3A_39] : memref<327680xi32, #tpu.memory_space<hbm>> -> memref<128xi32, #tpu.memory_space<hbm>>
    tpu.enqueue_dma source(%dma_start3A_41 : memref<128xi32, #tpu.memory_space<hbm>>) target(%arg7 : memref<128xi32, #tpu.memory_space<vmem>>) target_semaphore(%arg14 : memref<!tpu.dma_semaphore, #tpu.memory_space<semaphore_mem>>)
    %multiple_of3A_42 = arith.constant 128 : i32
    %multiple_of3A_43 = tpu.assume_multiple %multiple_of3A_42, 8 : i32
    %dma_start3A_44 = tpu.memref_slice %arg6[%multiple_of3A_43] : memref<10240xi32, #tpu.memory_space<vmem>> -> memref<128xi32, #tpu.memory_space<vmem>>
    %dma_start3A_45 = arith.constant 0 : i32
    %dma_start3A_46 = arith.constant 0 : i32
    %dma_start3A_47 = tpu.memref_slice %arg2[%dma_start3A_45, %dma_start3A_46] : memref<10240x128xf32, #tpu.memory_space<hbm>> -> memref<10240x128xf32, #tpu.memory_space<hbm>>
    tpu.enqueue_indirect_dma source(%dma_start3A_47 : memref<10240x128xf32, #tpu.memory_space<hbm>>) target(%arg10 : memref<128x128xf32, #tpu.memory_space<vmem>>) offsets(%dma_start3A_44 : memref<128xi32, #tpu.memory_space<vmem>>) semaphore(%arg13 : memref<!tpu.dma_semaphore, #tpu.memory_space<semaphore_mem>>)
    %add3A_48 = arith.addi %multiple_of3A_32, %multiple_of3A_43 : i32
    %multiple_of3A_49 = tpu.assume_multiple %add3A_48, 8 : i32
    %dma_start3A_50 = tpu.memref_slice %arg4[%multiple_of3A_49] : memref<327680xi32, #tpu.memory_space<hbm>> -> memref<128xi32, #tpu.memory_space<hbm>>
    %dma_start3A_51 = tpu.memref_slice %arg4[%multiple_of3A_49] : memref<327680xi32, #tpu.memory_space<hbm>> -> memref<128xi32, #tpu.memory_space<hbm>>
    tpu.enqueue_dma source(%dma_start3A_51 : memref<128xi32, #tpu.memory_space<hbm>>) target(%arg8 : memref<128xi32, #tpu.memory_space<vmem>>) target_semaphore(%arg15 : memref<!tpu.dma_semaphore, #tpu.memory_space<semaphore_mem>>)
    %scan3A_52 = arith.constant 0 : i32
    %scan3A_53 = arith.constant 0 : i32
    %scan3A_54 = arith.constant 40 : i32
    %scan3A_55 = arith.addi %scan3A_53, %scan3A_54 : i32
    %scan3A_56 = arith.constant 1 : i32
    scf.for %scan3A_77 = %scan3A_53 to %scan3A_55 step %scan3A_56  : i32 {
      %mul3A_78 = arith.constant 2 : i32
      %mul3A_79 = arith.muli %mul3A_78, %scan3A_77 : i32
      %add3A_80 = arith.constant 0 : i32
      %add3A_81 = arith.addi %mul3A_79, %add3A_80 : i32
      %mul3A_82 = arith.constant 128 : i32
      %mul3A_83 = arith.muli %add3A_81, %mul3A_82 : i32
      %multiple_of3A_84 = tpu.assume_multiple %mul3A_83, 8 : i32
      %add3A_85 = arith.constant 0 : i32
      %add3A_86 = arith.addi %mul3A_79, %add3A_85 : i32
      %add3A_87 = arith.constant 2 : i32
      %add3A_88 = arith.addi %add3A_86, %add3A_87 : i32
      %jit3A = arith.constant 80 : i32
      %eq3A = arith.constant 0 : i32
      %eq3A_89 = arith.cmpi eq, %jit3A, %eq3A : i32
      %jit3A_90 = arith.constant 1 : i32
      %select_n3A = arith.select %eq3A_89, %jit3A_90, %jit3A : i32
      %rem3A = arith.remsi %add3A_88, %select_n3A : i32
      %ne3A = arith.constant 0 : i32
      %ne3A_91 = arith.cmpi ne, %rem3A, %ne3A : i32
      %lt3A = arith.constant 0 : i32
      %lt3A_92 = arith.cmpi slt, %rem3A, %lt3A : i32
      %lt3A_93 = arith.constant 0 : i32
      %lt3A_94 = arith.cmpi slt, %select_n3A, %lt3A_93 : i32
      %ne3A_95 = arith.xori %lt3A_92, %lt3A_94 : i1
      %and3A = arith.andi %ne3A_95, %ne3A_91 : i1
      %add3A_96 = arith.addi %rem3A, %select_n3A : i32
      %select_n3A_97 = arith.select %and3A, %add3A_96, %rem3A : i32
      %mul3A_98 = arith.constant 128 : i32
      %mul3A_99 = arith.muli %select_n3A_97, %mul3A_98 : i32
      %multiple_of3A_100 = tpu.assume_multiple %mul3A_99, 8 : i32
      %dma_wait3A_101 = tpu.memref_slice %arg4[%multiple_of3A_32] : memref<327680xi32, #tpu.memory_space<hbm>> -> memref<128xi32, #tpu.memory_space<hbm>>
      %dma_wait3A_102 = tpu.memref_slice %arg4[%multiple_of3A_32] : memref<327680xi32, #tpu.memory_space<hbm>> -> memref<128xi32, #tpu.memory_space<hbm>>
      tpu.wait_dma2 semaphore(%arg14 : memref<!tpu.dma_semaphore, #tpu.memory_space<semaphore_mem>>) src(%dma_wait3A_102 : memref<128xi32, #tpu.memory_space<hbm>>) dst(%arg7 : memref<128xi32, #tpu.memory_space<vmem>>)
      %dma_wait3A_103 = tpu.memref_slice %arg6[%multiple_of3A_84] : memref<10240xi32, #tpu.memory_space<vmem>> -> memref<128xi32, #tpu.memory_space<vmem>>
      %dma_wait3A_104 = arith.constant 0 : i32
      %dma_wait3A_105 = arith.constant 0 : i32
      %dma_wait3A_106 = tpu.memref_slice %arg2[%dma_wait3A_104, %dma_wait3A_105] : memref<10240x128xf32, #tpu.memory_space<hbm>> -> memref<10240x128xf32, #tpu.memory_space<hbm>>
      tpu.wait_indirect_dma semaphore(%arg12 : memref<!tpu.dma_semaphore, #tpu.memory_space<semaphore_mem>>) src(%dma_wait3A_106 : memref<10240x128xf32, #tpu.memory_space<hbm>>) dst(%arg9 : memref<128x128xf32, #tpu.memory_space<vmem>>)
      "tpu.region"() ({
        %run_scoped3A = tpu.sem_alloc : memref<!tpu.dma_semaphore, #tpu.memory_space<semaphore_mem>>
        %dma_start3A_157 = arith.constant 0 : i32
        %dma_start3A_158 = arith.constant 0 : i32
        %dma_start3A_159 = tpu.memref_slice %arg11[%dma_start3A_157, %dma_start3A_158] : memref<10240x128xf32, #tpu.memory_space<vmem_shared>> -> memref<10240x128xf32, #tpu.memory_space<vmem_shared>>
        tpu.enqueue_indirect_dma source(%arg9 : memref<128x128xf32, #tpu.memory_space<vmem>>) target(%dma_start3A_159 : memref<10240x128xf32, #tpu.memory_space<vmem_shared>>) offsets(%arg7 : memref<128xi32, #tpu.memory_space<vmem>>) semaphore(%run_scoped3A : memref<!tpu.dma_semaphore, #tpu.memory_space<semaphore_mem>>) {add = true}
        %dma_wait3A_160 = arith.constant 0 : i32
        %dma_wait3A_161 = arith.constant 0 : i32
        %dma_wait3A_162 = tpu.memref_slice %arg11[%dma_wait3A_160, %dma_wait3A_161] : memref<10240x128xf32, #tpu.memory_space<vmem_shared>> -> memref<10240x128xf32, #tpu.memory_space<vmem_shared>>
        tpu.wait_indirect_dma semaphore(%run_scoped3A : memref<!tpu.dma_semaphore, #tpu.memory_space<semaphore_mem>>) src(%arg9 : memref<128x128xf32, #tpu.memory_space<vmem>>) dst(%dma_wait3A_162 : memref<10240x128xf32, #tpu.memory_space<vmem_shared>>)
        tpu.yield
      }) : () -> ()
      %dma_start3A_107 = tpu.memref_slice %arg6[%multiple_of3A_100] : memref<10240xi32, #tpu.memory_space<vmem>> -> memref<128xi32, #tpu.memory_space<vmem>>
      %dma_start3A_108 = arith.constant 0 : i32
      %dma_start3A_109 = arith.constant 0 : i32
      %dma_start3A_110 = tpu.memref_slice %arg2[%dma_start3A_108, %dma_start3A_109] : memref<10240x128xf32, #tpu.memory_space<hbm>> -> memref<10240x128xf32, #tpu.memory_space<hbm>>
      tpu.enqueue_indirect_dma source(%dma_start3A_110 : memref<10240x128xf32, #tpu.memory_space<hbm>>) target(%arg9 : memref<128x128xf32, #tpu.memory_space<vmem>>) offsets(%dma_start3A_107 : memref<128xi32, #tpu.memory_space<vmem>>) semaphore(%arg12 : memref<!tpu.dma_semaphore, #tpu.memory_space<semaphore_mem>>)
      %add3A_111 = arith.addi %multiple_of3A_32, %multiple_of3A_100 : i32
      %multiple_of3A_112 = tpu.assume_multiple %add3A_111, 8 : i32
      %dma_start3A_113 = tpu.memref_slice %arg4[%multiple_of3A_112] : memref<327680xi32, #tpu.memory_space<hbm>> -> memref<128xi32, #tpu.memory_space<hbm>>
      %dma_start3A_114 = tpu.memref_slice %arg4[%multiple_of3A_112] : memref<327680xi32, #tpu.memory_space<hbm>> -> memref<128xi32, #tpu.memory_space<hbm>>
      tpu.enqueue_dma source(%dma_start3A_114 : memref<128xi32, #tpu.memory_space<hbm>>) target(%arg7 : memref<128xi32, #tpu.memory_space<vmem>>) target_semaphore(%arg14 : memref<!tpu.dma_semaphore, #tpu.memory_space<semaphore_mem>>)
      %add3A_115 = arith.constant 1 : i32
      %add3A_116 = arith.addi %mul3A_79, %add3A_115 : i32
      %mul3A_117 = arith.constant 128 : i32
      %mul3A_118 = arith.muli %add3A_116, %mul3A_117 : i32
      %multiple_of3A_119 = tpu.assume_multiple %mul3A_118, 8 : i32
      %add3A_120 = arith.constant 1 : i32
      %add3A_121 = arith.addi %mul3A_79, %add3A_120 : i32
      %add3A_122 = arith.constant 2 : i32
      %add3A_123 = arith.addi %add3A_121, %add3A_122 : i32
      %jit3A_124 = arith.constant 80 : i32
      %eq3A_125 = arith.constant 0 : i32
      %eq3A_126 = arith.cmpi eq, %jit3A_124, %eq3A_125 : i32
      %jit3A_127 = arith.constant 1 : i32
      %select_n3A_128 = arith.select %eq3A_126, %jit3A_127, %jit3A_124 : i32
      %rem3A_129 = arith.remsi %add3A_123, %select_n3A_128 : i32
      %ne3A_130 = arith.constant 0 : i32
      %ne3A_131 = arith.cmpi ne, %rem3A_129, %ne3A_130 : i32
      %lt3A_132 = arith.constant 0 : i32
      %lt3A_133 = arith.cmpi slt, %rem3A_129, %lt3A_132 : i32
      %lt3A_134 = arith.constant 0 : i32
      %lt3A_135 = arith.cmpi slt, %select_n3A_128, %lt3A_134 : i32
      %ne3A_136 = arith.xori %lt3A_133, %lt3A_135 : i1
      %and3A_137 = arith.andi %ne3A_136, %ne3A_131 : i1
      %add3A_138 = arith.addi %rem3A_129, %select_n3A_128 : i32
      %select_n3A_139 = arith.select %and3A_137, %add3A_138, %rem3A_129 : i32
      %mul3A_140 = arith.constant 128 : i32
      %mul3A_141 = arith.muli %select_n3A_139, %mul3A_140 : i32
      %multiple_of3A_142 = tpu.assume_multiple %mul3A_141, 8 : i32
      %dma_wait3A_143 = tpu.memref_slice %arg4[%multiple_of3A_32] : memref<327680xi32, #tpu.memory_space<hbm>> -> memref<128xi32, #tpu.memory_space<hbm>>
      %dma_wait3A_144 = tpu.memref_slice %arg4[%multiple_of3A_32] : memref<327680xi32, #tpu.memory_space<hbm>> -> memref<128xi32, #tpu.memory_space<hbm>>
      tpu.wait_dma2 semaphore(%arg15 : memref<!tpu.dma_semaphore, #tpu.memory_space<semaphore_mem>>) src(%dma_wait3A_144 : memref<128xi32, #tpu.memory_space<hbm>>) dst(%arg8 : memref<128xi32, #tpu.memory_space<vmem>>)
      %dma_wait3A_145 = tpu.memref_slice %arg6[%multiple_of3A_119] : memref<10240xi32, #tpu.memory_space<vmem>> -> memref<128xi32, #tpu.memory_space<vmem>>
      %dma_wait3A_146 = arith.constant 0 : i32
      %dma_wait3A_147 = arith.constant 0 : i32
      %dma_wait3A_148 = tpu.memref_slice %arg2[%dma_wait3A_146, %dma_wait3A_147] : memref<10240x128xf32, #tpu.memory_space<hbm>> -> memref<10240x128xf32, #tpu.memory_space<hbm>>
      tpu.wait_indirect_dma semaphore(%arg13 : memref<!tpu.dma_semaphore, #tpu.memory_space<semaphore_mem>>) src(%dma_wait3A_148 : memref<10240x128xf32, #tpu.memory_space<hbm>>) dst(%arg10 : memref<128x128xf32, #tpu.memory_space<vmem>>)
      "tpu.region"() ({
        %run_scoped3A = tpu.sem_alloc : memref<!tpu.dma_semaphore, #tpu.memory_space<semaphore_mem>>
        %dma_start3A_157 = arith.constant 0 : i32
        %dma_start3A_158 = arith.constant 0 : i32
        %dma_start3A_159 = tpu.memref_slice %arg11[%dma_start3A_157, %dma_start3A_158] : memref<10240x128xf32, #tpu.memory_space<vmem_shared>> -> memref<10240x128xf32, #tpu.memory_space<vmem_shared>>
        tpu.enqueue_indirect_dma source(%arg10 : memref<128x128xf32, #tpu.memory_space<vmem>>) target(%dma_start3A_159 : memref<10240x128xf32, #tpu.memory_space<vmem_shared>>) offsets(%arg8 : memref<128xi32, #tpu.memory_space<vmem>>) semaphore(%run_scoped3A : memref<!tpu.dma_semaphore, #tpu.memory_space<semaphore_mem>>) {add = true}
        %dma_wait3A_160 = arith.constant 0 : i32
        %dma_wait3A_161 = arith.constant 0 : i32
        %dma_wait3A_162 = tpu.memref_slice %arg11[%dma_wait3A_160, %dma_wait3A_161] : memref<10240x128xf32, #tpu.memory_space<vmem_shared>> -> memref<10240x128xf32, #tpu.memory_space<vmem_shared>>
        tpu.wait_indirect_dma semaphore(%run_scoped3A : memref<!tpu.dma_semaphore, #tpu.memory_space<semaphore_mem>>) src(%arg10 : memref<128x128xf32, #tpu.memory_space<vmem>>) dst(%dma_wait3A_162 : memref<10240x128xf32, #tpu.memory_space<vmem_shared>>)
        tpu.yield
      }) : () -> ()
      %dma_start3A_149 = tpu.memref_slice %arg6[%multiple_of3A_142] : memref<10240xi32, #tpu.memory_space<vmem>> -> memref<128xi32, #tpu.memory_space<vmem>>
      %dma_start3A_150 = arith.constant 0 : i32
      %dma_start3A_151 = arith.constant 0 : i32
      %dma_start3A_152 = tpu.memref_slice %arg2[%dma_start3A_150, %dma_start3A_151] : memref<10240x128xf32, #tpu.memory_space<hbm>> -> memref<10240x128xf32, #tpu.memory_space<hbm>>
      tpu.enqueue_indirect_dma source(%dma_start3A_152 : memref<10240x128xf32, #tpu.memory_space<hbm>>) target(%arg10 : memref<128x128xf32, #tpu.memory_space<vmem>>) offsets(%dma_start3A_149 : memref<128xi32, #tpu.memory_space<vmem>>) semaphore(%arg13 : memref<!tpu.dma_semaphore, #tpu.memory_space<semaphore_mem>>)
      %add3A_153 = arith.addi %multiple_of3A_32, %multiple_of3A_142 : i32
      %multiple_of3A_154 = tpu.assume_multiple %add3A_153, 8 : i32
      %dma_start3A_155 = tpu.memref_slice %arg4[%multiple_of3A_154] : memref<327680xi32, #tpu.memory_space<hbm>> -> memref<128xi32, #tpu.memory_space<hbm>>
      %dma_start3A_156 = tpu.memref_slice %arg4[%multiple_of3A_154] : memref<327680xi32, #tpu.memory_space<hbm>> -> memref<128xi32, #tpu.memory_space<hbm>>
      tpu.enqueue_dma source(%dma_start3A_156 : memref<128xi32, #tpu.memory_space<hbm>>) target(%arg8 : memref<128xi32, #tpu.memory_space<vmem>>) target_semaphore(%arg15 : memref<!tpu.dma_semaphore, #tpu.memory_space<semaphore_mem>>)
    }
    %scan3A_57 = arith.constant 40 : i32
    %multiple_of3A_58 = arith.constant 0 : i32
    %multiple_of3A_59 = tpu.assume_multiple %multiple_of3A_58, 8 : i32
    %dma_wait3A = tpu.memref_slice %arg6[%multiple_of3A_59] : memref<10240xi32, #tpu.memory_space<vmem>> -> memref<128xi32, #tpu.memory_space<vmem>>
    %dma_wait3A_60 = arith.constant 0 : i32
    %dma_wait3A_61 = arith.constant 0 : i32
    %dma_wait3A_62 = tpu.memref_slice %arg2[%dma_wait3A_60, %dma_wait3A_61] : memref<10240x128xf32, #tpu.memory_space<hbm>> -> memref<10240x128xf32, #tpu.memory_space<hbm>>
    tpu.wait_indirect_dma semaphore(%arg12 : memref<!tpu.dma_semaphore, #tpu.memory_space<semaphore_mem>>) src(%dma_wait3A_62 : memref<10240x128xf32, #tpu.memory_space<hbm>>) dst(%arg9 : memref<128x128xf32, #tpu.memory_space<vmem>>)
    %dma_wait3A_63 = tpu.memref_slice %arg4[%multiple_of3A_32] : memref<327680xi32, #tpu.memory_space<hbm>> -> memref<128xi32, #tpu.memory_space<hbm>>
    %dma_wait3A_64 = tpu.memref_slice %arg4[%multiple_of3A_32] : memref<327680xi32, #tpu.memory_space<hbm>> -> memref<128xi32, #tpu.memory_space<hbm>>
    tpu.wait_dma2 semaphore(%arg14 : memref<!tpu.dma_semaphore, #tpu.memory_space<semaphore_mem>>) src(%dma_wait3A_64 : memref<128xi32, #tpu.memory_space<hbm>>) dst(%arg7 : memref<128xi32, #tpu.memory_space<vmem>>)
    %multiple_of3A_65 = arith.constant 128 : i32
    %multiple_of3A_66 = tpu.assume_multiple %multiple_of3A_65, 8 : i32
    %dma_wait3A_67 = tpu.memref_slice %arg6[%multiple_of3A_66] : memref<10240xi32, #tpu.memory_space<vmem>> -> memref<128xi32, #tpu.memory_space<vmem>>
    %dma_wait3A_68 = arith.constant 0 : i32
    %dma_wait3A_69 = arith.constant 0 : i32
    %dma_wait3A_70 = tpu.memref_slice %arg2[%dma_wait3A_68, %dma_wait3A_69] : memref<10240x128xf32, #tpu.memory_space<hbm>> -> memref<10240x128xf32, #tpu.memory_space<hbm>>
    tpu.wait_indirect_dma semaphore(%arg13 : memref<!tpu.dma_semaphore, #tpu.memory_space<semaphore_mem>>) src(%dma_wait3A_70 : memref<10240x128xf32, #tpu.memory_space<hbm>>) dst(%arg10 : memref<128x128xf32, #tpu.memory_space<vmem>>)
    %dma_wait3A_71 = tpu.memref_slice %arg4[%multiple_of3A_32] : memref<327680xi32, #tpu.memory_space<hbm>> -> memref<128xi32, #tpu.memory_space<hbm>>
    %dma_wait3A_72 = tpu.memref_slice %arg4[%multiple_of3A_32] : memref<327680xi32, #tpu.memory_space<hbm>> -> memref<128xi32, #tpu.memory_space<hbm>>
    tpu.wait_dma2 semaphore(%arg15 : memref<!tpu.dma_semaphore, #tpu.memory_space<semaphore_mem>>) src(%dma_wait3A_72 : memref<128xi32, #tpu.memory_space<hbm>>) dst(%arg8 : memref<128xi32, #tpu.memory_space<vmem>>)
    %barrier3A_73 = arith.constant 0 : index
    tpu.barrier barrier_id(%barrier3A_73)
    %mul3A_74 = arith.constant 640 : i32
    %mul3A_75 = arith.muli %arg1, %mul3A_74 : i32
    %multiple_of3A_76 = tpu.assume_multiple %mul3A_75, 8 : i32
    "tpu.region"() ({
      %run_scoped3A = tpu.sem_alloc : memref<!tpu.dma_semaphore, #tpu.memory_space<semaphore_mem>>
      %dma_start3A_77 = arith.constant 0 : i32
      %dma_start3A_78 = tpu.memref_slice %arg5[%arg0, %multiple_of3A_76, %dma_start3A_77] : memref<2x10240x128xf32, #tpu.memory_space<hbm>> -> memref<1x640x128xf32, #tpu.memory_space<hbm>>
      %dma_start3A_79 = tpu.memref_squeeze %dma_start3A_78 : memref<1x640x128xf32, #tpu.memory_space<hbm>> -> memref<640x128xf32, #tpu.memory_space<hbm>>
      %dma_start3A_80 = arith.constant 0 : i32
      %dma_start3A_81 = tpu.memref_slice %arg11[%multiple_of3A_76, %dma_start3A_80] : memref<10240x128xf32, #tpu.memory_space<vmem_shared>> -> memref<640x128xf32, #tpu.memory_space<vmem_shared>>
      tpu.enqueue_dma source(%dma_start3A_81 : memref<640x128xf32, #tpu.memory_space<vmem_shared>>) target(%dma_start3A_79 : memref<640x128xf32, #tpu.memory_space<hbm>>) target_semaphore(%run_scoped3A : memref<!tpu.dma_semaphore, #tpu.memory_space<semaphore_mem>>)
      %dma_wait3A_82 = arith.constant 0 : i32
      %dma_wait3A_83 = tpu.memref_slice %arg5[%arg0, %multiple_of3A_76, %dma_wait3A_82] : memref<2x10240x128xf32, #tpu.memory_space<hbm>> -> memref<1x640x128xf32, #tpu.memory_space<hbm>>
      %dma_wait3A_84 = tpu.memref_squeeze %dma_wait3A_83 : memref<1x640x128xf32, #tpu.memory_space<hbm>> -> memref<640x128xf32, #tpu.memory_space<hbm>>
      %dma_wait3A_85 = arith.constant 0 : i32
      %dma_wait3A_86 = tpu.memref_slice %arg11[%multiple_of3A_76, %dma_wait3A_85] : memref<10240x128xf32, #tpu.memory_space<vmem_shared>> -> memref<640x128xf32, #tpu.memory_space<vmem_shared>>
      tpu.wait_dma2 semaphore(%run_scoped3A : memref<!tpu.dma_semaphore, #tpu.memory_space<semaphore_mem>>) src(%dma_wait3A_86 : memref<640x128xf32, #tpu.memory_space<vmem_shared>>) dst(%dma_wait3A_84 : memref<640x128xf32, #tpu.memory_space<hbm>>)
      tpu.yield
    }) : () -> ()
    return
  }
}

module attributes {stable_mosaic.version = 14 : i64} {
  func.func @_scale_mm_body(%arg0: i32, %arg1: memref<1024x128xf32, #tpu.memory_space<vmem>>, %arg2: memref<128x128xf32, #tpu.memory_space<vmem>>, %arg3: memref<1024x1xf32, #tpu.memory_space<vmem>>, %arg4: memref<1024x1xf32, #tpu.memory_space<vmem>>, %arg5: memref<1024x128xf32, #tpu.memory_space<vmem>>) attributes {dimension_semantics = [#tpu.dimension_semantics<arbitrary>], iteration_bounds = array<i64: 10>, scalar_prefetch = 0 : i64, scratch_operands = 0 : i64, tpu.core_type = #tpu.core_type<tc>, window_params = [{transform_indices = @transform_0, window_bounds = array<i64: 1024, 128>}, {pipeline_mode = #tpu.pipeline_mode<synchronous>, transform_indices = @transform_1, window_bounds = array<i64: 128, 128>}, {transform_indices = @transform_2, window_bounds = array<i64: 1024, 1>}, {transform_indices = @transform_3, window_bounds = array<i64: 1024, 1>}, {transform_indices = @transform_4, window_bounds = array<i64: 1024, 128>}]} {
    %get3A = arith.constant 0 : index
    %get3A_0 = arith.constant 0 : index
    %get3A_1 = vector.load %arg3[%get3A, %get3A_0] : memref<1024x1xf32, #tpu.memory_space<vmem>>, vector<1024x1xf32>
    %get3A_2 = arith.constant 0 : index
    %get3A_3 = arith.constant 0 : index
    %get3A_4 = vector.load %arg4[%get3A_2, %get3A_3] : memref<1024x1xf32, #tpu.memory_space<vmem>>, vector<1024x1xf32>
    %add3A = arith.addf %get3A_1, %get3A_4 : vector<1024x1xf32>
    %gt3A = arith.constant 0.000000e+00 : f32
    %gt3A_5 = vector.broadcast %gt3A : f32 to vector<1024x1xf32>
    %gt3A_6 = arith.cmpf ogt, %add3A, %gt3A_5 : vector<1024x1xf32>
    %jit3A = arith.constant 1.000000e+00 : f32
    %broadcast_in_dim3A = vector.broadcast %jit3A : f32 to vector<1024x1xf32>
    %select_n3A = arith.select %gt3A_6, %add3A, %broadcast_in_dim3A : vector<1024x1xi1>, vector<1024x1xf32>
    %rsqrt3A = math.rsqrt %select_n3A : vector<1024x1xf32>
    %get3A_7 = arith.constant 0 : index
    %get3A_8 = arith.constant 0 : index
    %get3A_9 = vector.load %arg1[%get3A_7, %get3A_8] : memref<1024x128xf32, #tpu.memory_space<vmem>>, vector<1024x128xf32>
    %get3A_10 = arith.constant 0 : index
    %get3A_11 = arith.constant 0 : index
    %get3A_12 = vector.load %arg2[%get3A_10, %get3A_11] : memref<128x128xf32, #tpu.memory_space<vmem>>, vector<128x128xf32>
    %dot_general3A = arith.constant dense<0.000000e+00> : vector<1024x128xf32>
    %dot_general3A_13 = tpu.matmul %get3A_9, %get3A_12, %dot_general3A {dimension_numbers = #tpu.dot_dimension_numbers<[1], [0], [0], [1], [0, 0, 1, 1], [], []>, transpose_lhs_hint = false} : vector<1024x128xf32>, vector<128x128xf32>, vector<1024x128xf32> -> vector<1024x128xf32>
    %mul3A = vector.broadcast %rsqrt3A : vector<1024x1xf32> to vector<1024x128xf32>
    %mul3A_14 = arith.mulf %dot_general3A_13, %mul3A : vector<1024x128xf32>
    %swap3A = arith.constant 0 : index
    %swap3A_15 = arith.constant 0 : index
    %swap3A_16 = vector.load %arg5[%swap3A, %swap3A_15] : memref<1024x128xf32, #tpu.memory_space<vmem>>, vector<1024x128xf32>
    tpu.vector_store %arg5[%swap3A, %swap3A_15], %mul3A_14 {strides = array<i32>} : memref<1024x128xf32, #tpu.memory_space<vmem>>, vector<1024x128xf32>,
    return
  }
  func.func @transform_0(%arg0: i32) -> (i32, i32) {
    %c0_i32 = arith.constant 0 : i32
    %c0_i32_0 = arith.constant 0 : i32
    return %arg0, %c0_i32 : i32, i32
  }
  func.func @transform_1(%arg0: i32) -> (i32, i32) {
    %c0_i32 = arith.constant 0 : i32
    %c0_i32_0 = arith.constant 0 : i32
    %c0_i32_1 = arith.constant 0 : i32
    return %c0_i32, %c0_i32_0 : i32, i32
  }
  func.func @transform_2(%arg0: i32) -> (i32, i32) {
    %c0_i32 = arith.constant 0 : i32
    %c0_i32_0 = arith.constant 0 : i32
    return %arg0, %c0_i32 : i32, i32
  }
  func.func @transform_3(%arg0: i32) -> (i32, i32) {
    %c0_i32 = arith.constant 0 : i32
    %c0_i32_0 = arith.constant 0 : i32
    return %arg0, %c0_i32 : i32, i32
  }
  func.func @transform_4(%arg0: i32) -> (i32, i32) {
    %c0_i32 = arith.constant 0 : i32
    %c0_i32_0 = arith.constant 0 : i32
    return %arg0, %c0_i32 : i32, i32
  }
}

module attributes {stable_mosaic.version = 14 : i64} {
  func.func @_mid_body(%arg0: i32, %arg1: memref<2x1024x128xf32, #tpu.memory_space<vmem>>, %arg2: memref<1024x1xf32, #tpu.memory_space<vmem>>, %arg3: memref<1024x1xf32, #tpu.memory_space<vmem>>, %arg4: memref<1x128xf32, #tpu.memory_space<vmem>>, %arg5: memref<128x128xf32, #tpu.memory_space<vmem>>, %arg6: memref<1024x1xf32, #tpu.memory_space<vmem>>, %arg7: memref<1024x1xf32, #tpu.memory_space<vmem>>, %arg8: memref<1024x128xf32, #tpu.memory_space<vmem>>) attributes {dimension_semantics = [#tpu.dimension_semantics<arbitrary>], iteration_bounds = array<i64: 10>, scalar_prefetch = 0 : i64, scratch_operands = 0 : i64, tpu.core_type = #tpu.core_type<tc>, window_params = [{transform_indices = @transform_0, window_bounds = array<i64: 2, 1024, 128>}, {transform_indices = @transform_1, window_bounds = array<i64: 1024, 1>}, {transform_indices = @transform_2, window_bounds = array<i64: 1024, 1>}, {pipeline_mode = #tpu.pipeline_mode<synchronous>, transform_indices = @transform_3, window_bounds = array<i64: 1, 128>}, {pipeline_mode = #tpu.pipeline_mode<synchronous>, transform_indices = @transform_4, window_bounds = array<i64: 128, 128>}, {transform_indices = @transform_5, window_bounds = array<i64: 1024, 1>}, {transform_indices = @transform_6, window_bounds = array<i64: 1024, 1>}, {transform_indices = @transform_7, window_bounds = array<i64: 1024, 128>}]} {
    %get3A = arith.constant 0 : index
    %get3A_0 = arith.constant 0 : index
    %get3A_1 = vector.load %arg2[%get3A, %get3A_0] : memref<1024x1xf32, #tpu.memory_space<vmem>>, vector<1024x1xf32>
    %get3A_2 = arith.constant 0 : index
    %get3A_3 = arith.constant 0 : index
    %get3A_4 = vector.load %arg3[%get3A_2, %get3A_3] : memref<1024x1xf32, #tpu.memory_space<vmem>>, vector<1024x1xf32>
    %add3A = arith.addf %get3A_1, %get3A_4 : vector<1024x1xf32>
    %gt3A = arith.constant 0.000000e+00 : f32
    %gt3A_5 = vector.broadcast %gt3A : f32 to vector<1024x1xf32>
    %gt3A_6 = arith.cmpf ogt, %add3A, %gt3A_5 : vector<1024x1xf32>
    %jit3A = arith.constant 1.000000e+00 : f32
    %broadcast_in_dim3A = vector.broadcast %jit3A : f32 to vector<1024x1xf32>
    %select_n3A = arith.select %gt3A_6, %add3A, %broadcast_in_dim3A : vector<1024x1xi1>, vector<1024x1xf32>
    %rsqrt3A = math.rsqrt %select_n3A : vector<1024x1xf32>
    %get3A_7 = arith.constant 0 : index
    %get3A_8 = arith.constant 0 : index
    %get3A_9 = arith.constant 0 : index
    %get3A_10 = vector.load %arg1[%get3A_7, %get3A_8, %get3A_9] : memref<2x1024x128xf32, #tpu.memory_space<vmem>>, vector<1x1024x128xf32>
    %get3A_11 = vector.shape_cast %get3A_10 : vector<1x1024x128xf32> to vector<1024x128xf32>
    %get3A_12 = arith.constant 1 : index
    %get3A_13 = arith.constant 0 : index
    %get3A_14 = arith.constant 0 : index
    %get3A_15 = vector.load %arg1[%get3A_12, %get3A_13, %get3A_14] : memref<2x1024x128xf32, #tpu.memory_space<vmem>>, vector<1x1024x128xf32>
    %get3A_16 = vector.shape_cast %get3A_15 : vector<1x1024x128xf32> to vector<1024x128xf32>
    %add3A_17 = arith.addf %get3A_11, %get3A_16 : vector<1024x128xf32>
    %mul3A = vector.broadcast %rsqrt3A : vector<1024x1xf32> to vector<1024x128xf32>
    %mul3A_18 = arith.mulf %add3A_17, %mul3A : vector<1024x128xf32>
    %get3A_19 = arith.constant 0 : index
    %get3A_20 = arith.constant 0 : index
    %get3A_21 = vector.load %arg4[%get3A_19, %get3A_20] : memref<1x128xf32, #tpu.memory_space<vmem>>, vector<1x128xf32>
    %add3A_22 = vector.broadcast %get3A_21 : vector<1x128xf32> to vector<1024x128xf32>
    %add3A_23 = arith.addf %mul3A_18, %add3A_22 : vector<1024x128xf32>
    %max3A = arith.constant 0.000000e+00 : f32
    %max3A_24 = vector.broadcast %max3A : f32 to vector<1024x128xf32>
    %max3A_25 = arith.maximumf %add3A_23, %max3A_24 : vector<1024x128xf32>
    %get3A_26 = arith.constant 0 : index
    %get3A_27 = arith.constant 0 : index
    %get3A_28 = vector.load %arg6[%get3A_26, %get3A_27] : memref<1024x1xf32, #tpu.memory_space<vmem>>, vector<1024x1xf32>
    %get3A_29 = arith.constant 0 : index
    %get3A_30 = arith.constant 0 : index
    %get3A_31 = vector.load %arg7[%get3A_29, %get3A_30] : memref<1024x1xf32, #tpu.memory_space<vmem>>, vector<1024x1xf32>
    %add3A_32 = arith.addf %get3A_28, %get3A_31 : vector<1024x1xf32>
    %gt3A_33 = arith.constant 0.000000e+00 : f32
    %gt3A_34 = vector.broadcast %gt3A_33 : f32 to vector<1024x1xf32>
    %gt3A_35 = arith.cmpf ogt, %add3A_32, %gt3A_34 : vector<1024x1xf32>
    %jit3A_36 = arith.constant 1.000000e+00 : f32
    %broadcast_in_dim3A_37 = vector.broadcast %jit3A_36 : f32 to vector<1024x1xf32>
    %select_n3A_38 = arith.select %gt3A_35, %add3A_32, %broadcast_in_dim3A_37 : vector<1024x1xi1>, vector<1024x1xf32>
    %rsqrt3A_39 = math.rsqrt %select_n3A_38 : vector<1024x1xf32>
    %get3A_40 = arith.constant 0 : index
    %get3A_41 = arith.constant 0 : index
    %get3A_42 = vector.load %arg5[%get3A_40, %get3A_41] : memref<128x128xf32, #tpu.memory_space<vmem>>, vector<128x128xf32>
    %dot_general3A = arith.constant dense<0.000000e+00> : vector<1024x128xf32>
    %dot_general3A_43 = tpu.matmul %max3A_25, %get3A_42, %dot_general3A {dimension_numbers = #tpu.dot_dimension_numbers<[1], [0], [0], [1], [0, 0, 1, 1], [], []>, transpose_lhs_hint = false} : vector<1024x128xf32>, vector<128x128xf32>, vector<1024x128xf32> -> vector<1024x128xf32>
    %mul3A_44 = vector.broadcast %rsqrt3A_39 : vector<1024x1xf32> to vector<1024x128xf32>
    %mul3A_45 = arith.mulf %dot_general3A_43, %mul3A_44 : vector<1024x128xf32>
    %swap3A = arith.constant 0 : index
    %swap3A_46 = arith.constant 0 : index
    %swap3A_47 = vector.load %arg8[%swap3A, %swap3A_46] : memref<1024x128xf32, #tpu.memory_space<vmem>>, vector<1024x128xf32>
    tpu.vector_store %arg8[%swap3A, %swap3A_46], %mul3A_45 {strides = array<i32>} : memref<1024x128xf32, #tpu.memory_space<vmem>>, vector<1024x128xf32>,
    return
  }
  func.func @transform_0(%arg0: i32) -> (i32, i32, i32) {
    %c0_i32 = arith.constant 0 : i32
    %c0_i32_0 = arith.constant 0 : i32
    %c0_i32_1 = arith.constant 0 : i32
    return %c0_i32, %arg0, %c0_i32_0 : i32, i32, i32
  }
  func.func @transform_1(%arg0: i32) -> (i32, i32) {
    %c0_i32 = arith.constant 0 : i32
    %c0_i32_0 = arith.constant 0 : i32
    return %arg0, %c0_i32 : i32, i32
  }
  func.func @transform_2(%arg0: i32) -> (i32, i32) {
    %c0_i32 = arith.constant 0 : i32
    %c0_i32_0 = arith.constant 0 : i32
    return %arg0, %c0_i32 : i32, i32
  }
  func.func @transform_3(%arg0: i32) -> (i32, i32) {
    %c0_i32 = arith.constant 0 : i32
    %c0_i32_0 = arith.constant 0 : i32
    %c0_i32_1 = arith.constant 0 : i32
    return %c0_i32, %c0_i32_0 : i32, i32
  }
  func.func @transform_4(%arg0: i32) -> (i32, i32) {
    %c0_i32 = arith.constant 0 : i32
    %c0_i32_0 = arith.constant 0 : i32
    %c0_i32_1 = arith.constant 0 : i32
    return %c0_i32, %c0_i32_0 : i32, i32
  }
  func.func @transform_5(%arg0: i32) -> (i32, i32) {
    %c0_i32 = arith.constant 0 : i32
    %c0_i32_0 = arith.constant 0 : i32
    return %arg0, %c0_i32 : i32, i32
  }
  func.func @transform_6(%arg0: i32) -> (i32, i32) {
    %c0_i32 = arith.constant 0 : i32
    %c0_i32_0 = arith.constant 0 : i32
    return %arg0, %c0_i32 : i32, i32
  }
  func.func @transform_7(%arg0: i32) -> (i32, i32) {
    %c0_i32 = arith.constant 0 : i32
    %c0_i32_0 = arith.constant 0 : i32
    return %arg0, %c0_i32 : i32, i32
  }
}

module attributes {stable_mosaic.version = 14 : i64} {
  func.func @_fin_body(%arg0: i32, %arg1: memref<2x1000x128xf32, #tpu.memory_space<vmem>>, %arg2: memref<1000x1xf32, #tpu.memory_space<vmem>>, %arg3: memref<1000x1xf32, #tpu.memory_space<vmem>>, %arg4: memref<1x64xf32, #tpu.memory_space<vmem>>, %arg5: memref<1000x64xf32, #tpu.memory_space<vmem>>) attributes {dimension_semantics = [#tpu.dimension_semantics<arbitrary>], iteration_bounds = array<i64: 10>, scalar_prefetch = 0 : i64, scratch_operands = 0 : i64, tpu.core_type = #tpu.core_type<tc>, window_params = [{transform_indices = @transform_0, window_bounds = array<i64: 2, 1000, 128>}, {transform_indices = @transform_1, window_bounds = array<i64: 1000, 1>}, {transform_indices = @transform_2, window_bounds = array<i64: 1000, 1>}, {pipeline_mode = #tpu.pipeline_mode<synchronous>, transform_indices = @transform_3, window_bounds = array<i64: 1, 64>}, {transform_indices = @transform_4, window_bounds = array<i64: 1000, 64>}]} {
    %get3A = arith.constant 0 : index
    %get3A_0 = arith.constant 0 : index
    %get3A_1 = vector.load %arg2[%get3A, %get3A_0] : memref<1000x1xf32, #tpu.memory_space<vmem>>, vector<1000x1xf32>
    %get3A_2 = arith.constant 0 : index
    %get3A_3 = arith.constant 0 : index
    %get3A_4 = vector.load %arg3[%get3A_2, %get3A_3] : memref<1000x1xf32, #tpu.memory_space<vmem>>, vector<1000x1xf32>
    %add3A = arith.addf %get3A_1, %get3A_4 : vector<1000x1xf32>
    %gt3A = arith.constant 0.000000e+00 : f32
    %gt3A_5 = vector.broadcast %gt3A : f32 to vector<1000x1xf32>
    %gt3A_6 = arith.cmpf ogt, %add3A, %gt3A_5 : vector<1000x1xf32>
    %jit3A = arith.constant 1.000000e+00 : f32
    %broadcast_in_dim3A = vector.broadcast %jit3A : f32 to vector<1000x1xf32>
    %select_n3A = arith.select %gt3A_6, %add3A, %broadcast_in_dim3A : vector<1000x1xi1>, vector<1000x1xf32>
    %rsqrt3A = math.rsqrt %select_n3A : vector<1000x1xf32>
    %get3A_7 = arith.constant 0 : index
    %get3A_8 = arith.constant 0 : index
    %get3A_9 = arith.constant 0 : index
    %get3A_10 = vector.load %arg1[%get3A_7, %get3A_8, %get3A_9] : memref<2x1000x128xf32, #tpu.memory_space<vmem>>, vector<1x1000x64xf32>
    %get3A_11 = vector.shape_cast %get3A_10 : vector<1x1000x64xf32> to vector<1000x64xf32>
    %get3A_12 = arith.constant 1 : index
    %get3A_13 = arith.constant 0 : index
    %get3A_14 = arith.constant 0 : index
    %get3A_15 = vector.load %arg1[%get3A_12, %get3A_13, %get3A_14] : memref<2x1000x128xf32, #tpu.memory_space<vmem>>, vector<1x1000x64xf32>
    %get3A_16 = vector.shape_cast %get3A_15 : vector<1x1000x64xf32> to vector<1000x64xf32>
    %add3A_17 = arith.addf %get3A_11, %get3A_16 : vector<1000x64xf32>
    %mul3A = vector.broadcast %rsqrt3A : vector<1000x1xf32> to vector<1000x64xf32>
    %mul3A_18 = arith.mulf %add3A_17, %mul3A : vector<1000x64xf32>
    %get3A_19 = arith.constant 0 : index
    %get3A_20 = arith.constant 0 : index
    %get3A_21 = vector.load %arg4[%get3A_19, %get3A_20] : memref<1x64xf32, #tpu.memory_space<vmem>>, vector<1x64xf32>
    %add3A_22 = vector.broadcast %get3A_21 : vector<1x64xf32> to vector<1000x64xf32>
    %add3A_23 = arith.addf %mul3A_18, %add3A_22 : vector<1000x64xf32>
    %swap3A = arith.constant 0 : index
    %swap3A_24 = arith.constant 0 : index
    %swap3A_25 = vector.load %arg5[%swap3A, %swap3A_24] : memref<1000x64xf32, #tpu.memory_space<vmem>>, vector<1000x64xf32>
    tpu.vector_store %arg5[%swap3A, %swap3A_24], %add3A_23 {strides = array<i32>} : memref<1000x64xf32, #tpu.memory_space<vmem>>, vector<1000x64xf32>,
    return
  }
  func.func @transform_0(%arg0: i32) -> (i32, i32, i32) {
    %c0_i32 = arith.constant 0 : i32
    %c0_i32_0 = arith.constant 0 : i32
    %c0_i32_1 = arith.constant 0 : i32
    return %c0_i32, %arg0, %c0_i32_0 : i32, i32, i32
  }
  func.func @transform_1(%arg0: i32) -> (i32, i32) {
    %c0_i32 = arith.constant 0 : i32
    %c0_i32_0 = arith.constant 0 : i32
    return %arg0, %c0_i32 : i32, i32
  }
  func.func @transform_2(%arg0: i32) -> (i32, i32) {
    %c0_i32 = arith.constant 0 : i32
    %c0_i32_0 = arith.constant 0 : i32
    return %arg0, %c0_i32 : i32, i32
  }
  func.func @transform_3(%arg0: i32) -> (i32, i32) {
    %c0_i32 = arith.constant 0 : i32
    %c0_i32_0 = arith.constant 0 : i32
    %c0_i32_1 = arith.constant 0 : i32
    return %c0_i32, %c0_i32_0 : i32, i32
  }
  func.func @transform_4(%arg0: i32) -> (i32, i32) {
    %c0_i32 = arith.constant 0 : i32
    %c0_i32_0 = arith.constant 0 : i32
    return %arg0, %c0_i32 : i32, i32
  }
}

</mosaic_0001>

<sc_bundles>
// kernel: kernel.11.cloned.1.call-start
scs
__scs_entry_jumppad:
0x0: {  	(pc) =	sbr.rel $0x88, $3  }
0x1: {  	(tag) =	ssettag $0x0;
	lr =	simm.s32 $0x1  }
0x2: {  	[smem:$0x3F9B] =	sst lr;
	_ =	strace $0xD0000000  }
0x3: {  	_ = 	snop  }
0x4: {  	_ = 	snop  }
0x5: {  	_ = 	snop  }
0x6: {  	_ = 	snop  }
0x7: {  	_ = 	snop  }
__scs_overlays_trampoline_lowered:
0x8: {  	[smem:$0x3FAA] =	sst s0  }
0x9: {  	[smem:$0x3FAB] =	sst s1  }
0xa: {  	[smem:$0x3FAC] =	sst s2  }
0xb: {  	[smem:$0x3FAD] =	sst s3  }
0xc: {  	[smem:$0x3FAE] =	sst s4  }
0xd: {  	[smem:$0x3FAF] =	sst s5  }
0xe: {  	[smem:$0x3FB0] =	sst s6  }
0xf: {  	[smem:$0x3FB1] =	sst s7  }
0x10: {  	[smem:$0x3FB2] =	sst s8  }
0x11: {  	[smem:$0x3FB3] =	sst s9;
	s0 =	simm.s32 @!p0 $0x0  }
0x12: {  	s1 =	sld [smem:$0x3F99];
	s0 =	simm.s32 @p0 $0x1  }
0x13: {  	[smem:$0x3FB4] =	sst s0;
	s0 =	simm.s32 @!p1 $0x0  }
0x14: {  	s2 =	sld [smem:$0x3F98];
	s0 =	simm.s32 @p1 $0x1  }
0x15: {  	[smem:$0x3FB5] =	sst s0;
	s0 =	simm.s32 @!p2 $0x0  }
0x16: {  	s3 =	sld [smem:$0x3FDB];
	s0 =	simm.s32 @p2 $0x1  }
0x17: {  	s4 =	simm.s32 $0x1BF5;
	[smem:$0x3FB7] =	sst s0  }
0x18: {  	s0 =	sld [smem:$0x3F9A];
	_ =	swait.ge [sflag:s4], $0x0  }
0x19: {  	s7 =	sld [smem:$0x3F9B]  }
0x1a: {  	s8 =	sadd.s32 $0xFFFFE003, lr  }
0x1b: {  	s9 =	sadd.s32 $0xFFFFFEF7, lr;
	s5 =	simm.s32 $0xFFFFFFFF;
	p2 =	slt.u32 s8, $0xFFFFF086  }
0x1c: {  	p1 =	slt.u32 s9, $0xF7A;
	s5 =	simm.s32 @!p2 $0x0  }
0x1d: {  	s5 =	simm.s32 @p1 $0x1;
	p0 =	seq.s32 s7, s2  }
0x1e: {  	s7 =	smul.u32 @!p0 $0xF7A, s2;
	p2 =	seq.s32 @!p0 s5, $0x0  }
0x1f: {  	s9 =	smul.u32 $0xF7A, s1;
	s8 =	simm.s32 @!p0 $0x1BF5;
	p2 =	por !p2, p0  }
0x20: {  	[sflag:s8] =	ssyncset.s32 @!p0 $0xFFFFF086;
	s6 =	sadd.s32 @!p0 s3, s7;
	s7 =	simm.s32 @!p0 $0x108  }
0x21: {  	s3 =	sadd.s32 s3, s9;
	s6 =	sadd.s32 @!p0 $0x88, s6;
	s7 =	simm.s32 @p2 $0x1082  }
0x22: {  	[simem:s7], [sflag:s8] =	dma.local @!p0 [hbm:s6], $0xF7A  }
0x23: {  	s9 =	sor.u32 $0xD0000000, s2;
	s6 =	simm.s32 $0x108;
	_ =	swait.ge @!p0 [sflag:s8], $0x0  }
0x24: {  	s3 =	sadd.s32 $0x88, s3;
	s6 =	simm.s32 @!p1 $0x1082;
	[sflag:s4] =	ssyncset.s32 $0xFFFFF086  }
0x25: {  	[simem:s6], [sflag:s4] =	dma.local [hbm:s3], $0xF7A  }
0x26: {  	[smem:$0x3F9B] =	sst s1;
	(tag) =	ssettag s2;
	_ =	strace s9  }
0x27: {  	s1 =	sld [smem:$0x3FAB]  }
0x28: {  	s2 =	sld [smem:$0x3FAC]  }
0x29: {  	s4 =	sld [smem:$0x3FAE]  }
0x2a: {  	p0 =	seq.s32 s5, $0x0;
	s5 =	sld [smem:$0x3FAF]  }
0x2b: {  	s6 =	sld [smem:$0x3FB0]  }
0x2c: {  	s7 =	sld [smem:$0x3FB1]  }
0x2d: {  	s3 =	simm.s32 $0x108;
	s8 =	sld [smem:$0x3FB2]  }
0x2e: {  	s3 =	simm.s32 @!p0 $0x1082;
	s9 =	sld [smem:$0x3FB3]  }
0x2f: {  	lr =	sadd.s32 s0, s3;
	s0 =	sld [smem:$0x3FAA]  }
0x30: {  	s3 =	sld [smem:$0x3FAD]  }
0x31: {  	[smem:$0x3FB6] =	sst s10  }
0x32: {  	s10 =	sld [smem:$0x3FB4];
	_ =	sdelay $0x3  }
0x33: {  	p0 =	seq.s32 s10, $0x1;
	s10 =	sld [smem:$0x3FB6];
	_ =	sdelay $0x3  }
0x34: {  	[smem:$0x3FB6] =	sst s10  }
0x35: {  	s10 =	sld [smem:$0x3FB5];
	_ =	sdelay $0x3  }
0x36: {  	p1 =	seq.s32 s10, $0x1;
	s10 =	sld [smem:$0x3FB6];
	_ =	sdelay $0x3  }
0x37: {  	[smem:$0x3FB6] =	sst s10  }
0x38: {  	s10 =	sld [smem:$0x3FB7]  }
0x39: {  	_ = 	snop;
	(pc) =	sbr.ind lr, $3  }
0x3a: {  	_ = 	snop  }
0x3b: {  	_ = 	snop  }
0x3c: {  	p2 =	seq.s32 s10, $0x1;
	s10 =	sld [smem:$0x3FB6]  }
0x3d: {  	_ =	shalt  }
0x3e: {  	_ =	shalt  }
0x3f: {  	_ =	shalt  }
0x40: {  	_ =	shalt  }
0x41: {  	_ =	shalt  }
0x42: {  	_ =	shalt  }
0x43: {  	_ =	shalt  }
0x44: {  	_ =	shalt  }
0x45: {  	_ =	shalt  }
0x46: {  	_ =	shalt  }
0x47: {  	_ =	shalt  }
0x48: {  	_ =	shalt  }
0x49: {  	_ =	shalt  }
0x4a: {  	_ =	shalt  }
0x4b: {  	_ =	shalt  }
0x4c: {  	_ =	shalt  }
0x4d: {  	_ =	shalt  }
0x4e: {  	_ =	shalt  }
0x4f: {  	_ =	shalt  }
0x50: {  	_ =	shalt  }
0x51: {  	_ =	shalt  }
0x52: {  	_ =	shalt  }
0x53: {  	_ =	shalt  }
0x54: {  	_ =	shalt  }
0x55: {  	_ =	shalt  }
0x56: {  	_ =	shalt  }
0x57: {  	_ =	shalt  }
0x58: {  	_ =	shalt  }
0x59: {  	_ =	shalt  }
0x5a: {  	_ =	shalt  }
0x5b: {  	_ =	shalt  }
0x5c: {  	_ =	shalt  }
0x5d: {  	_ =	shalt  }
0x5e: {  	_ =	shalt  }
0x5f: {  	_ =	shalt  }
0x60: {  	_ =	shalt  }
0x61: {  	_ =	shalt  }
0x62: {  	_ =	shalt  }
0x63: {  	_ =	shalt  }
0x64: {  	_ =	shalt  }
0x65: {  	_ =	shalt  }
0x66: {  	_ =	shalt  }
0x67: {  	_ =	shalt  }
0x68: {  	_ =	shalt  }
0x69: {  	_ =	shalt  }
0x6a: {  	_ =	shalt  }
0x6b: {  	_ =	shalt  }
0x6c: {  	_ =	shalt  }
0x6d: {  	_ =	shalt  }
0x6e: {  	_ =	shalt  }
0x6f: {  	_ =	shalt  }
0x70: {  	_ =	shalt  }
0x71: {  	_ =	shalt  }
0x72: {  	_ =	shalt  }
0x73: {  	_ =	shalt  }
0x74: {  	_ =	shalt  }
0x75: {  	_ =	shalt  }
0x76: {  	_ =	shalt  }
0x77: {  	_ =	shalt  }
0x78: {  	_ =	shalt  }
0x79: {  	_ =	shalt  }
0x7a: {  	_ =	shalt  }
0x7b: {  	_ =	shalt  }
0x7c: {  	_ =	shalt  }
0x7d: {  	_ =	shalt  }
0x7e: {  	_ =	shalt  }
0x7f: {  	_ =	shalt  }
0x80: {  	_ =	shalt  }
0x81: {  	_ =	shalt  }
0x82: {  	_ =	shalt  }
0x83: {  	_ =	shalt  }
0x84: {  	_ =	shalt  }
0x85: {  	_ =	shalt  }
0x86: {  	_ =	shalt  }
0x87: {  	_ =	shalt  }
.Lfunc_end0:
.L_simem_size_0:
called_computation.1_lowered:
.L_overlay_start_0:
0x88: {  	s2 =	sld [smem:$0x3FD9]  }
0x89: {  	s3 =	sld [smem:$0x3FFE];
	_ =	sdelay $0x1  }
0x8a: {  	s1 =	srdreg.scid  }
0x8b: {  	s0 =	sand.u32 $0x1, s1  }
0x8c: {  	s17 =	sshll.u32 s0, $0xA;
	s2 =	sadd.s32 s3, s2  }
0x8d: {  	s2 =	sadd.s32 s2, s17  }
0x8e: {  	[smem:$0x3FC2] =	sst s2  }
0x8f: {  	_ = 	snop  }
0x90: {  	s2 =	sld [smem:$0x3FD0];
	(tm) =	ssettm $0x1  }
0x91: {  	s18 =	sld [smem:$0x3FFB];
	_ =	sdelay $0x3  }
0x92: {  	_ =	strace s18  }
0x93: {  	s3 =	sld [smem:$0x3FFC];
	_ =	sdelay $0x3  }
0x94: {  	_ =	strace s3  }
0x95: {  	s3 =	sld [smem:$0x3FFD];
	_ =	sdelay $0x3  }
0x96: {  	_ =	strace s3  }
0x97: {  	_ =	strace $0x8FFFFFFF  }
0x98: {  	s19 =	sld [smem:$0x3FDB];
	_ =	sdelay $0x1  }
0x99: {  	s4 =	simm.s32 $_scs_section_size  }
0x9a: {  	s5 =	simm.s32 $_size__tile_overlayer_lowered;
	s6 =	simm.s32 $_tile_overlayer_lowered  }
0x9b: {  	s22 =	simm.s32 $0x1BFF;
	s21 =	sshll.u32 s6, $0x1;
	s3 =	sadd.s32 s4, s19  }
0x9c: {  	s7 =	simm.s32 $0x0;
	s20 =	sshll.u32 s5, $0x1;
	s5 =	sadd.s32 s21, s3  }
0x9d: {  	[timem:s7], [sflag:s22] =	dma.local [hbm:s5], s20  }
0x9e: {  	_ =	swait.ge [sflag:s22], s20  }
0x9f: {  	s4 =	ssub.s32 $0x0, s20;
	[sflag:s22] =	ssyncset.done $0x0  }
0xa0: {  	[sflag:s22] =	ssyncadd.s32 s4;
	_ =	sdelay $0x1  }
0xa1: {  	s23 =	simm.s32 $0x1B8B  }
0xa2: {  	_ =	swait.ge [sflag:s23], $0x1  }
0xa3: {  	[sflag:s23] =	ssyncset.done $0x0  }
0xa4: {  	s25 =	simm.s32 $0x1B8E;
	s24 =	sld [smem:$0x3FFE];
	[sflag:s23] =	ssyncadd.s32 $0xFFFFFFFF  }
0xa5: {  	s26 =	simm.s32 $execute0_lowered;
	[smem:$0x3FD2] =	sst s25  }
0xa6: {  	s5 =	sshll.u32 s26, $0x1;
	_ =	strace $0x80000049;
	[dreg:$0x1] =	wrdreg $0xFFFFFFFF  }
0xa7: {  	s28 =	simm.s32 $_size_execute0_lowered;
	s3 =	sadd.s32 s3, s5;
	[dreg:$0x0] =	wrdreg $0x0  }
0xa8: {  	s5 =	sshll.u32 s28, $0x1;
	[dreg:$0x2] =	wrdreg s3  }
0xa9: {  	[dreg:$0x3] =	wrdreg s5  }
0xaa: {  	[dreg:$0x4] =	wrdreg $0xC0  }
0xab: {  	_ =	task [dreg:s7], $0x5FFFF  }
0xac: {  	[dreg:$0x1] =	wrdreg $0xFFFFFFFF  }
0xad: {  	[dreg:$0x0] =	wrdreg $0x60  }
0xae: {  	[dreg:$0x2] =	wrdreg s24  }
0xaf: {  	[dreg:$0x3] =	wrdreg s2  }
0xb0: {  	[dreg:$0x4] =	wrdreg $0xA9000  }
0xb1: {  	[dreg:$0x5] =	wrdreg $0x9  }
0xb2: {  	_ =	task.clear_ibuf [dreg:s7], $0x6FFFF;
	_ =	strace $0x90000049  }
0xb3: {  	s29 =	simm.s32 $0x9;
	_ =	strace $0x8000004B  }
0xb4: {  	_ =	swait.ge [sflag:s29], $0x1  }
0xb5: {  	[sflag:s29] =	ssyncadd.s32 $0xFFFFFFFF  }
0xb6: {  	_ =	strace $0x9000004B  }
0xb7: {  	_ =	sfence  }
0xb8: {  	s30 =	sld [smem:$0x0];
	_ =	sdelay $0x2  }
0xb9: {  	s31 =	sshll.u32 s1, $0xD;
	s1 =	sshrl.u32 s1, $0x2  }
0xba: {  	s3 =	sand.u32 $0x4000, s31;
	s1 =	sadd.s32 s1, s30  }
0xbb: {  	s0 =	sor.u32 s3, s0;
	s1 =	sshll.u32 s1, $0x11  }
0xbc: {  	s0 =	sor.u32 s1, s0  }
0xbd: {  	s0 =	sadd.s32 $0x8F2B, s0  }
0xbe: {  	[sflag:s0] =	ssyncadd.remote.s32 $0x1  }
0xbf: {  	_ =	sfence.sel $0xFFFF  }
0xc0: {  	[dreg:$0x0] =	wrdreg $0xFFFFFFFF;
	(pc) =	sbr.abs _section_cstart, $3  }
0xc1: {  	[dreg:$0x1] =	wrdreg $0xFFFFFFFF  }
0xc2: {  	_ =	task.clear_ibuf [dreg:s7], $0x2FFFF;
	_ =	strace $0x9FFFFFFF  }
0xc3: {  	(tm) =	ssettm $0x7FFFFFFF  }
tec
execute0_lowered:
.L_overlay_start_1:
0x0: {  	(tag) =	ssettag $0x1  }
0x1: {  	s5 =	rddreg [dreg:$0x0]  }
0x2: {  	s16 =	rddreg [dreg:$0x1]  }
0x3: {  	s2 =	rddreg [dreg:$0x2];
	s1 =	srdreg.scid  }
0x4: {  	s3 =	simm.s32 $0x0;
	s19 =	simm.s32 $0x80;
	s20 =	simm.s32 $0x2800  }
0x5: {  	s21 =	simm.s32 $0x6900;
	s22 =	simm.s32 $0x2880;
	s6 =	sand.u32 $0x1, s1  }
0x6: {  	s23 =	simm.s32 $0x3;
	s1 =	stileid.u32;
	s7 =	smul.u32 $0x140000, s6  }
0x7: {  	s24 =	simm.s32 $0x1;
	s25 =	simm.s32 $0x4;
	s8 =	smul.u32 $0x14000, s1  }
0x8: {  	s28 =	simm.s32 $0x0;
	[smem:$0x7FF] =	sst s3;
	s26 =	smul.u32 $0x50000, s1  }
0x9: {  	s4 =	sshll.u32 s6, $0x4;
	_ =	strace $0x8000004A;
	s12 =	smul.u32 $0x28000, s6  }
0xa: {  	s29 =	ssub.s32 $0x2, s6;
	s15 =	smul.u32 $0x2800, s1;
	s4 =	sor.u32 s1, s4  }
0xb: {  	s30 =	sshrl.u32 s29, $0x1;
	s9 =	smul.u32 $0x2800, s4;
	s4 =	sadd.s32 $0x34400, s5  }
0xc: {  	s7 =	sadd.s32 s8, s7;
	s8 =	sshrl.u32 s26, $0x2;
	s14 =	ssub.s32 s29, s30  }
0xd: {  	s15 =	sadd.s32 s15, s12;
	s26 =	simm.s32 $0x2;
	s7 =	sshrl.u32 s7, $0x3  }
0xe: {  	s17 =	sor.u32 $0x100, s15;
	s18 =	sor.u32 $0x180, s15;
	s14 =	smax.u32 s14, $0x1  }
0xf: {  	s10 =	sshrl.u32 s9, $0x3;
	s13 =	sadd.s32 s7, s5;
	s17 =	sshrl.u32 s17, $0x3  }
0x10: {  	s31 =	sshrl.u32 s18, $0x3;
	s18 =	simm.s32 $0x5;
	s11 =	sadd.s32 s10, s5  }
0x11: {  	s5 =	sadd.s32 s8, s2;
	s10 =	sadd.s32 s16, s10;
	s13 =	sadd.s32 $0x5C400, s13  }
0x12: {  	s15 =	sadd.s32 s17, s16;
	s16 =	sadd.s32 s31, s16;
	s17 =	simm.s32 $0x2900  }
0x13: {  	s6 =	sadd.s32 $0x4000, s5;
	s7 =	sadd.s32 $0x8000, s5;
	s8 =	sadd.s32 $0xC000, s5  }
0x14: {  	v0 =	vimm.f32 $0.0e+00;
	s9 =	sadd.s32 $0x10000, s5;
	s11 =	sadd.s32 $0x2400, s11;
	s12 =	sadd.s32 $0x10, s10  }
.LBB2_1:
0x15: {  	s29 =	simm.s32 $0x0;
	s30 =	simm.s32 $0x200  }
.LBB2_2:
0x16: {  	p0 =	sne.s32 s30, $0xFE00;
	[tilespmem:s29+$0x2970] =	vst v0  }
0x17: {  	[tilespmem:s29+$0x2900] =	vst v0  }
0x18: {  	[tilespmem:s29+$0x2910] =	vst v0  }
.Ltmp0:
0x19: {  	[tilespmem:s29+$0x2920] =	vst v0;
	(pc) =	sbr.rel @p0 .LBB2_2-.Ltmp0, $4  }
0x1a: {  	[tilespmem:s29+$0x2930] =	vst v0  }
0x1b: {  	[tilespmem:s29+$0x2940] =	vst v0  }
0x1c: {  	[tilespmem:s29+$0x2950] =	vst v0  }
0x1d: {  	[tilespmem:s29+$0x2960] =	vst v0;
	s29 =	sshra.s32 s30, $0x2;
	s30 =	sadd.s32 $0x200, s30  }
0x1e: {  	[tilespmem:s29+$0x2970] =	vst v0  }
0x1f: {  	[tilespmem:s29+$0x2900] =	vst v0  }
0x20: {  	[tilespmem:s29+$0x2910] =	vst v0  }
0x21: {  	[tilespmem:s29+$0x2920] =	vst v0  }
0x22: {  	[tilespmem:s29+$0x2930] =	vst v0  }
0x23: {  	[tilespmem:s29+$0x2940] =	vst v0  }
0x24: {  	[tilespmem:s29+$0x2950] =	vst v0  }
0x25: {  	[tilespmem:s29+$0x2960] =	vst v0  }
0x26: {  	[spmem:s5] =	stream.linear.scatter [tilespmem:s17], [sflag:$0x5], $0x4000, $0x38;
	[tilespmem:$0x1E900] =	vst v63  }
0x27: {  	_ =	swait.ge [sflag:s18], $0x4000  }
0x28: {  	[sflag:s18] =	ssyncset.done $0x0  }
0x29: {  	[sflag:s18] =	ssyncadd.s32 $0xFFFFC000  }
0x2a: {  	[spmem:s6] =	stream.linear.scatter [tilespmem:s17], [sflag:$0x5], $0x4000, $0x38;
	[tilespmem:$0x1E900] =	vst v63  }
0x2b: {  	_ =	swait.ge [sflag:s18], $0x4000  }
0x2c: {  	[sflag:s18] =	ssyncset.done $0x0  }
0x2d: {  	[sflag:s18] =	ssyncadd.s32 $0xFFFFC000  }
0x2e: {  	[spmem:s7] =	stream.linear.scatter [tilespmem:s17], [sflag:$0x5], $0x4000, $0x38;
	[tilespmem:$0x1E900] =	vst v63  }
0x2f: {  	_ =	swait.ge [sflag:s18], $0x4000  }
0x30: {  	[sflag:s18] =	ssyncset.done $0x0  }
0x31: {  	[sflag:s18] =	ssyncadd.s32 $0xFFFFC000  }
0x32: {  	[spmem:s8] =	stream.linear.scatter [tilespmem:s17], [sflag:$0x5], $0x4000, $0x38;
	[tilespmem:$0x1E900] =	vst v63  }
0x33: {  	_ =	swait.ge [sflag:s18], $0x4000  }
0x34: {  	[sflag:s18] =	ssyncset.done $0x0  }
0x35: {  	[sflag:s18] =	ssyncadd.s32 $0xFFFFC000  }
0x36: {  	[spmem:s9] =	stream.linear.scatter [tilespmem:s17], [sflag:$0x5], $0x4000, $0x38;
	[tilespmem:$0x1E900] =	vst v63  }
0x37: {  	_ =	swait.ge [sflag:s18], $0x4000  }
0x38: {  	[sflag:s18] =	ssyncset.done $0x0  }
0x39: {  	s29 =	simm.s32 $0x0;
	[sflag:s18] =	ssyncadd.s32 $0xFFFFC000  }
0x3a: {  	[tilespmem:s29], [sflag:$0x5] =	stream.linear.gather [hbm4b:s11+s29], $0x2800, $0x38;
	[tilespmem:$0x1E900] =	vst v63  }
0x3b: {  	_ =	swait.ge [sflag:s18], $0x2800  }
0x3c: {  	[sflag:s18] =	ssyncset.done $0x0  }
0x3d: {  	[sflag:s18] =	ssyncadd.s32 $0xFFFFD800  }
0x3e: {  	[bflag:$0x0] =	sbarrier.arrive $0xFFFF  }
0x3f: {  	[tilespmem:s17], [sflag:$0x1] =	stream.indirect.gather [hbm4b:s4+s19], $0x80, s29, s19, $0xb8;
	[tilespmem:$0x1E900] =	vst v63  }
0x40: {  	_ = 	snop  }
0x41: {  	[tilespmem:s20], [sflag:$0x3] =	stream.linear.gather [hbm4b:s10+s29], $0x80, $0x38;
	[tilespmem:$0x1E900] =	vst v63  }
0x42: {  	_ = 	snop  }
0x43: {  	[tilespmem:s21], [sflag:$0x2] =	stream.indirect.gather [hbm4b:s4+s19], $0x80, s19, s19, $0xb8;
	[tilespmem:$0x1E900] =	vst v63  }
0x44: {  	_ = 	snop  }
0x45: {  	[tilespmem:s22], [sflag:$0x4] =	stream.linear.gather [hbm4b:s12+s29], $0x80, $0x38;
	[tilespmem:$0x1E900] =	vst v63  }
0x46: {  	_ =	swait.ge [sflag:s23], $0x80  }
0x47: {  	[sflag:s23] =	ssyncset.done $0x0  }
0x48: {  	[sflag:s23] =	ssyncadd.s32 $0xFFFFFF80  }
0x49: {  	_ =	swait.ge [sflag:s24], $0x4000  }
0x4a: {  	[sflag:s24] =	ssyncset.done $0x0  }
0x4b: {  	[sflag:s24] =	ssyncadd.s32 $0xFFFFC000  }
0x4c: {  	[spmem:s2] =	stream.indirect.scatter.add.f32 [tilespmem:s17], [sflag:$0x5], $0x80, s20, s19, $0xb8;
	[tilespmem:$0x1E900] =	vst v63  }
0x4d: {  	_ =	swait.ge [sflag:s18], $0x4000  }
0x4e: {  	[sflag:s18] =	ssyncset.done $0x0  }
0x4f: {  	s29 =	simm.s32 $0x100;
	[sflag:s18] =	ssyncadd.s32 $0xFFFFC000  }
0x50: {  	[tilespmem:s17], [sflag:$0x1] =	stream.indirect.gather [hbm4b:s4+s19], $0x80, s29, s19, $0xb8;
	[tilespmem:$0x1E900] =	vst v63  }
0x51: {  	s29 =	sadd.s32 $0x0, s15  }
0x52: {  	[tilespmem:s20], [sflag:$0x3] =	stream.linear.gather [hbm4b:s29+s3], $0x80, $0x38;
	[tilespmem:$0x1E900] =	vst v63  }
0x53: {  	_ =	swait.ge [sflag:s25], $0x80  }
0x54: {  	[sflag:s25] =	ssyncset.done $0x0  }
0x55: {  	[sflag:s25] =	ssyncadd.s32 $0xFFFFFF80  }
0x56: {  	_ =	swait.ge [sflag:s26], $0x4000  }
0x57: {  	[sflag:s26] =	ssyncset.done $0x0  }
0x58: {  	[sflag:s26] =	ssyncadd.s32 $0xFFFFC000  }
0x59: {  	[spmem:s2] =	stream.indirect.scatter.add.f32 [tilespmem:s21], [sflag:$0x5], $0x80, s22, s19, $0xb8;
	[tilespmem:$0x1E900] =	vst v63  }
0x5a: {  	_ =	swait.ge [sflag:s18], $0x4000  }
0x5b: {  	[sflag:s18] =	ssyncset.done $0x0  }
0x5c: {  	s29 =	simm.s32 $0x180;
	[sflag:s18] =	ssyncadd.s32 $0xFFFFC000  }
0x5d: {  	[tilespmem:s21], [sflag:$0x2] =	stream.indirect.gather [hbm4b:s4+s19], $0x80, s29, s19, $0xb8;
	[tilespmem:$0x1E900] =	vst v63  }
0x5e: {  	s31 =	sadd.s32 $0x0, s16;
	s30 =	simm.s32 $0x200;
	s29 =	simm.s32 $0x20  }
.LBB2_4:
0x5f: {  	[tilespmem:s22], [sflag:$0x4] =	stream.linear.gather [hbm4b:s31+s3], $0x80, $0x38;
	[tilespmem:$0x1E900] =	vst v63  }
0x60: {  	s31 =	smov.u32 s29  }
0x61: {  	p0 =	sne.s32 s29, $0x4C0;
	s29 =	sadd.s32 $0x20, s29;
	_ =	swait.ge [sflag:s23], $0x80  }
0x62: {  	[sflag:s23] =	ssyncset.done $0x0  }
0x63: {  	[sflag:s23] =	ssyncadd.s32 $0xFFFFFF80  }
0x64: {  	_ =	swait.ge [sflag:s24], $0x4000  }
0x65: {  	[sflag:s24] =	ssyncset.done $0x0  }
0x66: {  	[sflag:s24] =	ssyncadd.s32 $0xFFFFC000  }
0x67: {  	[spmem:s2] =	stream.indirect.scatter.add.f32 [tilespmem:s17], [sflag:$0x5], $0x80, s20, s19, $0xb8;
	[tilespmem:$0x1E900] =	vst v63  }
0x68: {  	_ =	swait.ge [sflag:s18], $0x4000  }
0x69: {  	[sflag:s18] =	ssyncset.done $0x0  }
0x6a: {  	[sflag:s18] =	ssyncadd.s32 $0xFFFFC000  }
0x6b: {  	[tilespmem:s17], [sflag:$0x1] =	stream.indirect.gather [hbm4b:s4+s19], $0x80, s30, s19, $0xb8;
	[tilespmem:$0x1E900] =	vst v63  }
0x6c: {  	s0 =	sadd.s32 s31, s15  }
0x6d: {  	[tilespmem:s20], [sflag:$0x3] =	stream.linear.gather [hbm4b:s0+s3], $0x80, $0x38;
	[tilespmem:$0x1E900] =	vst v63  }
0x6e: {  	_ =	swait.ge [sflag:s25], $0x80  }
0x6f: {  	[sflag:s25] =	ssyncset.done $0x0  }
0x70: {  	[sflag:s25] =	ssyncadd.s32 $0xFFFFFF80  }
0x71: {  	_ =	swait.ge [sflag:s26], $0x4000  }
0x72: {  	[sflag:s26] =	ssyncset.done $0x0  }
0x73: {  	[sflag:s26] =	ssyncadd.s32 $0xFFFFC000  }
0x74: {  	[spmem:s2] =	stream.indirect.scatter.add.f32 [tilespmem:s21], [sflag:$0x5], $0x80, s22, s19, $0xb8;
	[tilespmem:$0x1E900] =	vst v63  }
.Ltmp1:
0x75: {  	_ =	swait.ge [sflag:s18], $0x4000;
	(pc) =	sbr.rel @p0 .LBB2_4-.Ltmp1, $4  }
0x76: {  	[sflag:s18] =	ssyncset.done $0x0  }
0x77: {  	s0 =	sadd.s32 $0x80, s30;
	[sflag:s18] =	ssyncadd.s32 $0xFFFFC000  }
0x78: {  	[tilespmem:s21], [sflag:$0x2] =	stream.indirect.gather [hbm4b:s4+s19], $0x80, s0, s19, $0xb8;
	[tilespmem:$0x1E900] =	vst v63  }
0x79: {  	s31 =	sadd.s32 s31, s16;
	s30 =	sadd.s32 $0x100, s30  }
0x7a: {  	[tilespmem:s22], [sflag:$0x4] =	stream.linear.gather [hbm4b:s31+s3], $0x80, $0x38;
	[tilespmem:$0x1E900] =	vst v63  }
0x7b: {  	_ =	swait.ge [sflag:s23], $0x80  }
0x7c: {  	[sflag:s23] =	ssyncset.done $0x0  }
0x7d: {  	[sflag:s23] =	ssyncadd.s32 $0xFFFFFF80  }
0x7e: {  	_ =	swait.ge [sflag:s24], $0x4000  }
0x7f: {  	[sflag:s24] =	ssyncset.done $0x0  }
0x80: {  	[sflag:s24] =	ssyncadd.s32 $0xFFFFC000  }
0x81: {  	[spmem:s2] =	stream.indirect.scatter.add.f32 [tilespmem:s17], [sflag:$0x5], $0x80, s20, s19, $0xb8;
	[tilespmem:$0x1E900] =	vst v63  }
0x82: {  	_ =	swait.ge [sflag:s18], $0x4000  }
0x83: {  	[sflag:s18] =	ssyncset.done $0x0  }
0x84: {  	[sflag:s18] =	ssyncadd.s32 $0xFFFFC000  }
0x85: {  	[tilespmem:s17], [sflag:$0x1] =	stream.indirect.gather [hbm4b:s4+s19], $0x80, s3, s19, $0xb8;
	[tilespmem:$0x1E900] =	vst v63  }
0x86: {  	_ = 	snop  }
0x87: {  	[tilespmem:s20], [sflag:$0x3] =	stream.linear.gather [hbm4b:s10+s3], $0x80, $0x38;
	[tilespmem:$0x1E900] =	vst v63  }
0x88: {  	_ =	swait.ge [sflag:s25], $0x80  }
0x89: {  	[sflag:s25] =	ssyncset.done $0x0  }
0x8a: {  	[sflag:s25] =	ssyncadd.s32 $0xFFFFFF80  }
0x8b: {  	_ =	swait.ge [sflag:s26], $0x4000  }
0x8c: {  	[sflag:s26] =	ssyncset.done $0x0  }
0x8d: {  	[sflag:s26] =	ssyncadd.s32 $0xFFFFC000  }
0x8e: {  	[spmem:s2] =	stream.indirect.scatter.add.f32 [tilespmem:s21], [sflag:$0x5], $0x80, s22, s19, $0xb8;
	[tilespmem:$0x1E900] =	vst v63  }
0x8f: {  	_ =	swait.ge [sflag:s18], $0x4000  }
0x90: {  	[sflag:s18] =	ssyncset.done $0x0  }
0x91: {  	[sflag:s18] =	ssyncadd.s32 $0xFFFFC000  }
0x92: {  	[tilespmem:s21], [sflag:$0x2] =	stream.indirect.gather [hbm4b:s4+s19], $0x80, s19, s19, $0xb8;
	[tilespmem:$0x1E900] =	vst v63  }
0x93: {  	_ = 	snop  }
0x94: {  	[tilespmem:s22], [sflag:$0x4] =	stream.linear.gather [hbm4b:s12+s3], $0x80, $0x38;
	[tilespmem:$0x1E900] =	vst v63  }
0x95: {  	_ =	swait.ge [sflag:s24], $0x4000  }
0x96: {  	[sflag:s24] =	ssyncset.done $0x0  }
0x97: {  	[sflag:s24] =	ssyncadd.s32 $0xFFFFC000  }
0x98: {  	_ =	swait.ge [sflag:s23], $0x80  }
0x99: {  	[sflag:s23] =	ssyncset.done $0x0  }
0x9a: {  	[sflag:s23] =	ssyncadd.s32 $0xFFFFFF80  }
0x9b: {  	_ =	swait.ge [sflag:s26], $0x4000  }
0x9c: {  	[sflag:s26] =	ssyncset.done $0x0  }
0x9d: {  	[sflag:s26] =	ssyncadd.s32 $0xFFFFC000  }
0x9e: {  	_ =	swait.ge [sflag:s25], $0x80  }
0x9f: {  	s0 =	sshll.u32 s1, $0x6;
	s28 =	sadd.s32 $0x1, s28;
	[sflag:s25] =	ssyncset.done $0x0  }
0xa0: {  	s29 =	sshrl.u32 s5, $0x3;
	p0 =	sne.s32 s28, s14;
	[sflag:s25] =	ssyncadd.s32 $0xFFFFFF80  }
.Ltmp2:
0xa1: {  	s0 =	sor.u32 $0x1C05, s0;
	[bflag:$0x0] =	sbarrier.arrive $0xFFFF;
	(pc) =	sbr.rel @p0 .LBB2_1-.Ltmp2, $4  }
0xa2: {  	[hbm:s13], [sflag:s0] =	dma.local [spmem:s29], $0x2800  }
0xa3: {  	_ =	swait.ge [sflag:s18], $0x2800  }
0xa4: {  	[sflag:s18] =	ssyncset.done $0x0  }
0xa5: {  	[sflag:s18] =	ssyncadd.s32 $0xFFFFD800  }
0xa6: {  	_ =	sfence.sel $0x180000  }
0xa7: {  	[bflag:$0x0] =	sbarrier.arrive $0xFFFF  }
0xa8: {  	_ =	strace $0x9000004A  }
0xa9: {  	[bflag:$0x2] =	sbarrier.arrive $0xFFFF  }
0xaa: {  	p0 =	sne.s32 s1, $0x0;
	s0 =	rddreg [dreg:$0x3]  }
0xab: {  	s0 =	sadd.s32 @!p0 $0x100000, s0  }
0xac: {  	[sflag:s0] =	ssyncadd.tile.s32 @!p0 $0x1;
	_ =	shalt  }
.Lfunc_end2:
_tile_overlayer_lowered:
.L_overlay_start_2:
0xad: {  	(tag) =	ssettag $0x2  }
0xae: {  	s0 =	rddreg [dreg:$0x0];
	s2 =	stileid.u32  }
0xaf: {  	s1 =	rddreg [dreg:$0x1];
	p0 =	sne.s32 s2, $0x0  }
0xb0: {  	s3 =	rddreg [dreg:$0x2];
	[bflag:$0x3] =	sbarrier.arrive $0xFFFF;
	s2 =	simm.s32 @!p0 $0x1C05  }
0xb1: {  	[timem:s3], [sflag:s2] =	dma.local @!p0 [hbm:s0], s1  }
0xb2: {  	s0 =	simm.s32 @!p0 $0x5  }
0xb3: {  	_ =	swait.ge @!p0 [sflag:s0], s1  }
0xb4: {  	s1 =	ssub.s32 @!p0 $0x0, s1;
	[sflag:s0] =	ssyncset.done @!p0 $0x0  }
0xb5: {  	[sflag:s0] =	ssyncadd.s32 @!p0 s1  }
0xb6: {  	[bflag:$0x3] =	sbarrier.arrive $0xFFFF  }
0xb7: {  	_ =	shalt  }

// kernel: kernel.14.cloned.1.call-start
scs
__scs_entry_jumppad:
0x0: {  	(pc) =	sbr.rel $0x88, $3  }
0x1: {  	(tag) =	ssettag $0x0;
	lr =	simm.s32 $0x1  }
0x2: {  	[smem:$0x3F9B] =	sst lr;
	_ =	strace $0xD0000000  }
0x3: {  	_ = 	snop  }
0x4: {  	_ = 	snop  }
0x5: {  	_ = 	snop  }
0x6: {  	_ = 	snop  }
0x7: {  	_ = 	snop  }
__scs_overlays_trampoline_lowered:
0x8: {  	[smem:$0x3FAA] =	sst s0  }
0x9: {  	[smem:$0x3FAB] =	sst s1  }
0xa: {  	[smem:$0x3FAC] =	sst s2  }
0xb: {  	[smem:$0x3FAD] =	sst s3  }
0xc: {  	[smem:$0x3FAE] =	sst s4  }
0xd: {  	[smem:$0x3FAF] =	sst s5  }
0xe: {  	[smem:$0x3FB0] =	sst s6  }
0xf: {  	[smem:$0x3FB1] =	sst s7  }
0x10: {  	[smem:$0x3FB2] =	sst s8  }
0x11: {  	[smem:$0x3FB3] =	sst s9;
	s0 =	simm.s32 @!p0 $0x0  }
0x12: {  	s1 =	sld [smem:$0x3F99];
	s0 =	simm.s32 @p0 $0x1  }
0x13: {  	[smem:$0x3FB4] =	sst s0;
	s0 =	simm.s32 @!p1 $0x0  }
0x14: {  	s2 =	sld [smem:$0x3F98];
	s0 =	simm.s32 @p1 $0x1  }
0x15: {  	[smem:$0x3FB5] =	sst s0;
	s0 =	simm.s32 @!p2 $0x0  }
0x16: {  	s3 =	sld [smem:$0x3FDB];
	s0 =	simm.s32 @p2 $0x1  }
0x17: {  	s4 =	simm.s32 $0x1BF5;
	[smem:$0x3FB7] =	sst s0  }
0x18: {  	s0 =	sld [smem:$0x3F9A];
	_ =	swait.ge [sflag:s4], $0x0  }
0x19: {  	s7 =	sld [smem:$0x3F9B]  }
0x1a: {  	s8 =	sadd.s32 $0xFFFFE003, lr  }
0x1b: {  	s9 =	sadd.s32 $0xFFFFFEF7, lr;
	s5 =	simm.s32 $0xFFFFFFFF;
	p2 =	slt.u32 s8, $0xFFFFF086  }
0x1c: {  	p1 =	slt.u32 s9, $0xF7A;
	s5 =	simm.s32 @!p2 $0x0  }
0x1d: {  	s5 =	simm.s32 @p1 $0x1;
	p0 =	seq.s32 s7, s2  }
0x1e: {  	s7 =	smul.u32 @!p0 $0xF7A, s2;
	p2 =	seq.s32 @!p0 s5, $0x0  }
0x1f: {  	s9 =	smul.u32 $0xF7A, s1;
	s8 =	simm.s32 @!p0 $0x1BF5;
	p2 =	por !p2, p0  }
0x20: {  	[sflag:s8] =	ssyncset.s32 @!p0 $0xFFFFF086;
	s6 =	sadd.s32 @!p0 s3, s7;
	s7 =	simm.s32 @!p0 $0x108  }
0x21: {  	s3 =	sadd.s32 s3, s9;
	s6 =	sadd.s32 @!p0 $0x88, s6;
	s7 =	simm.s32 @p2 $0x1082  }
0x22: {  	[simem:s7], [sflag:s8] =	dma.local @!p0 [hbm:s6], $0xF7A  }
0x23: {  	s9 =	sor.u32 $0xD0000000, s2;
	s6 =	simm.s32 $0x108;
	_ =	swait.ge @!p0 [sflag:s8], $0x0  }
0x24: {  	s3 =	sadd.s32 $0x88, s3;
	s6 =	simm.s32 @!p1 $0x1082;
	[sflag:s4] =	ssyncset.s32 $0xFFFFF086  }
0x25: {  	[simem:s6], [sflag:s4] =	dma.local [hbm:s3], $0xF7A  }
0x26: {  	[smem:$0x3F9B] =	sst s1;
	(tag) =	ssettag s2;
	_ =	strace s9  }
0x27: {  	s1 =	sld [smem:$0x3FAB]  }
0x28: {  	s2 =	sld [smem:$0x3FAC]  }
0x29: {  	s4 =	sld [smem:$0x3FAE]  }
0x2a: {  	p0 =	seq.s32 s5, $0x0;
	s5 =	sld [smem:$0x3FAF]  }
0x2b: {  	s6 =	sld [smem:$0x3FB0]  }
0x2c: {  	s7 =	sld [smem:$0x3FB1]  }
0x2d: {  	s3 =	simm.s32 $0x108;
	s8 =	sld [smem:$0x3FB2]  }
0x2e: {  	s3 =	simm.s32 @!p0 $0x1082;
	s9 =	sld [smem:$0x3FB3]  }
0x2f: {  	lr =	sadd.s32 s0, s3;
	s0 =	sld [smem:$0x3FAA]  }
0x30: {  	s3 =	sld [smem:$0x3FAD]  }
0x31: {  	[smem:$0x3FB6] =	sst s10  }
0x32: {  	s10 =	sld [smem:$0x3FB4];
	_ =	sdelay $0x3  }
0x33: {  	p0 =	seq.s32 s10, $0x1;
	s10 =	sld [smem:$0x3FB6];
	_ =	sdelay $0x3  }
0x34: {  	[smem:$0x3FB6] =	sst s10  }
0x35: {  	s10 =	sld [smem:$0x3FB5];
	_ =	sdelay $0x3  }
0x36: {  	p1 =	seq.s32 s10, $0x1;
	s10 =	sld [smem:$0x3FB6];
	_ =	sdelay $0x3  }
0x37: {  	[smem:$0x3FB6] =	sst s10  }
0x38: {  	s10 =	sld [smem:$0x3FB7]  }
0x39: {  	_ = 	snop;
	(pc) =	sbr.ind lr, $3  }
0x3a: {  	_ = 	snop  }
0x3b: {  	_ = 	snop  }
0x3c: {  	p2 =	seq.s32 s10, $0x1;
	s10 =	sld [smem:$0x3FB6]  }
0x3d: {  	_ =	shalt  }
0x3e: {  	_ =	shalt  }
0x3f: {  	_ =	shalt  }
0x40: {  	_ =	shalt  }
0x41: {  	_ =	shalt  }
0x42: {  	_ =	shalt  }
0x43: {  	_ =	shalt  }
0x44: {  	_ =	shalt  }
0x45: {  	_ =	shalt  }
0x46: {  	_ =	shalt  }
0x47: {  	_ =	shalt  }
0x48: {  	_ =	shalt  }
0x49: {  	_ =	shalt  }
0x4a: {  	_ =	shalt  }
0x4b: {  	_ =	shalt  }
0x4c: {  	_ =	shalt  }
0x4d: {  	_ =	shalt  }
0x4e: {  	_ =	shalt  }
0x4f: {  	_ =	shalt  }
0x50: {  	_ =	shalt  }
0x51: {  	_ =	shalt  }
0x52: {  	_ =	shalt  }
0x53: {  	_ =	shalt  }
0x54: {  	_ =	shalt  }
0x55: {  	_ =	shalt  }
0x56: {  	_ =	shalt  }
0x57: {  	_ =	shalt  }
0x58: {  	_ =	shalt  }
0x59: {  	_ =	shalt  }
0x5a: {  	_ =	shalt  }
0x5b: {  	_ =	shalt  }
0x5c: {  	_ =	shalt  }
0x5d: {  	_ =	shalt  }
0x5e: {  	_ =	shalt  }
0x5f: {  	_ =	shalt  }
0x60: {  	_ =	shalt  }
0x61: {  	_ =	shalt  }
0x62: {  	_ =	shalt  }
0x63: {  	_ =	shalt  }
0x64: {  	_ =	shalt  }
0x65: {  	_ =	shalt  }
0x66: {  	_ =	shalt  }
0x67: {  	_ =	shalt  }
0x68: {  	_ =	shalt  }
0x69: {  	_ =	shalt  }
0x6a: {  	_ =	shalt  }
0x6b: {  	_ =	shalt  }
0x6c: {  	_ =	shalt  }
0x6d: {  	_ =	shalt  }
0x6e: {  	_ =	shalt  }
0x6f: {  	_ =	shalt  }
0x70: {  	_ =	shalt  }
0x71: {  	_ =	shalt  }
0x72: {  	_ =	shalt  }
0x73: {  	_ =	shalt  }
0x74: {  	_ =	shalt  }
0x75: {  	_ =	shalt  }
0x76: {  	_ =	shalt  }
0x77: {  	_ =	shalt  }
0x78: {  	_ =	shalt  }
0x79: {  	_ =	shalt  }
0x7a: {  	_ =	shalt  }
0x7b: {  	_ =	shalt  }
0x7c: {  	_ =	shalt  }
0x7d: {  	_ =	shalt  }
0x7e: {  	_ =	shalt  }
0x7f: {  	_ =	shalt  }
0x80: {  	_ =	shalt  }
0x81: {  	_ =	shalt  }
0x82: {  	_ =	shalt  }
0x83: {  	_ =	shalt  }
0x84: {  	_ =	shalt  }
0x85: {  	_ =	shalt  }
0x86: {  	_ =	shalt  }
0x87: {  	_ =	shalt  }
.Lfunc_end0:
.L_simem_size_0:
called_computation.2_lowered:
.L_overlay_start_0:
0x88: {  	s2 =	sld [smem:$0x3FD9]  }
0x89: {  	s3 =	sld [smem:$0x3FFE];
	_ =	sdelay $0x1  }
0x8a: {  	s1 =	srdreg.scid  }
0x8b: {  	s0 =	sand.u32 $0x1, s1  }
0x8c: {  	s17 =	sshll.u32 s0, $0xA;
	s2 =	sadd.s32 s3, s2  }
0x8d: {  	s2 =	sadd.s32 s2, s17  }
0x8e: {  	[smem:$0x3FC2] =	sst s2  }
0x8f: {  	_ = 	snop  }
0x90: {  	s2 =	sld [smem:$0x3FD0];
	(tm) =	ssettm $0x1  }
0x91: {  	s18 =	sld [smem:$0x3FFB];
	_ =	sdelay $0x3  }
0x92: {  	_ =	strace s18  }
0x93: {  	s3 =	sld [smem:$0x3FFC];
	_ =	sdelay $0x3  }
0x94: {  	_ =	strace s3  }
0x95: {  	s3 =	sld [smem:$0x3FFD];
	_ =	sdelay $0x3  }
0x96: {  	_ =	strace s3  }
0x97: {  	_ =	strace $0x8FFFFFFF  }
0x98: {  	s19 =	sld [smem:$0x3FDB];
	_ =	sdelay $0x1  }
0x99: {  	s4 =	simm.s32 $_scs_section_size  }
0x9a: {  	s5 =	simm.s32 $_size__tile_overlayer_lowered;
	s6 =	simm.s32 $_tile_overlayer_lowered  }
0x9b: {  	s22 =	simm.s32 $0x1BFF;
	s21 =	sshll.u32 s6, $0x1;
	s3 =	sadd.s32 s4, s19  }
0x9c: {  	s7 =	simm.s32 $0x0;
	s20 =	sshll.u32 s5, $0x1;
	s5 =	sadd.s32 s21, s3  }
0x9d: {  	[timem:s7], [sflag:s22] =	dma.local [hbm:s5], s20  }
0x9e: {  	_ =	swait.ge [sflag:s22], s20  }
0x9f: {  	s4 =	ssub.s32 $0x0, s20;
	[sflag:s22] =	ssyncset.done $0x0  }
0xa0: {  	[sflag:s22] =	ssyncadd.s32 s4;
	_ =	sdelay $0x1  }
0xa1: {  	s23 =	simm.s32 $0x1B8B  }
0xa2: {  	_ =	swait.ge [sflag:s23], $0x1  }
0xa3: {  	[sflag:s23] =	ssyncset.done $0x0  }
0xa4: {  	s25 =	simm.s32 $0x1B8E;
	s24 =	sld [smem:$0x3FFE];
	[sflag:s23] =	ssyncadd.s32 $0xFFFFFFFF  }
0xa5: {  	s26 =	simm.s32 $execute0_lowered;
	[smem:$0x3FD2] =	sst s25  }
0xa6: {  	s5 =	sshll.u32 s26, $0x1;
	_ =	strace $0x8000004C;
	[dreg:$0x1] =	wrdreg $0xFFFFFFFF  }
0xa7: {  	s28 =	simm.s32 $_size_execute0_lowered;
	s3 =	sadd.s32 s3, s5;
	[dreg:$0x0] =	wrdreg $0x0  }
0xa8: {  	s5 =	sshll.u32 s28, $0x1;
	[dreg:$0x2] =	wrdreg s3  }
0xa9: {  	[dreg:$0x3] =	wrdreg s5  }
0xaa: {  	[dreg:$0x4] =	wrdreg $0xC0  }
0xab: {  	_ =	task [dreg:s7], $0x5FFFF  }
0xac: {  	[dreg:$0x1] =	wrdreg $0xFFFFFFFF  }
0xad: {  	[dreg:$0x0] =	wrdreg $0x60  }
0xae: {  	[dreg:$0x2] =	wrdreg s24  }
0xaf: {  	[dreg:$0x3] =	wrdreg s2  }
0xb0: {  	[dreg:$0x4] =	wrdreg $0xA9000  }
0xb1: {  	[dreg:$0x5] =	wrdreg $0x9  }
0xb2: {  	_ =	task.clear_ibuf [dreg:s7], $0x6FFFF;
	_ =	strace $0x9000004C  }
0xb3: {  	s29 =	simm.s32 $0x9;
	_ =	strace $0x8000004E  }
0xb4: {  	_ =	swait.ge [sflag:s29], $0x1  }
0xb5: {  	[sflag:s29] =	ssyncadd.s32 $0xFFFFFFFF  }
0xb6: {  	_ =	strace $0x9000004E  }
0xb7: {  	_ =	sfence  }
0xb8: {  	s30 =	sld [smem:$0x0];
	_ =	sdelay $0x2  }
0xb9: {  	s31 =	sshll.u32 s1, $0xD;
	s1 =	sshrl.u32 s1, $0x2  }
0xba: {  	s3 =	sand.u32 $0x4000, s31;
	s1 =	sadd.s32 s1, s30  }
0xbb: {  	s0 =	sor.u32 s3, s0;
	s1 =	sshll.u32 s1, $0x11  }
0xbc: {  	s0 =	sor.u32 s1, s0  }
0xbd: {  	s0 =	sadd.s32 $0x8F2B, s0  }
0xbe: {  	[sflag:s0] =	ssyncadd.remote.s32 $0x1  }
0xbf: {  	_ =	sfence.sel $0xFFFF  }
0xc0: {  	[dreg:$0x0] =	wrdreg $0xFFFFFFFF;
	(pc) =	sbr.abs _section_cstart, $3  }
0xc1: {  	[dreg:$0x1] =	wrdreg $0xFFFFFFFF  }
0xc2: {  	_ =	task.clear_ibuf [dreg:s7], $0x2FFFF;
	_ =	strace $0x9FFFFFFF  }
0xc3: {  	(tm) =	ssettm $0x7FFFFFFF  }
tec
execute0_lowered:
.L_overlay_start_1:
0x0: {  	(tag) =	ssettag $0x1  }
0x1: {  	s5 =	rddreg [dreg:$0x0]  }
0x2: {  	s16 =	rddreg [dreg:$0x1]  }
0x3: {  	s2 =	rddreg [dreg:$0x2];
	s1 =	srdreg.scid  }
0x4: {  	s3 =	simm.s32 $0x0;
	s19 =	simm.s32 $0x80;
	s20 =	simm.s32 $0x2800  }
0x5: {  	s21 =	simm.s32 $0x6900;
	s22 =	simm.s32 $0x2880;
	s6 =	sand.u32 $0x1, s1  }
0x6: {  	s23 =	simm.s32 $0x3;
	s1 =	stileid.u32;
	s7 =	smul.u32 $0x140000, s6  }
0x7: {  	s24 =	simm.s32 $0x1;
	s25 =	simm.s32 $0x4;
	s8 =	smul.u32 $0x14000, s1  }
0x8: {  	s28 =	simm.s32 $0x0;
	[smem:$0x7FF] =	sst s3;
	s26 =	smul.u32 $0x50000, s1  }
0x9: {  	s4 =	sshll.u32 s6, $0x4;
	_ =	strace $0x8000004D;
	s12 =	smul.u32 $0x28000, s6  }
0xa: {  	s29 =	ssub.s32 $0x2, s6;
	s15 =	smul.u32 $0x2800, s1;
	s4 =	sor.u32 s1, s4  }
0xb: {  	s30 =	sshrl.u32 s29, $0x1;
	s9 =	smul.u32 $0x2800, s4;
	s4 =	sadd.s32 $0xC400, s5  }
0xc: {  	s7 =	sadd.s32 s8, s7;
	s8 =	sshrl.u32 s26, $0x2;
	s14 =	ssub.s32 s29, s30  }
0xd: {  	s15 =	sadd.s32 s15, s12;
	s26 =	simm.s32 $0x2;
	s7 =	sshrl.u32 s7, $0x3  }
0xe: {  	s17 =	sor.u32 $0x100, s15;
	s18 =	sor.u32 $0x180, s15;
	s14 =	smax.u32 s14, $0x1  }
0xf: {  	s10 =	sshrl.u32 s9, $0x3;
	s13 =	sadd.s32 s7, s5;
	s17 =	sshrl.u32 s17, $0x3  }
0x10: {  	s31 =	sshrl.u32 s18, $0x3;
	s18 =	simm.s32 $0x5;
	s11 =	sadd.s32 s10, s5  }
0x11: {  	s5 =	sadd.s32 s8, s2;
	s10 =	sadd.s32 s16, s10;
	s13 =	sadd.s32 $0x34400, s13  }
0x12: {  	s15 =	sadd.s32 s17, s16;
	s16 =	sadd.s32 s31, s16;
	s17 =	simm.s32 $0x2900  }
0x13: {  	s6 =	sadd.s32 $0x4000, s5;
	s7 =	sadd.s32 $0x8000, s5;
	s8 =	sadd.s32 $0xC000, s5  }
0x14: {  	v0 =	vimm.f32 $0.0e+00;
	s9 =	sadd.s32 $0x10000, s5;
	s11 =	sadd.s32 $0x2400, s11;
	s12 =	sadd.s32 $0x10, s10  }
.LBB2_1:
0x15: {  	s29 =	simm.s32 $0x0;
	s30 =	simm.s32 $0x200  }
.LBB2_2:
0x16: {  	p0 =	sne.s32 s30, $0xFE00;
	[tilespmem:s29+$0x2970] =	vst v0  }
0x17: {  	[tilespmem:s29+$0x2900] =	vst v0  }
0x18: {  	[tilespmem:s29+$0x2910] =	vst v0  }
.Ltmp0:
0x19: {  	[tilespmem:s29+$0x2920] =	vst v0;
	(pc) =	sbr.rel @p0 .LBB2_2-.Ltmp0, $4  }
0x1a: {  	[tilespmem:s29+$0x2930] =	vst v0  }
0x1b: {  	[tilespmem:s29+$0x2940] =	vst v0  }
0x1c: {  	[tilespmem:s29+$0x2950] =	vst v0  }
0x1d: {  	[tilespmem:s29+$0x2960] =	vst v0;
	s29 =	sshra.s32 s30, $0x2;
	s30 =	sadd.s32 $0x200, s30  }
0x1e: {  	[tilespmem:s29+$0x2970] =	vst v0  }
0x1f: {  	[tilespmem:s29+$0x2900] =	vst v0  }
0x20: {  	[tilespmem:s29+$0x2910] =	vst v0  }
0x21: {  	[tilespmem:s29+$0x2920] =	vst v0  }
0x22: {  	[tilespmem:s29+$0x2930] =	vst v0  }
0x23: {  	[tilespmem:s29+$0x2940] =	vst v0  }
0x24: {  	[tilespmem:s29+$0x2950] =	vst v0  }
0x25: {  	[tilespmem:s29+$0x2960] =	vst v0  }
0x26: {  	[spmem:s5] =	stream.linear.scatter [tilespmem:s17], [sflag:$0x5], $0x4000, $0x38;
	[tilespmem:$0x1E900] =	vst v63  }
0x27: {  	_ =	swait.ge [sflag:s18], $0x4000  }
0x28: {  	[sflag:s18] =	ssyncset.done $0x0  }
0x29: {  	[sflag:s18] =	ssyncadd.s32 $0xFFFFC000  }
0x2a: {  	[spmem:s6] =	stream.linear.scatter [tilespmem:s17], [sflag:$0x5], $0x4000, $0x38;
	[tilespmem:$0x1E900] =	vst v63  }
0x2b: {  	_ =	swait.ge [sflag:s18], $0x4000  }
0x2c: {  	[sflag:s18] =	ssyncset.done $0x0  }
0x2d: {  	[sflag:s18] =	ssyncadd.s32 $0xFFFFC000  }
0x2e: {  	[spmem:s7] =	stream.linear.scatter [tilespmem:s17], [sflag:$0x5], $0x4000, $0x38;
	[tilespmem:$0x1E900] =	vst v63  }
0x2f: {  	_ =	swait.ge [sflag:s18], $0x4000  }
0x30: {  	[sflag:s18] =	ssyncset.done $0x0  }
0x31: {  	[sflag:s18] =	ssyncadd.s32 $0xFFFFC000  }
0x32: {  	[spmem:s8] =	stream.linear.scatter [tilespmem:s17], [sflag:$0x5], $0x4000, $0x38;
	[tilespmem:$0x1E900] =	vst v63  }
0x33: {  	_ =	swait.ge [sflag:s18], $0x4000  }
0x34: {  	[sflag:s18] =	ssyncset.done $0x0  }
0x35: {  	[sflag:s18] =	ssyncadd.s32 $0xFFFFC000  }
0x36: {  	[spmem:s9] =	stream.linear.scatter [tilespmem:s17], [sflag:$0x5], $0x4000, $0x38;
	[tilespmem:$0x1E900] =	vst v63  }
0x37: {  	_ =	swait.ge [sflag:s18], $0x4000  }
0x38: {  	[sflag:s18] =	ssyncset.done $0x0  }
0x39: {  	s29 =	simm.s32 $0x0;
	[sflag:s18] =	ssyncadd.s32 $0xFFFFC000  }
0x3a: {  	[tilespmem:s29], [sflag:$0x5] =	stream.linear.gather [hbm4b:s11+s29], $0x2800, $0x38;
	[tilespmem:$0x1E900] =	vst v63  }
0x3b: {  	_ =	swait.ge [sflag:s18], $0x2800  }
0x3c: {  	[sflag:s18] =	ssyncset.done $0x0  }
0x3d: {  	[sflag:s18] =	ssyncadd.s32 $0xFFFFD800  }
0x3e: {  	[bflag:$0x0] =	sbarrier.arrive $0xFFFF  }
0x3f: {  	[tilespmem:s17], [sflag:$0x1] =	stream.indirect.gather [hbm4b:s4+s19], $0x80, s29, s19, $0xb8;
	[tilespmem:$0x1E900] =	vst v63  }
0x40: {  	_ = 	snop  }
0x41: {  	[tilespmem:s20], [sflag:$0x3] =	stream.linear.gather [hbm4b:s10+s29], $0x80, $0x38;
	[tilespmem:$0x1E900] =	vst v63  }
0x42: {  	_ = 	snop  }
0x43: {  	[tilespmem:s21], [sflag:$0x2] =	stream.indirect.gather [hbm4b:s4+s19], $0x80, s19, s19, $0xb8;
	[tilespmem:$0x1E900] =	vst v63  }
0x44: {  	_ = 	snop  }
0x45: {  	[tilespmem:s22], [sflag:$0x4] =	stream.linear.gather [hbm4b:s12+s29], $0x80, $0x38;
	[tilespmem:$0x1E900] =	vst v63  }
0x46: {  	_ =	swait.ge [sflag:s23], $0x80  }
0x47: {  	[sflag:s23] =	ssyncset.done $0x0  }
0x48: {  	[sflag:s23] =	ssyncadd.s32 $0xFFFFFF80  }
0x49: {  	_ =	swait.ge [sflag:s24], $0x4000  }
0x4a: {  	[sflag:s24] =	ssyncset.done $0x0  }
0x4b: {  	[sflag:s24] =	ssyncadd.s32 $0xFFFFC000  }
0x4c: {  	[spmem:s2] =	stream.indirect.scatter.add.f32 [tilespmem:s17], [sflag:$0x5], $0x80, s20, s19, $0xb8;
	[tilespmem:$0x1E900] =	vst v63  }
0x4d: {  	_ =	swait.ge [sflag:s18], $0x4000  }
0x4e: {  	[sflag:s18] =	ssyncset.done $0x0  }
0x4f: {  	s29 =	simm.s32 $0x100;
	[sflag:s18] =	ssyncadd.s32 $0xFFFFC000  }
0x50: {  	[tilespmem:s17], [sflag:$0x1] =	stream.indirect.gather [hbm4b:s4+s19], $0x80, s29, s19, $0xb8;
	[tilespmem:$0x1E900] =	vst v63  }
0x51: {  	s29 =	sadd.s32 $0x0, s15  }
0x52: {  	[tilespmem:s20], [sflag:$0x3] =	stream.linear.gather [hbm4b:s29+s3], $0x80, $0x38;
	[tilespmem:$0x1E900] =	vst v63  }
0x53: {  	_ =	swait.ge [sflag:s25], $0x80  }
0x54: {  	[sflag:s25] =	ssyncset.done $0x0  }
0x55: {  	[sflag:s25] =	ssyncadd.s32 $0xFFFFFF80  }
0x56: {  	_ =	swait.ge [sflag:s26], $0x4000  }
0x57: {  	[sflag:s26] =	ssyncset.done $0x0  }
0x58: {  	[sflag:s26] =	ssyncadd.s32 $0xFFFFC000  }
0x59: {  	[spmem:s2] =	stream.indirect.scatter.add.f32 [tilespmem:s21], [sflag:$0x5], $0x80, s22, s19, $0xb8;
	[tilespmem:$0x1E900] =	vst v63  }
0x5a: {  	_ =	swait.ge [sflag:s18], $0x4000  }
0x5b: {  	[sflag:s18] =	ssyncset.done $0x0  }
0x5c: {  	s29 =	simm.s32 $0x180;
	[sflag:s18] =	ssyncadd.s32 $0xFFFFC000  }
0x5d: {  	[tilespmem:s21], [sflag:$0x2] =	stream.indirect.gather [hbm4b:s4+s19], $0x80, s29, s19, $0xb8;
	[tilespmem:$0x1E900] =	vst v63  }
0x5e: {  	s31 =	sadd.s32 $0x0, s16;
	s30 =	simm.s32 $0x200;
	s29 =	simm.s32 $0x20  }
.LBB2_4:
0x5f: {  	[tilespmem:s22], [sflag:$0x4] =	stream.linear.gather [hbm4b:s31+s3], $0x80, $0x38;
	[tilespmem:$0x1E900] =	vst v63  }
0x60: {  	s31 =	smov.u32 s29  }
0x61: {  	p0 =	sne.s32 s29, $0x4C0;
	s29 =	sadd.s32 $0x20, s29;
	_ =	swait.ge [sflag:s23], $0x80  }
0x62: {  	[sflag:s23] =	ssyncset.done $0x0  }
0x63: {  	[sflag:s23] =	ssyncadd.s32 $0xFFFFFF80  }
0x64: {  	_ =	swait.ge [sflag:s24], $0x4000  }
0x65: {  	[sflag:s24] =	ssyncset.done $0x0  }
0x66: {  	[sflag:s24] =	ssyncadd.s32 $0xFFFFC000  }
0x67: {  	[spmem:s2] =	stream.indirect.scatter.add.f32 [tilespmem:s17], [sflag:$0x5], $0x80, s20, s19, $0xb8;
	[tilespmem:$0x1E900] =	vst v63  }
0x68: {  	_ =	swait.ge [sflag:s18], $0x4000  }
0x69: {  	[sflag:s18] =	ssyncset.done $0x0  }
0x6a: {  	[sflag:s18] =	ssyncadd.s32 $0xFFFFC000  }
0x6b: {  	[tilespmem:s17], [sflag:$0x1] =	stream.indirect.gather [hbm4b:s4+s19], $0x80, s30, s19, $0xb8;
	[tilespmem:$0x1E900] =	vst v63  }
0x6c: {  	s0 =	sadd.s32 s31, s15  }
0x6d: {  	[tilespmem:s20], [sflag:$0x3] =	stream.linear.gather [hbm4b:s0+s3], $0x80, $0x38;
	[tilespmem:$0x1E900] =	vst v63  }
0x6e: {  	_ =	swait.ge [sflag:s25], $0x80  }
0x6f: {  	[sflag:s25] =	ssyncset.done $0x0  }
0x70: {  	[sflag:s25] =	ssyncadd.s32 $0xFFFFFF80  }
0x71: {  	_ =	swait.ge [sflag:s26], $0x4000  }
0x72: {  	[sflag:s26] =	ssyncset.done $0x0  }
0x73: {  	[sflag:s26] =	ssyncadd.s32 $0xFFFFC000  }
0x74: {  	[spmem:s2] =	stream.indirect.scatter.add.f32 [tilespmem:s21], [sflag:$0x5], $0x80, s22, s19, $0xb8;
	[tilespmem:$0x1E900] =	vst v63  }
.Ltmp1:
0x75: {  	_ =	swait.ge [sflag:s18], $0x4000;
	(pc) =	sbr.rel @p0 .LBB2_4-.Ltmp1, $4  }
0x76: {  	[sflag:s18] =	ssyncset.done $0x0  }
0x77: {  	s0 =	sadd.s32 $0x80, s30;
	[sflag:s18] =	ssyncadd.s32 $0xFFFFC000  }
0x78: {  	[tilespmem:s21], [sflag:$0x2] =	stream.indirect.gather [hbm4b:s4+s19], $0x80, s0, s19, $0xb8;
	[tilespmem:$0x1E900] =	vst v63  }
0x79: {  	s31 =	sadd.s32 s31, s16;
	s30 =	sadd.s32 $0x100, s30  }
0x7a: {  	[tilespmem:s22], [sflag:$0x4] =	stream.linear.gather [hbm4b:s31+s3], $0x80, $0x38;
	[tilespmem:$0x1E900] =	vst v63  }
0x7b: {  	_ =	swait.ge [sflag:s23], $0x80  }
0x7c: {  	[sflag:s23] =	ssyncset.done $0x0  }
0x7d: {  	[sflag:s23] =	ssyncadd.s32 $0xFFFFFF80  }
0x7e: {  	_ =	swait.ge [sflag:s24], $0x4000  }
0x7f: {  	[sflag:s24] =	ssyncset.done $0x0  }
0x80: {  	[sflag:s24] =	ssyncadd.s32 $0xFFFFC000  }
0x81: {  	[spmem:s2] =	stream.indirect.scatter.add.f32 [tilespmem:s17], [sflag:$0x5], $0x80, s20, s19, $0xb8;
	[tilespmem:$0x1E900] =	vst v63  }
0x82: {  	_ =	swait.ge [sflag:s18], $0x4000  }
0x83: {  	[sflag:s18] =	ssyncset.done $0x0  }
0x84: {  	[sflag:s18] =	ssyncadd.s32 $0xFFFFC000  }
0x85: {  	[tilespmem:s17], [sflag:$0x1] =	stream.indirect.gather [hbm4b:s4+s19], $0x80, s3, s19, $0xb8;
	[tilespmem:$0x1E900] =	vst v63  }
0x86: {  	_ = 	snop  }
0x87: {  	[tilespmem:s20], [sflag:$0x3] =	stream.linear.gather [hbm4b:s10+s3], $0x80, $0x38;
	[tilespmem:$0x1E900] =	vst v63  }
0x88: {  	_ =	swait.ge [sflag:s25], $0x80  }
0x89: {  	[sflag:s25] =	ssyncset.done $0x0  }
0x8a: {  	[sflag:s25] =	ssyncadd.s32 $0xFFFFFF80  }
0x8b: {  	_ =	swait.ge [sflag:s26], $0x4000  }
0x8c: {  	[sflag:s26] =	ssyncset.done $0x0  }
0x8d: {  	[sflag:s26] =	ssyncadd.s32 $0xFFFFC000  }
0x8e: {  	[spmem:s2] =	stream.indirect.scatter.add.f32 [tilespmem:s21], [sflag:$0x5], $0x80, s22, s19, $0xb8;
	[tilespmem:$0x1E900] =	vst v63  }
0x8f: {  	_ =	swait.ge [sflag:s18], $0x4000  }
0x90: {  	[sflag:s18] =	ssyncset.done $0x0  }
0x91: {  	[sflag:s18] =	ssyncadd.s32 $0xFFFFC000  }
0x92: {  	[tilespmem:s21], [sflag:$0x2] =	stream.indirect.gather [hbm4b:s4+s19], $0x80, s19, s19, $0xb8;
	[tilespmem:$0x1E900] =	vst v63  }
0x93: {  	_ = 	snop  }
0x94: {  	[tilespmem:s22], [sflag:$0x4] =	stream.linear.gather [hbm4b:s12+s3], $0x80, $0x38;
	[tilespmem:$0x1E900] =	vst v63  }
0x95: {  	_ =	swait.ge [sflag:s24], $0x4000  }
0x96: {  	[sflag:s24] =	ssyncset.done $0x0  }
0x97: {  	[sflag:s24] =	ssyncadd.s32 $0xFFFFC000  }
0x98: {  	_ =	swait.ge [sflag:s23], $0x80  }
0x99: {  	[sflag:s23] =	ssyncset.done $0x0  }
0x9a: {  	[sflag:s23] =	ssyncadd.s32 $0xFFFFFF80  }
0x9b: {  	_ =	swait.ge [sflag:s26], $0x4000  }
0x9c: {  	[sflag:s26] =	ssyncset.done $0x0  }
0x9d: {  	[sflag:s26] =	ssyncadd.s32 $0xFFFFC000  }
0x9e: {  	_ =	swait.ge [sflag:s25], $0x80  }
0x9f: {  	s0 =	sshll.u32 s1, $0x6;
	s28 =	sadd.s32 $0x1, s28;
	[sflag:s25] =	ssyncset.done $0x0  }
0xa0: {  	s29 =	sshrl.u32 s5, $0x3;
	p0 =	sne.s32 s28, s14;
	[sflag:s25] =	ssyncadd.s32 $0xFFFFFF80  }
.Ltmp2:
0xa1: {  	s0 =	sor.u32 $0x1C05, s0;
	[bflag:$0x0] =	sbarrier.arrive $0xFFFF;
	(pc) =	sbr.rel @p0 .LBB2_1-.Ltmp2, $4  }
0xa2: {  	[hbm:s13], [sflag:s0] =	dma.local [spmem:s29], $0x2800  }
0xa3: {  	_ =	swait.ge [sflag:s18], $0x2800  }
0xa4: {  	[sflag:s18] =	ssyncset.done $0x0  }
0xa5: {  	[sflag:s18] =	ssyncadd.s32 $0xFFFFD800  }
0xa6: {  	_ =	sfence.sel $0x180000  }
0xa7: {  	[bflag:$0x0] =	sbarrier.arrive $0xFFFF  }
0xa8: {  	_ =	strace $0x9000004D  }
0xa9: {  	[bflag:$0x2] =	sbarrier.arrive $0xFFFF  }
0xaa: {  	p0 =	sne.s32 s1, $0x0;
	s0 =	rddreg [dreg:$0x3]  }
0xab: {  	s0 =	sadd.s32 @!p0 $0x100000, s0  }
0xac: {  	[sflag:s0] =	ssyncadd.tile.s32 @!p0 $0x1;
	_ =	shalt  }
.Lfunc_end2:
_tile_overlayer_lowered:
.L_overlay_start_2:
0xad: {  	(tag) =	ssettag $0x2  }
0xae: {  	s0 =	rddreg [dreg:$0x0];
	s2 =	stileid.u32  }
0xaf: {  	s1 =	rddreg [dreg:$0x1];
	p0 =	sne.s32 s2, $0x0  }
0xb0: {  	s3 =	rddreg [dreg:$0x2];
	[bflag:$0x3] =	sbarrier.arrive $0xFFFF;
	s2 =	simm.s32 @!p0 $0x1C05  }
0xb1: {  	[timem:s3], [sflag:s2] =	dma.local @!p0 [hbm:s0], s1  }
0xb2: {  	s0 =	simm.s32 @!p0 $0x5  }
0xb3: {  	_ =	swait.ge @!p0 [sflag:s0], s1  }
0xb4: {  	s1 =	ssub.s32 @!p0 $0x0, s1;
	[sflag:s0] =	ssyncset.done @!p0 $0x0  }
0xb5: {  	[sflag:s0] =	ssyncadd.s32 @!p0 s1  }
0xb6: {  	[bflag:$0x3] =	sbarrier.arrive $0xFFFF  }
0xb7: {  	_ =	shalt  }

// kernel: kernel.8.cloned.1.call-start
scs
__scs_entry_jumppad:
0x0: {  	(pc) =	sbr.rel $0x88, $3  }
0x1: {  	(tag) =	ssettag $0x0;
	lr =	simm.s32 $0x1  }
0x2: {  	[smem:$0x3F9B] =	sst lr;
	_ =	strace $0xD0000000  }
0x3: {  	_ = 	snop  }
0x4: {  	_ = 	snop  }
0x5: {  	_ = 	snop  }
0x6: {  	_ = 	snop  }
0x7: {  	_ = 	snop  }
__scs_overlays_trampoline_lowered:
0x8: {  	[smem:$0x3FAA] =	sst s0  }
0x9: {  	[smem:$0x3FAB] =	sst s1  }
0xa: {  	[smem:$0x3FAC] =	sst s2  }
0xb: {  	[smem:$0x3FAD] =	sst s3  }
0xc: {  	[smem:$0x3FAE] =	sst s4  }
0xd: {  	[smem:$0x3FAF] =	sst s5  }
0xe: {  	[smem:$0x3FB0] =	sst s6  }
0xf: {  	[smem:$0x3FB1] =	sst s7  }
0x10: {  	[smem:$0x3FB2] =	sst s8  }
0x11: {  	[smem:$0x3FB3] =	sst s9;
	s0 =	simm.s32 @!p0 $0x0  }
0x12: {  	s1 =	sld [smem:$0x3F99];
	s0 =	simm.s32 @p0 $0x1  }
0x13: {  	[smem:$0x3FB4] =	sst s0;
	s0 =	simm.s32 @!p1 $0x0  }
0x14: {  	s2 =	sld [smem:$0x3F98];
	s0 =	simm.s32 @p1 $0x1  }
0x15: {  	[smem:$0x3FB5] =	sst s0;
	s0 =	simm.s32 @!p2 $0x0  }
0x16: {  	s3 =	sld [smem:$0x3FDB];
	s0 =	simm.s32 @p2 $0x1  }
0x17: {  	s4 =	simm.s32 $0x1BF5;
	[smem:$0x3FB7] =	sst s0  }
0x18: {  	s0 =	sld [smem:$0x3F9A];
	_ =	swait.ge [sflag:s4], $0x0  }
0x19: {  	s7 =	sld [smem:$0x3F9B]  }
0x1a: {  	s8 =	sadd.s32 $0xFFFFE003, lr  }
0x1b: {  	s9 =	sadd.s32 $0xFFFFFEF7, lr;
	s5 =	simm.s32 $0xFFFFFFFF;
	p2 =	slt.u32 s8, $0xFFFFF086  }
0x1c: {  	p1 =	slt.u32 s9, $0xF7A;
	s5 =	simm.s32 @!p2 $0x0  }
0x1d: {  	s5 =	simm.s32 @p1 $0x1;
	p0 =	seq.s32 s7, s2  }
0x1e: {  	s7 =	smul.u32 @!p0 $0xF7A, s2;
	p2 =	seq.s32 @!p0 s5, $0x0  }
0x1f: {  	s9 =	smul.u32 $0xF7A, s1;
	s8 =	simm.s32 @!p0 $0x1BF5;
	p2 =	por !p2, p0  }
0x20: {  	[sflag:s8] =	ssyncset.s32 @!p0 $0xFFFFF086;
	s6 =	sadd.s32 @!p0 s3, s7;
	s7 =	simm.s32 @!p0 $0x108  }
0x21: {  	s3 =	sadd.s32 s3, s9;
	s6 =	sadd.s32 @!p0 $0x88, s6;
	s7 =	simm.s32 @p2 $0x1082  }
0x22: {  	[simem:s7], [sflag:s8] =	dma.local @!p0 [hbm:s6], $0xF7A  }
0x23: {  	s9 =	sor.u32 $0xD0000000, s2;
	s6 =	simm.s32 $0x108;
	_ =	swait.ge @!p0 [sflag:s8], $0x0  }
0x24: {  	s3 =	sadd.s32 $0x88, s3;
	s6 =	simm.s32 @!p1 $0x1082;
	[sflag:s4] =	ssyncset.s32 $0xFFFFF086  }
0x25: {  	[simem:s6], [sflag:s4] =	dma.local [hbm:s3], $0xF7A  }
0x26: {  	[smem:$0x3F9B] =	sst s1;
	(tag) =	ssettag s2;
	_ =	strace s9  }
0x27: {  	s1 =	sld [smem:$0x3FAB]  }
0x28: {  	s2 =	sld [smem:$0x3FAC]  }
0x29: {  	s4 =	sld [smem:$0x3FAE]  }
0x2a: {  	p0 =	seq.s32 s5, $0x0;
	s5 =	sld [smem:$0x3FAF]  }
0x2b: {  	s6 =	sld [smem:$0x3FB0]  }
0x2c: {  	s7 =	sld [smem:$0x3FB1]  }
0x2d: {  	s3 =	simm.s32 $0x108;
	s8 =	sld [smem:$0x3FB2]  }
0x2e: {  	s3 =	simm.s32 @!p0 $0x1082;
	s9 =	sld [smem:$0x3FB3]  }
0x2f: {  	lr =	sadd.s32 s0, s3;
	s0 =	sld [smem:$0x3FAA]  }
0x30: {  	s3 =	sld [smem:$0x3FAD]  }
0x31: {  	[smem:$0x3FB6] =	sst s10  }
0x32: {  	s10 =	sld [smem:$0x3FB4];
	_ =	sdelay $0x3  }
0x33: {  	p0 =	seq.s32 s10, $0x1;
	s10 =	sld [smem:$0x3FB6];
	_ =	sdelay $0x3  }
0x34: {  	[smem:$0x3FB6] =	sst s10  }
0x35: {  	s10 =	sld [smem:$0x3FB5];
	_ =	sdelay $0x3  }
0x36: {  	p1 =	seq.s32 s10, $0x1;
	s10 =	sld [smem:$0x3FB6];
	_ =	sdelay $0x3  }
0x37: {  	[smem:$0x3FB6] =	sst s10  }
0x38: {  	s10 =	sld [smem:$0x3FB7]  }
0x39: {  	_ = 	snop;
	(pc) =	sbr.ind lr, $3  }
0x3a: {  	_ = 	snop  }
0x3b: {  	_ = 	snop  }
0x3c: {  	p2 =	seq.s32 s10, $0x1;
	s10 =	sld [smem:$0x3FB6]  }
0x3d: {  	_ =	shalt  }
0x3e: {  	_ =	shalt  }
0x3f: {  	_ =	shalt  }
0x40: {  	_ =	shalt  }
0x41: {  	_ =	shalt  }
0x42: {  	_ =	shalt  }
0x43: {  	_ =	shalt  }
0x44: {  	_ =	shalt  }
0x45: {  	_ =	shalt  }
0x46: {  	_ =	shalt  }
0x47: {  	_ =	shalt  }
0x48: {  	_ =	shalt  }
0x49: {  	_ =	shalt  }
0x4a: {  	_ =	shalt  }
0x4b: {  	_ =	shalt  }
0x4c: {  	_ =	shalt  }
0x4d: {  	_ =	shalt  }
0x4e: {  	_ =	shalt  }
0x4f: {  	_ =	shalt  }
0x50: {  	_ =	shalt  }
0x51: {  	_ =	shalt  }
0x52: {  	_ =	shalt  }
0x53: {  	_ =	shalt  }
0x54: {  	_ =	shalt  }
0x55: {  	_ =	shalt  }
0x56: {  	_ =	shalt  }
0x57: {  	_ =	shalt  }
0x58: {  	_ =	shalt  }
0x59: {  	_ =	shalt  }
0x5a: {  	_ =	shalt  }
0x5b: {  	_ =	shalt  }
0x5c: {  	_ =	shalt  }
0x5d: {  	_ =	shalt  }
0x5e: {  	_ =	shalt  }
0x5f: {  	_ =	shalt  }
0x60: {  	_ =	shalt  }
0x61: {  	_ =	shalt  }
0x62: {  	_ =	shalt  }
0x63: {  	_ =	shalt  }
0x64: {  	_ =	shalt  }
0x65: {  	_ =	shalt  }
0x66: {  	_ =	shalt  }
0x67: {  	_ =	shalt  }
0x68: {  	_ =	shalt  }
0x69: {  	_ =	shalt  }
0x6a: {  	_ =	shalt  }
0x6b: {  	_ =	shalt  }
0x6c: {  	_ =	shalt  }
0x6d: {  	_ =	shalt  }
0x6e: {  	_ =	shalt  }
0x6f: {  	_ =	shalt  }
0x70: {  	_ =	shalt  }
0x71: {  	_ =	shalt  }
0x72: {  	_ =	shalt  }
0x73: {  	_ =	shalt  }
0x74: {  	_ =	shalt  }
0x75: {  	_ =	shalt  }
0x76: {  	_ =	shalt  }
0x77: {  	_ =	shalt  }
0x78: {  	_ =	shalt  }
0x79: {  	_ =	shalt  }
0x7a: {  	_ =	shalt  }
0x7b: {  	_ =	shalt  }
0x7c: {  	_ =	shalt  }
0x7d: {  	_ =	shalt  }
0x7e: {  	_ =	shalt  }
0x7f: {  	_ =	shalt  }
0x80: {  	_ =	shalt  }
0x81: {  	_ =	shalt  }
0x82: {  	_ =	shalt  }
0x83: {  	_ =	shalt  }
0x84: {  	_ =	shalt  }
0x85: {  	_ =	shalt  }
0x86: {  	_ =	shalt  }
0x87: {  	_ =	shalt  }
.Lfunc_end0:
.L_simem_size_0:
called_computation_lowered:
.L_overlay_start_0:
0x88: {  	s2 =	sld [smem:$0x3FD9]  }
0x89: {  	s3 =	sld [smem:$0x3FFE];
	_ =	sdelay $0x1  }
0x8a: {  	s1 =	srdreg.scid  }
0x8b: {  	s0 =	sand.u32 $0x1, s1  }
0x8c: {  	s17 =	sshll.u32 s0, $0xA;
	s2 =	sadd.s32 s3, s2  }
0x8d: {  	s2 =	sadd.s32 s2, s17  }
0x8e: {  	[smem:$0x3FC2] =	sst s2  }
0x8f: {  	_ = 	snop  }
0x90: {  	s2 =	sld [smem:$0x3FD0];
	(tm) =	ssettm $0x1  }
0x91: {  	s18 =	sld [smem:$0x3FFB];
	_ =	sdelay $0x3  }
0x92: {  	_ =	strace s18  }
0x93: {  	s3 =	sld [smem:$0x3FFC];
	_ =	sdelay $0x3  }
0x94: {  	_ =	strace s3  }
0x95: {  	s3 =	sld [smem:$0x3FFD];
	_ =	sdelay $0x3  }
0x96: {  	_ =	strace s3  }
0x97: {  	_ =	strace $0x8FFFFFFF  }
0x98: {  	s19 =	sld [smem:$0x3FDB];
	_ =	sdelay $0x1  }
0x99: {  	s4 =	simm.s32 $_scs_section_size  }
0x9a: {  	s5 =	simm.s32 $_size__tile_overlayer_lowered;
	s6 =	simm.s32 $_tile_overlayer_lowered  }
0x9b: {  	s22 =	simm.s32 $0x1BFF;
	s21 =	sshll.u32 s6, $0x1;
	s3 =	sadd.s32 s4, s19  }
0x9c: {  	s7 =	simm.s32 $0x0;
	s20 =	sshll.u32 s5, $0x1;
	s5 =	sadd.s32 s21, s3  }
0x9d: {  	[timem:s7], [sflag:s22] =	dma.local [hbm:s5], s20  }
0x9e: {  	_ =	swait.ge [sflag:s22], s20  }
0x9f: {  	s4 =	ssub.s32 $0x0, s20;
	[sflag:s22] =	ssyncset.done $0x0  }
0xa0: {  	[sflag:s22] =	ssyncadd.s32 s4;
	_ =	sdelay $0x1  }
0xa1: {  	s23 =	simm.s32 $0x1B8B  }
0xa2: {  	_ =	swait.ge [sflag:s23], $0x1  }
0xa3: {  	[sflag:s23] =	ssyncset.done $0x0  }
0xa4: {  	s25 =	simm.s32 $0x1B8E;
	s24 =	sld [smem:$0x3FFE];
	[sflag:s23] =	ssyncadd.s32 $0xFFFFFFFF  }
0xa5: {  	s26 =	simm.s32 $execute0_lowered;
	[smem:$0x3FD2] =	sst s25  }
0xa6: {  	s5 =	sshll.u32 s26, $0x1;
	_ =	strace $0x80000046;
	[dreg:$0x1] =	wrdreg $0xFFFFFFFF  }
0xa7: {  	s28 =	simm.s32 $_size_execute0_lowered;
	s3 =	sadd.s32 s3, s5;
	[dreg:$0x0] =	wrdreg $0x0  }
0xa8: {  	s5 =	sshll.u32 s28, $0x1;
	[dreg:$0x2] =	wrdreg s3  }
0xa9: {  	[dreg:$0x3] =	wrdreg s5  }
0xaa: {  	[dreg:$0x4] =	wrdreg $0xC0  }
0xab: {  	_ =	task [dreg:s7], $0x5FFFF  }
0xac: {  	[dreg:$0x1] =	wrdreg $0xFFFFFFFF  }
0xad: {  	[dreg:$0x0] =	wrdreg $0x60  }
0xae: {  	[dreg:$0x2] =	wrdreg s24  }
0xaf: {  	[dreg:$0x3] =	wrdreg s2  }
0xb0: {  	[dreg:$0x4] =	wrdreg $0x5000  }
0xb1: {  	[dreg:$0x5] =	wrdreg $0x7800  }
0xb2: {  	[dreg:$0x6] =	wrdreg $0x9  }
0xb3: {  	_ =	task.clear_ibuf [dreg:s7], $0x7FFFF;
	_ =	strace $0x90000046  }
0xb4: {  	s29 =	simm.s32 $0x9;
	_ =	strace $0x80000048  }
0xb5: {  	_ =	swait.ge [sflag:s29], $0x1  }
0xb6: {  	[sflag:s29] =	ssyncadd.s32 $0xFFFFFFFF  }
0xb7: {  	_ =	strace $0x90000048  }
0xb8: {  	_ =	sfence  }
0xb9: {  	s30 =	sld [smem:$0x0];
	_ =	sdelay $0x2  }
0xba: {  	s31 =	sshll.u32 s1, $0xD;
	s1 =	sshrl.u32 s1, $0x2  }
0xbb: {  	s3 =	sand.u32 $0x4000, s31;
	s1 =	sadd.s32 s1, s30  }
0xbc: {  	s0 =	sor.u32 s3, s0;
	s1 =	sshll.u32 s1, $0x11  }
0xbd: {  	s0 =	sor.u32 s1, s0  }
0xbe: {  	s0 =	sadd.s32 $0x8F2B, s0  }
0xbf: {  	[sflag:s0] =	ssyncadd.remote.s32 $0x1  }
0xc0: {  	_ =	sfence.sel $0xFFFF  }
0xc1: {  	[dreg:$0x0] =	wrdreg $0xFFFFFFFF;
	(pc) =	sbr.abs _section_cstart, $3  }
0xc2: {  	[dreg:$0x1] =	wrdreg $0xFFFFFFFF  }
0xc3: {  	_ =	task.clear_ibuf [dreg:s7], $0x2FFFF;
	_ =	strace $0x9FFFFFFF  }
0xc4: {  	(tm) =	ssettm $0x7FFFFFFF  }
0xc5: {  	_ =	shalt  }
tec
execute0_lowered:
.L_overlay_start_1:
0x0: {  	(tag) =	ssettag $0x1  }
0x1: {  	s0 =	rddreg [dreg:$0x0]  }
0x2: {  	s1 =	rddreg [dreg:$0x1]  }
0x3: {  	s2 =	rddreg [dreg:$0x2]  }
0x4: {  	s4 =	srdreg.scid;
	s3 =	rddreg [dreg:$0x3]  }
0x5: {  	s10 =	stileid.u32;
	s18 =	simm.s32 $0x280;
	s19 =	simm.s32 $0x5  }
0x6: {  	s28 =	simm.s32 $0x4;
	s29 =	simm.s32 $0x20;
	s7 =	smul.u32 $0x500, s10  }
0x7: {  	s30 =	simm.s32 $0x10;
	s31 =	simm.s32 $0x0;
	s9 =	smul.u32 $0x280, s10  }
0x8: {  	s6 =	sand.u32 $0x1, s4;
	s4 =	simm.s32 $0x0;
	s12 =	smul.u32 $0x2800, s10  }
0x9: {  	s17 =	sadd.s32 $0x2400, s0;
	s5 =	smul.u32 $0x5000, s6;
	[smem:$0x7FF] =	sst s4  }
0xa: {  	s20 =	sshll.u32 s6, $0x4;
	s8 =	ssub.s32 $0x2, s6;
	s11 =	smul.u32 $0x28000, s6  }
0xb: {  	_ =	strace $0x80000047;
	s21 =	sshrl.u32 s8, $0x1;
	s6 =	sadd.s32 s9, s3  }
0xc: {  	s5 =	sadd.s32 s7, s5;
	s7 =	sor.u32 s10, s20;
	s13 =	ssub.s32 s8, s21  }
0xd: {  	s14 =	sadd.s32 s12, s11;
	s20 =	simm.s32 $0x100;
	s21 =	simm.s32 $0x80  }
0xe: {  	s5 =	sshrl.u32 s5, $0x3;
	s7 =	smul.u32 $0x2800, s7;
	s25 =	sor.u32 $0x100, s14  }
0xf: {  	s13 =	smax.u32 s13, $0x1;
	s16 =	sor.u32 $0x180, s14;
	s0 =	sadd.s32 s5, s0  }
0x10: {  	s5 =	sadd.s32 s9, s2;
	s26 =	sshrl.u32 s16, $0x3;
	s22 =	sshrl.u32 s7, $0x3  }
0x11: {  	s24 =	sadd.s32 $0xC400, s0;
	s12 =	sadd.s32 $0xC410, s0;
	s0 =	sshrl.u32 s25, $0x3  }
0x12: {  	s16 =	sadd.s32 s26, s1;
	s25 =	simm.s32 $0x3;
	s7 =	sadd.s32 s17, s22  }
0x13: {  	s8 =	sadd.s32 s1, s22;
	s23 =	sor.u32 $0x10, s22;
	[dreg:$0x5] =	wrdreg s24  }
0x14: {  	s14 =	sadd.s32 s0, s1;
	s15 =	sadd.s32 s0, s17;
	s22 =	simm.s32 $0x180  }
0x15: {  	s24 =	simm.s32 $0x200;
	s9 =	sadd.s32 s17, s23;
	s10 =	sadd.s32 s1, s23  }
0x16: {  	v0 =	vimm.f32 $1.000000000e+00;
	v1 =	vimm.f32 $0.0e+00;
	s17 =	sadd.s32 s26, s17;
	s23 =	simm.s32 $0x1;
	s26 =	simm.s32 $0x2  }
.LBB2_1:
0x17: {  	[tilespmem:$0x200] =	vst v0  }
0x18: {  	[tilespmem:$0x210] =	vst v0  }
0x19: {  	[tilespmem:$0x220] =	vst v0  }
0x1a: {  	[tilespmem:$0x230] =	vst v0  }
0x1b: {  	[tilespmem:$0x240] =	vst v0  }
0x1c: {  	[tilespmem:$0x250] =	vst v0  }
0x1d: {  	[tilespmem:$0x260] =	vst v0  }
0x1e: {  	[tilespmem:$0x270] =	vst v0  }
0x1f: {  	[tilespmem:$0x280] =	vst v1  }
0x20: {  	[tilespmem:$0x290] =	vst v1  }
0x21: {  	[tilespmem:$0x2A0] =	vst v1  }
0x22: {  	[tilespmem:$0x2B0] =	vst v1  }
0x23: {  	[tilespmem:$0x2C0] =	vst v1  }
0x24: {  	[tilespmem:$0x2D0] =	vst v1  }
0x25: {  	[tilespmem:$0x2E0] =	vst v1  }
0x26: {  	[tilespmem:$0x2F0] =	vst v1  }
0x27: {  	[tilespmem:$0x300] =	vst v1  }
0x28: {  	[tilespmem:$0x310] =	vst v1  }
0x29: {  	[tilespmem:$0x320] =	vst v1  }
0x2a: {  	[tilespmem:$0x330] =	vst v1  }
0x2b: {  	[tilespmem:$0x340] =	vst v1  }
0x2c: {  	[tilespmem:$0x350] =	vst v1  }
0x2d: {  	[tilespmem:$0x360] =	vst v1  }
0x2e: {  	[tilespmem:$0x370] =	vst v1  }
0x2f: {  	[tilespmem:$0x380] =	vst v1  }
0x30: {  	[tilespmem:$0x390] =	vst v1  }
0x31: {  	[tilespmem:$0x3A0] =	vst v1  }
0x32: {  	[tilespmem:$0x3B0] =	vst v1  }
0x33: {  	[tilespmem:$0x3C0] =	vst v1  }
0x34: {  	[tilespmem:$0x3D0] =	vst v1  }
0x35: {  	[tilespmem:$0x3E0] =	vst v1  }
0x36: {  	[tilespmem:$0x3F0] =	vst v1  }
0x37: {  	[tilespmem:$0x400] =	vst v1  }
0x38: {  	[tilespmem:$0x410] =	vst v1  }
0x39: {  	[tilespmem:$0x420] =	vst v1  }
0x3a: {  	[tilespmem:$0x430] =	vst v1  }
0x3b: {  	[tilespmem:$0x440] =	vst v1  }
0x3c: {  	[tilespmem:$0x450] =	vst v1  }
0x3d: {  	[tilespmem:$0x460] =	vst v1  }
0x3e: {  	[tilespmem:$0x470] =	vst v1  }
0x3f: {  	[tilespmem:$0x480] =	vst v1  }
0x40: {  	[tilespmem:$0x490] =	vst v1  }
0x41: {  	[tilespmem:$0x4A0] =	vst v1  }
0x42: {  	[tilespmem:$0x4B0] =	vst v1  }
0x43: {  	[tilespmem:$0x4C0] =	vst v1  }
0x44: {  	[tilespmem:$0x4D0] =	vst v1  }
0x45: {  	[tilespmem:$0x4E0] =	vst v1  }
0x46: {  	[tilespmem:$0x4F0] =	vst v1  }
0x47: {  	[spmem:s5] =	stream.linear.scatter [tilespmem:s18], [sflag:$0x5], $0x280, $0x38;
	[tilespmem:$0xA00] =	vst v63  }
0x48: {  	_ =	swait.ge [sflag:s19], $0x280  }
0x49: {  	[sflag:s19] =	ssyncset.done $0x0  }
0x4a: {  	[sflag:s19] =	ssyncadd.s32 $0xFFFFFD80  }
0x4b: {  	[spmem:s6] =	stream.linear.scatter [tilespmem:s18], [sflag:$0x5], $0x280, $0x38;
	[tilespmem:$0xA00] =	vst v63  }
0x4c: {  	_ =	swait.ge [sflag:s19], $0x280  }
0x4d: {  	[sflag:s19] =	ssyncset.done $0x0  }
0x4e: {  	[sflag:s19] =	ssyncadd.s32 $0xFFFFFD80  }
0x4f: {  	[bflag:$0x0] =	sbarrier.arrive $0xFFFF  }
0x50: {  	[tilespmem:s4], [sflag:$0x1] =	stream.linear.gather [hbm4b:s7+s4], $0x80, $0x38;
	[tilespmem:$0xA00] =	vst v63  }
0x51: {  	_ = 	snop  }
0x52: {  	[tilespmem:s20], [sflag:$0x3] =	stream.linear.gather [hbm4b:s8+s4], $0x80, $0x38;
	[tilespmem:$0xA00] =	vst v63  }
0x53: {  	_ = 	snop  }
0x54: {  	[tilespmem:s21], [sflag:$0x2] =	stream.linear.gather [hbm4b:s9+s4], $0x80, $0x38;
	[tilespmem:$0xA00] =	vst v63  }
0x55: {  	_ = 	snop  }
0x56: {  	[tilespmem:s22], [sflag:$0x4] =	stream.linear.gather [hbm4b:s10+s4], $0x80, $0x38;
	[tilespmem:$0xA00] =	vst v63  }
0x57: {  	_ =	swait.ge [sflag:s23], $0x80  }
0x58: {  	[sflag:s23] =	ssyncset.done $0x0  }
0x59: {  	[sflag:s23] =	ssyncadd.s32 $0xFFFFFF80  }
0x5a: {  	[spmem:s2] =	stream.indirect.scatter.add.f32 [tilespmem:s24], [sflag:$0x5], $0x1, s4, s21, $0xb8;
	[tilespmem:$0xA00] =	vst v63  }
0x5b: {  	_ =	swait.ge [sflag:s19], $0x80  }
0x5c: {  	[sflag:s19] =	ssyncset.done $0x0  }
0x5d: {  	s0 =	sadd.s32 $0x0, s15;
	[sflag:s19] =	ssyncadd.s32 $0xFFFFFF80  }
0x5e: {  	[tilespmem:s4], [sflag:$0x1] =	stream.linear.gather [hbm4b:s0+s4], $0x80, $0x38;
	[tilespmem:$0xA00] =	vst v63  }
0x5f: {  	_ =	swait.ge [sflag:s25], $0x80  }
0x60: {  	[sflag:s25] =	ssyncset.done $0x0  }
0x61: {  	[sflag:s25] =	ssyncadd.s32 $0xFFFFFF80  }
0x62: {  	[spmem:s3] =	stream.indirect.scatter.add.f32 [tilespmem:s24], [sflag:$0x5], $0x1, s20, s21, $0xb8;
	[tilespmem:$0xA00] =	vst v63  }
0x63: {  	_ =	swait.ge [sflag:s19], $0x80  }
0x64: {  	[sflag:s19] =	ssyncset.done $0x0  }
0x65: {  	s1 =	sadd.s32 $0x0, s14;
	[sflag:s19] =	ssyncadd.s32 $0xFFFFFF80  }
0x66: {  	[tilespmem:s20], [sflag:$0x3] =	stream.linear.gather [hbm4b:s1+s4], $0x80, $0x38;
	[tilespmem:$0xA00] =	vst v63  }
0x67: {  	_ =	swait.ge [sflag:s26], $0x80  }
0x68: {  	[sflag:s26] =	ssyncset.done $0x0  }
0x69: {  	[sflag:s26] =	ssyncadd.s32 $0xFFFFFF80  }
0x6a: {  	[spmem:s2] =	stream.indirect.scatter.add.f32 [tilespmem:s24], [sflag:$0x5], $0x1, s21, s21, $0xb8;
	[tilespmem:$0xA00] =	vst v63  }
0x6b: {  	_ =	swait.ge [sflag:s19], $0x80  }
0x6c: {  	[sflag:s19] =	ssyncset.done $0x0  }
0x6d: {  	s11 =	sadd.s32 $0x0, s17;
	[sflag:s19] =	ssyncadd.s32 $0xFFFFFF80  }
0x6e: {  	[tilespmem:s21], [sflag:$0x2] =	stream.linear.gather [hbm4b:s11+s4], $0x80, $0x38;
	[tilespmem:$0xA00] =	vst v63  }
0x6f: {  	_ =	swait.ge [sflag:s28], $0x80  }
0x70: {  	[sflag:s28] =	ssyncset.done $0x0  }
0x71: {  	[sflag:s28] =	ssyncadd.s32 $0xFFFFFF80  }
0x72: {  	[spmem:s3] =	stream.indirect.scatter.add.f32 [tilespmem:s24], [sflag:$0x5], $0x1, s22, s21, $0xb8;
	[tilespmem:$0xA00] =	vst v63  }
0x73: {  	_ =	swait.ge [sflag:s19], $0x80  }
0x74: {  	[sflag:s19] =	ssyncset.done $0x0  }
0x75: {  	s0 =	simm.s32 $0x20;
	s1 =	sadd.s32 $0x0, s16;
	[sflag:s19] =	ssyncadd.s32 $0xFFFFFF80  }
.LBB2_2:
0x76: {  	[tilespmem:s22], [sflag:$0x4] =	stream.linear.gather [hbm4b:s1+s4], $0x80, $0x38;
	[tilespmem:$0xA00] =	vst v63  }
0x77: {  	s1 =	smov.u32 s0  }
0x78: {  	p0 =	sne.s32 s0, $0x4C0;
	s0 =	sadd.s32 $0x20, s0;
	_ =	swait.ge [sflag:s23], $0x80  }
0x79: {  	[sflag:s23] =	ssyncset.done $0x0  }
0x7a: {  	[sflag:s23] =	ssyncadd.s32 $0xFFFFFF80  }
0x7b: {  	[spmem:s2] =	stream.indirect.scatter.add.f32 [tilespmem:s24], [sflag:$0x5], $0x1, s4, s21, $0xb8;
	[tilespmem:$0xA00] =	vst v63  }
0x7c: {  	_ =	swait.ge [sflag:s19], $0x80  }
0x7d: {  	[sflag:s19] =	ssyncset.done $0x0  }
0x7e: {  	s11 =	sadd.s32 s1, s15;
	[sflag:s19] =	ssyncadd.s32 $0xFFFFFF80  }
0x7f: {  	[tilespmem:s4], [sflag:$0x1] =	stream.linear.gather [hbm4b:s11+s4], $0x80, $0x38;
	[tilespmem:$0xA00] =	vst v63  }
0x80: {  	_ =	swait.ge [sflag:s25], $0x80  }
0x81: {  	[sflag:s25] =	ssyncset.done $0x0  }
0x82: {  	[sflag:s25] =	ssyncadd.s32 $0xFFFFFF80  }
0x83: {  	[spmem:s3] =	stream.indirect.scatter.add.f32 [tilespmem:s24], [sflag:$0x5], $0x1, s20, s21, $0xb8;
	[tilespmem:$0xA00] =	vst v63  }
0x84: {  	_ =	swait.ge [sflag:s19], $0x80  }
0x85: {  	[sflag:s19] =	ssyncset.done $0x0  }
0x86: {  	s11 =	sadd.s32 s1, s14;
	[sflag:s19] =	ssyncadd.s32 $0xFFFFFF80  }
0x87: {  	[tilespmem:s20], [sflag:$0x3] =	stream.linear.gather [hbm4b:s11+s4], $0x80, $0x38;
	[tilespmem:$0xA00] =	vst v63  }
0x88: {  	_ =	swait.ge [sflag:s26], $0x80  }
0x89: {  	[sflag:s26] =	ssyncset.done $0x0  }
0x8a: {  	[sflag:s26] =	ssyncadd.s32 $0xFFFFFF80  }
0x8b: {  	[spmem:s2] =	stream.indirect.scatter.add.f32 [tilespmem:s24], [sflag:$0x5], $0x1, s21, s21, $0xb8;
	[tilespmem:$0xA00] =	vst v63  }
0x8c: {  	_ =	swait.ge [sflag:s19], $0x80  }
0x8d: {  	[sflag:s19] =	ssyncset.done $0x0  }
0x8e: {  	s11 =	sadd.s32 s1, s17;
	[sflag:s19] =	ssyncadd.s32 $0xFFFFFF80  }
0x8f: {  	[tilespmem:s21], [sflag:$0x2] =	stream.linear.gather [hbm4b:s11+s4], $0x80, $0x38;
	[tilespmem:$0xA00] =	vst v63  }
0x90: {  	_ =	swait.ge [sflag:s28], $0x80  }
0x91: {  	[sflag:s28] =	ssyncset.done $0x0  }
.Ltmp0:
0x92: {  	[sflag:s28] =	ssyncadd.s32 $0xFFFFFF80;
	(pc) =	sbr.rel @p0 .LBB2_2-.Ltmp0, $4  }
0x93: {  	[spmem:s3] =	stream.indirect.scatter.add.f32 [tilespmem:s24], [sflag:$0x5], $0x1, s22, s21, $0xb8;
	[tilespmem:$0xA00] =	vst v63  }
0x94: {  	_ =	swait.ge [sflag:s19], $0x80  }
0x95: {  	[sflag:s19] =	ssyncset.done $0x0  }
0x96: {  	s1 =	sadd.s32 s1, s16;
	[sflag:s19] =	ssyncadd.s32 $0xFFFFFF80  }
0x97: {  	[tilespmem:s22], [sflag:$0x4] =	stream.linear.gather [hbm4b:s1+s4], $0x80, $0x38;
	[tilespmem:$0xA00] =	vst v63  }
0x98: {  	_ =	swait.ge [sflag:s23], $0x80  }
0x99: {  	[sflag:s23] =	ssyncset.done $0x0  }
0x9a: {  	[sflag:s23] =	ssyncadd.s32 $0xFFFFFF80  }
0x9b: {  	[spmem:s2] =	stream.indirect.scatter.add.f32 [tilespmem:s24], [sflag:$0x5], $0x1, s4, s21, $0xb8;
	[tilespmem:$0xA00] =	vst v63  }
0x9c: {  	_ =	swait.ge [sflag:s19], $0x80  }
0x9d: {  	[sflag:s19] =	ssyncset.done $0x0  }
0x9e: {  	[sflag:s19] =	ssyncadd.s32 $0xFFFFFF80  }
0x9f: {  	[tilespmem:s4], [sflag:$0x1] =	stream.linear.gather [hbm4b:s7+s4], $0x80, $0x38;
	[tilespmem:$0xA00] =	vst v63  }
0xa0: {  	_ =	swait.ge [sflag:s25], $0x80  }
0xa1: {  	[sflag:s25] =	ssyncset.done $0x0  }
0xa2: {  	[sflag:s25] =	ssyncadd.s32 $0xFFFFFF80  }
0xa3: {  	[spmem:s3] =	stream.indirect.scatter.add.f32 [tilespmem:s24], [sflag:$0x5], $0x1, s20, s21, $0xb8;
	[tilespmem:$0xA00] =	vst v63  }
0xa4: {  	_ =	swait.ge [sflag:s19], $0x80  }
0xa5: {  	[sflag:s19] =	ssyncset.done $0x0  }
0xa6: {  	[sflag:s19] =	ssyncadd.s32 $0xFFFFFF80  }
0xa7: {  	[tilespmem:s20], [sflag:$0x3] =	stream.linear.gather [hbm4b:s8+s4], $0x80, $0x38;
	[tilespmem:$0xA00] =	vst v63  }
0xa8: {  	_ =	swait.ge [sflag:s26], $0x80  }
0xa9: {  	[sflag:s26] =	ssyncset.done $0x0  }
0xaa: {  	[sflag:s26] =	ssyncadd.s32 $0xFFFFFF80  }
0xab: {  	[spmem:s2] =	stream.indirect.scatter.add.f32 [tilespmem:s24], [sflag:$0x5], $0x1, s21, s21, $0xb8;
	[tilespmem:$0xA00] =	vst v63  }
0xac: {  	_ =	swait.ge [sflag:s19], $0x80  }
0xad: {  	[sflag:s19] =	ssyncset.done $0x0  }
0xae: {  	[sflag:s19] =	ssyncadd.s32 $0xFFFFFF80  }
0xaf: {  	[tilespmem:s21], [sflag:$0x2] =	stream.linear.gather [hbm4b:s9+s4], $0x80, $0x38;
	[tilespmem:$0xA00] =	vst v63  }
0xb0: {  	_ =	swait.ge [sflag:s28], $0x80  }
0xb1: {  	[sflag:s28] =	ssyncset.done $0x0  }
0xb2: {  	[sflag:s28] =	ssyncadd.s32 $0xFFFFFF80  }
0xb3: {  	[spmem:s3] =	stream.indirect.scatter.add.f32 [tilespmem:s24], [sflag:$0x5], $0x1, s22, s21, $0xb8;
	[tilespmem:$0xA00] =	vst v63  }
0xb4: {  	_ =	swait.ge [sflag:s19], $0x80  }
0xb5: {  	[sflag:s19] =	ssyncset.done $0x0  }
0xb6: {  	[sflag:s19] =	ssyncadd.s32 $0xFFFFFF80  }
0xb7: {  	[tilespmem:s22], [sflag:$0x4] =	stream.linear.gather [hbm4b:s10+s4], $0x80, $0x38;
	[tilespmem:$0xA00] =	vst v63  }
0xb8: {  	_ =	swait.ge [sflag:s23], $0x80  }
0xb9: {  	[sflag:s23] =	ssyncset.done $0x0  }
0xba: {  	[sflag:s23] =	ssyncadd.s32 $0xFFFFFF80  }
0xbb: {  	_ =	swait.ge [sflag:s25], $0x80  }
0xbc: {  	[sflag:s25] =	ssyncset.done $0x0  }
0xbd: {  	[sflag:s25] =	ssyncadd.s32 $0xFFFFFF80  }
0xbe: {  	_ =	swait.ge [sflag:s26], $0x80  }
0xbf: {  	[sflag:s26] =	ssyncset.done $0x0  }
0xc0: {  	[sflag:s26] =	ssyncadd.s32 $0xFFFFFF80  }
0xc1: {  	_ =	swait.ge [sflag:s28], $0x80  }
0xc2: {  	[sflag:s28] =	ssyncset.done $0x0  }
0xc3: {  	s0 =	stileid.u32;
	[sflag:s28] =	ssyncadd.s32 $0xFFFFFF80  }
0xc4: {  	s0 =	sshll.u32 s0, $0x6;
	[bflag:$0x0] =	sbarrier.arrive $0xFFFF  }
0xc5: {  	s1 =	sshrl.u32 s5, $0x3;
	s0 =	sor.u32 $0x1C05, s0;
	s11 =	rddreg [dreg:$0x5]  }
0xc6: {  	[hbm:s11@s29], [sflag:s0] =	dma.strided [spmem:s1@s30], $0x50, s23, $0x10   }
0xc7: {  	s31 =	sadd.s32 $0x1, s31;
	_ =	swait.ge [sflag:s19], $0x50  }
0xc8: {  	p0 =	sne.s32 s31, s13;
	[sflag:s19] =	ssyncset.done $0x0  }
.Ltmp1:
0xc9: {  	s11 =	sshrl.u32 s6, $0x3;
	[sflag:s19] =	ssyncadd.s32 $0xFFFFFFB0;
	(pc) =	sbr.rel @p0 .LBB2_1-.Ltmp1, $4  }
0xca: {  	[hbm:s12@s29], [sflag:s0] =	dma.strided [spmem:s11@s30], $0x50, s23, $0x10   }
0xcb: {  	_ =	swait.ge [sflag:s19], $0x50  }
0xcc: {  	[sflag:s19] =	ssyncset.done $0x0  }
0xcd: {  	[sflag:s19] =	ssyncadd.s32 $0xFFFFFFB0  }
0xce: {  	_ =	sfence.sel $0x180000  }
0xcf: {  	[bflag:$0x0] =	sbarrier.arrive $0xFFFF  }
0xd0: {  	_ =	strace $0x90000047  }
0xd1: {  	s0 =	stileid.u32;
	[bflag:$0x2] =	sbarrier.arrive $0xFFFF  }
0xd2: {  	p0 =	sne.s32 s0, $0x0;
	s0 =	rddreg [dreg:$0x4]  }
0xd3: {  	s0 =	sadd.s32 @!p0 $0x100000, s0  }
0xd4: {  	[sflag:s0] =	ssyncadd.tile.s32 @!p0 $0x1;
	_ =	shalt  }
.Lfunc_end2:
_tile_overlayer_lowered:
.L_overlay_start_2:
0xd5: {  	(tag) =	ssettag $0x2  }
0xd6: {  	s0 =	rddreg [dreg:$0x0];
	s2 =	stileid.u32  }
0xd7: {  	s1 =	rddreg [dreg:$0x1];
	p0 =	sne.s32 s2, $0x0  }
0xd8: {  	s3 =	rddreg [dreg:$0x2];
	[bflag:$0x3] =	sbarrier.arrive $0xFFFF;
	s2 =	simm.s32 @!p0 $0x1C05  }
0xd9: {  	[timem:s3], [sflag:s2] =	dma.local @!p0 [hbm:s0], s1  }
0xda: {  	s0 =	simm.s32 @!p0 $0x5  }
0xdb: {  	_ =	swait.ge @!p0 [sflag:s0], s1  }
0xdc: {  	s1 =	ssub.s32 @!p0 $0x0, s1;
	[sflag:s0] =	ssyncset.done @!p0 $0x0  }
0xdd: {  	[sflag:s0] =	ssyncadd.s32 @!p0 s1  }
0xde: {  	[bflag:$0x3] =	sbarrier.arrive $0xFFFF  }
0xdf: {  	_ =	shalt  }

</sc_bundles>
